<compile_context>
chip_gen: v7x
topology: tpu7x:2x2x1
jax: 0.10.2.dev20260603
libtpu: 0.0.44.dev20260713+nightly
codegen_flags: <defaults>
</compile_context>

<pallas_src>
import functools

import jax
import jax.numpy as jnp
from jax import lax
from jax.experimental import pallas as pl
from jax.experimental.pallas import tpu as pltpu
from jax.experimental.pallas import tpu_sc as plsc

NCLS = 100000
NROWS = 1024
NENT = NROWS * 26
NPIECE = 4
PIECE = NENT // NPIECE
NW = 32
NGRP = NCLS // 8
GRP_BASE = NGRP // NW
GRP_EXTRA = NGRP - GRP_BASE * NW
G = 5
NCHUNK = GRP_BASE // G
CAP = NENT + 64
SENTINEL = 1 << 30
DIV26_M, DIV26_S = 20165, 19

_mesh = plsc.VectorSubcoreMesh(
    core_axis_name="c", subcore_axis_name="s", num_cores=2, num_subcores=16
)


@functools.partial(
    pl.kernel,
    out_type=jax.ShapeDtypeStruct((NCLS, NROWS), jnp.float32),
    mesh=_mesh,
    compiler_params=pltpu.CompilerParams(needs_layout_passes=False),
    scratch_types=[
        pltpu.VMEM((PIECE,), jnp.int32),
        pltpu.VMEM((CAP,), jnp.int32),
        pltpu.VMEM((16,), jnp.float32),
        pltpu.VMEM((G * 8, NROWS), jnp.float32),
        pltpu.VMEM((G * 8, NROWS), jnp.float32),
        pltpu.SemaphoreType.DMA,
        pltpu.SemaphoreType.DMA,
    ],
)
def _multihot_sc(tgt_hbm, smooth_hbm, out_hbm, stage_v, list_v, sm_v,
                 buf0, buf1, sem0, sem1):
    wid = lax.axis_index("s") * 2 + lax.axis_index("c")
    g0 = wid * GRP_BASE + jnp.minimum(wid, GRP_EXTRA)
    extra = jnp.where(wid < GRP_EXTRA, 1, 0)
    c0 = g0 * 8
    ncw = (GRP_BASE + extra) * 8

    pltpu.sync_copy(smooth_hbm, sm_v)
    s = sm_v[...]
    lo = s * (1.0 / NCLS)
    hi = (1.0 - s) + lo

    bufs = (buf0, buf1)
    sems = (sem0, sem1)
    iota = lax.iota(jnp.int32, 16)

    def fill_body(i, _):
        for r in range(G * 8):
            buf0[r, pl.ds(i * 16, 16)] = lo
            buf1[r, pl.ds(i * 16, 16)] = lo
        return 0

    lax.fori_loop(0, NROWS // 16, fill_body, 0)

    c1 = c0 + ncw

    def compact_piece(piece, offv_in):
        pltpu.sync_copy(tgt_hbm.at[pl.ds(piece * PIECE, PIECE)], stage_v)
        pb = piece * PIECE

        def vec_body(i, carry):
            offv, posv = carry
            for u in range(4):
                j = i * 4 + u
                c = stage_v[pl.ds(j * 16, 16)]
                m = (c >= c0) & (c < c1)
                key = ((c - c0) << 15) | posv
                cum = plsc.cumsum(m.astype(jnp.int32))
                dest = jnp.where(m, offv + cum - 1, 0)
                plsc.store_scatter(list_v, [dest], key, mask=m)
                offv = offv + plsc.all_reduce_population_count(m)
                posv = posv + 16
            return offv, posv

        return lax.fori_loop(0, PIECE // 64, vec_body, (offv_in, pb + iota))[0]

    offv = jnp.zeros((16,), jnp.int32)
    for piece in range(NPIECE):
        offv = compact_piece(piece, offv)
    off = offv[0]
    nvec2 = (off + 31) >> 5

    sent = jnp.full((16,), SENTINEL, jnp.int32)
    abound = (off >> 4) << 4
    last = list_v[pl.ds(abound, 16)]
    list_v[pl.ds(abound, 16)] = jnp.where(iota < off - abound, last, sent)
    list_v[pl.ds(abound + 16, 16)] = sent
    list_v[pl.ds(abound + 32, 16)] = sent

    def scan_apply(buf, a_win, val):
        def body(i, _):
            for u in range(2):
                key = list_v[pl.ds(i * 32 + u * 16, 16)]
                cl = key >> 15
                row = ((key & 32767) * DIV26_M) >> DIV26_S
                m = (cl >= a_win) & (cl < a_win + G * 8)
                plsc.store_scatter(buf, [jnp.where(m, cl - a_win, 0), row],
                                   val, mask=m)
            return 0

        lax.fori_loop(0, nvec2, body, 0)

    def chunk_dst(k, width):
        return out_hbm.at[pl.ds(c0 + k * (G * 8), width), :]

    def step_body(i, _):
        for par in range(2):
            k = i * 2 + par
            buf, sem = bufs[par], sems[par]

            @pl.when(k >= 2)
            def _wait_restore():
                pltpu.make_async_copy(buf, chunk_dst(0, G * 8), sem).wait()
                scan_apply(buf, (k - 2) * (G * 8), lo)

            scan_apply(buf, k * (G * 8), hi)
            pltpu.async_copy(buf, chunk_dst(k, G * 8), sem)
        return 0

    lax.fori_loop(0, NCHUNK // 2, step_body, 0)

    @pl.when(extra == 1)
    def _tail():
        pltpu.make_async_copy(buf0, chunk_dst(0, G * 8), sem0).wait()
        scan_apply(buf0, (NCHUNK - 2) * (G * 8), lo)
        scan_apply(buf0, NCHUNK * (G * 8), hi)
        src = buf0.at[pl.ds(0, 8), :]
        pltpu.async_copy(src, out_hbm.at[pl.ds(c0 + NCHUNK * (G * 8), 8), :],
                         sem0)
        pltpu.make_async_copy(src, out_hbm.at[pl.ds(0, 8), :], sem0).wait()

    @pl.when(extra == 0)
    def _drain0():
        pltpu.make_async_copy(buf0, chunk_dst(0, G * 8), sem0).wait()

    pltpu.make_async_copy(buf1, chunk_dst(0, G * 8), sem1).wait()


def kernel(target, smooth):
    tflat = target.reshape(-1)
    sm = jnp.broadcast_to(jnp.asarray(smooth, jnp.float32).reshape(1), (16,))
    return _multihot_sc(tflat, sm).T

# --- scband reference (transcript-rebuilt; emitter-appended) ---
"""Pipeline reference for scband-multi-hot-73753178407098 (READ-ONLY COPY).

The authoritative reference and input builder live on the scoring server;
editing this copy changes nothing except your own understanding.
"""

import jax, jax.numpy as jnp
import numpy as np

N_CLASSES = 100000


def setup_inputs(seed: int = 0) -> dict:
    key = jax.random.key(seed)
    target = jax.random.randint(jax.random.fold_in(key, 1), (1024, 26), 0, N_CLASSES, dtype=jnp.int32)
    smooth = jnp.asarray(0.05, dtype=jnp.float32)
    return {"target": target, "smooth": smooth}


def reference(target, smooth):
    # Faithful translation of MultiHot.forward: scatter 1s into a dense [B, n_classes]
    # tensor at the given indices, then apply label smoothing and squeeze.
    B, L = target.shape
    rows = jnp.repeat(jnp.arange(B, dtype=jnp.int32), L)
    cols = target.reshape(-1)
    onehot = jnp.zeros((B, N_CLASSES), dtype=jnp.float32)
    onehot = onehot.at[rows, cols].set(1.0)  # scatter-overwrite, duplicates idempotent
    result = (1.0 - smooth) * onehot + smooth / N_CLASSES
    return jnp.squeeze(result)

if __name__ == "__main__":
    import jax
    _d = setup_inputs()
    print(jax.jit(kernel)(*tuple(_d.values())))

</pallas_src>

<mosaic_0001>
#map = affine_map<(d0, d1) -> (0)>
#map1 = affine_map<(d0, d1) -> (0, 0)>
module attributes {stable_mosaic.version = 14 : i64} {
  func.func @_multihot_sc(%arg0: i32, %arg1: i32, %arg2: memref<26624xi32, #tpu.memory_space<hbm>>, %arg3: memref<16xf32, #tpu.memory_space<hbm>>, %arg4: memref<100000x1024xf32, #tpu.memory_space<hbm>>, %arg5: memref<6656xi32, #tpu.memory_space<vmem>>, %arg6: memref<26688xi32, #tpu.memory_space<vmem>>, %arg7: memref<16xf32, #tpu.memory_space<vmem>>, %arg8: memref<40x1024xf32, #tpu.memory_space<vmem>>, %arg9: memref<40x1024xf32, #tpu.memory_space<vmem>>, %arg10: memref<!tpu.dma_semaphore, #tpu.memory_space<semaphore_mem>>, %arg11: memref<!tpu.dma_semaphore, #tpu.memory_space<semaphore_mem>>) attributes {dimension_semantics = [#tpu.dimension_semantics<core_parallel>, #tpu.dimension_semantics<subcore_parallel>], iteration_bounds = array<i64: 2, 16>, scalar_prefetch = 0 : i64, scratch_operands = 7 : i64, tpu.core_type = #tpu.core_type<sc_vector_subcore>, window_params = [{transform_indices = #map}, {transform_indices = #map}, {transform_indices = #map1}]} {
    %mul3A = arith.constant 2 : i32
    %mul3A_0 = arith.muli %arg1, %mul3A : i32
    %add3A = arith.addi %mul3A_0, %arg0 : i32
    %mul3A_1 = arith.constant 390 : i32
    %mul3A_2 = arith.muli %add3A, %mul3A_1 : i32
    %min3A = arith.constant 20 : i32
    %min3A_3 = arith.minsi %add3A, %min3A : i32
    %add3A_4 = arith.addi %mul3A_2, %min3A_3 : i32
    %lt3A = arith.constant 20 : i32
    %lt3A_5 = arith.cmpi slt, %add3A, %lt3A : i32
    %jit3A = arith.constant 1 : i32
    %jit3A_6 = arith.constant 0 : i32
    %select_n3A = arith.select %lt3A_5, %jit3A, %jit3A_6 : i32
    %mul3A_7 = arith.constant 8 : i32
    %mul3A_8 = arith.muli %add3A_4, %mul3A_7 : i32
    %add3A_9 = arith.constant 390 : i32
    %add3A_10 = arith.addi %add3A_9, %select_n3A : i32
    %mul3A_11 = arith.constant 8 : i32
    %mul3A_12 = arith.muli %add3A_10, %mul3A_11 : i32
    "tpu.region"() ({
      %run_scoped3A = tpu.sem_alloc : memref<!tpu.dma_semaphore, #tpu.memory_space<semaphore_mem>>
      tpu.enqueue_dma source(%arg3 : memref<16xf32, #tpu.memory_space<hbm>>) target(%arg7 : memref<16xf32, #tpu.memory_space<vmem>>) target_semaphore(%run_scoped3A : memref<!tpu.dma_semaphore, #tpu.memory_space<semaphore_mem>>)
      tpu.wait_dma2 semaphore(%run_scoped3A : memref<!tpu.dma_semaphore, #tpu.memory_space<semaphore_mem>>) src(%arg3 : memref<16xf32, #tpu.memory_space<hbm>>) dst(%arg7 : memref<16xf32, #tpu.memory_space<vmem>>)
      tpu.yield
    }) : () -> ()
    %get3A = arith.constant 0 : index
    %get3A_13 = tpu.vector_load %arg7[%get3A] {strides = array<i32>} : memref<16xf32, #tpu.memory_space<vmem>>, vector<16xf32>,
    %mul3A_14 = arith.constant 9.99999974E-6 : f32
    %mul3A_15 = vector.broadcast %mul3A_14 : f32 to vector<16xf32>
    %mul3A_16 = arith.mulf %get3A_13, %mul3A_15 : vector<16xf32>
    %sub3A = arith.constant 1.000000e+00 : f32
    %sub3A_17 = vector.broadcast %sub3A : f32 to vector<16xf32>
    %sub3A_18 = arith.subf %sub3A_17, %get3A_13 : vector<16xf32>
    %add3A_19 = arith.addf %sub3A_18, %mul3A_16 : vector<16xf32>
    %iota3A = tpu.iota {dimensions = array<i32: 0>} : vector<16xi32>
    %scan3A = arith.constant 0 : i32
    %scan3A_20 = arith.constant 0 : i32
    %scan3A_21 = arith.constant 64 : i32
    %scan3A_22 = arith.addi %scan3A_20, %scan3A_21 : i32
    %scan3A_23 = arith.constant 1 : i32
    %scan3A_24 = scf.for %scan3A_106 = %scan3A_20 to %scan3A_22 step %scan3A_23 iter_args(%scan3A_107 = %scan3A) -> (i32)  : i32 {
      %mul3A_108 = arith.constant 16 : i32
      %mul3A_109 = arith.muli %scan3A_106, %mul3A_108 : i32
      %swap3A_110 = arith.constant 0 : i32
      %swap3A_111 = arith.index_cast %swap3A_110 : i32 to index
      %swap3A_112 = arith.index_cast %mul3A_109 : i32 to index
      %swap3A_113 = tpu.vector_load %arg8[%swap3A_111, %swap3A_112] {strides = array<i32>} : memref<40x1024xf32, #tpu.memory_space<vmem>>, vector<16xf32>,
      tpu.vector_store %arg8[%swap3A_111, %swap3A_112], %mul3A_16 {strides = array<i32>} : memref<40x1024xf32, #tpu.memory_space<vmem>>, vector<16xf32>,
      %mul3A_114 = arith.constant 16 : i32
      %mul3A_115 = arith.muli %scan3A_106, %mul3A_114 : i32
      %swap3A_116 = arith.constant 0 : i32
      %swap3A_117 = arith.index_cast %swap3A_116 : i32 to index
      %swap3A_118 = arith.index_cast %mul3A_115 : i32 to index
      %swap3A_119 = tpu.vector_load %arg9[%swap3A_117, %swap3A_118] {strides = array<i32>} : memref<40x1024xf32, #tpu.memory_space<vmem>>, vector<16xf32>,
      tpu.vector_store %arg9[%swap3A_117, %swap3A_118], %mul3A_16 {strides = array<i32>} : memref<40x1024xf32, #tpu.memory_space<vmem>>, vector<16xf32>,
      %mul3A_120 = arith.constant 16 : i32
      %mul3A_121 = arith.muli %scan3A_106, %mul3A_120 : i32
      %swap3A_122 = arith.constant 1 : i32
      %swap3A_123 = arith.index_cast %swap3A_122 : i32 to index
      %swap3A_124 = arith.index_cast %mul3A_121 : i32 to index
      %swap3A_125 = tpu.vector_load %arg8[%swap3A_123, %swap3A_124] {strides = array<i32>} : memref<40x1024xf32, #tpu.memory_space<vmem>>, vector<16xf32>,
      tpu.vector_store %arg8[%swap3A_123, %swap3A_124], %mul3A_16 {strides = array<i32>} : memref<40x1024xf32, #tpu.memory_space<vmem>>, vector<16xf32>,
      %mul3A_126 = arith.constant 16 : i32
      %mul3A_127 = arith.muli %scan3A_106, %mul3A_126 : i32
      %swap3A_128 = arith.constant 1 : i32
      %swap3A_129 = arith.index_cast %swap3A_128 : i32 to index
      %swap3A_130 = arith.index_cast %mul3A_127 : i32 to index
      %swap3A_131 = tpu.vector_load %arg9[%swap3A_129, %swap3A_130] {strides = array<i32>} : memref<40x1024xf32, #tpu.memory_space<vmem>>, vector<16xf32>,
      tpu.vector_store %arg9[%swap3A_129, %swap3A_130], %mul3A_16 {strides = array<i32>} : memref<40x1024xf32, #tpu.memory_space<vmem>>, vector<16xf32>,
      %mul3A_132 = arith.constant 16 : i32
      %mul3A_133 = arith.muli %scan3A_106, %mul3A_132 : i32
      %swap3A_134 = arith.constant 2 : i32
      %swap3A_135 = arith.index_cast %swap3A_134 : i32 to index
      %swap3A_136 = arith.index_cast %mul3A_133 : i32 to index
      %swap3A_137 = tpu.vector_load %arg8[%swap3A_135, %swap3A_136] {strides = array<i32>} : memref<40x1024xf32, #tpu.memory_space<vmem>>, vector<16xf32>,
      tpu.vector_store %arg8[%swap3A_135, %swap3A_136], %mul3A_16 {strides = array<i32>} : memref<40x1024xf32, #tpu.memory_space<vmem>>, vector<16xf32>,
      %mul3A_138 = arith.constant 16 : i32
      %mul3A_139 = arith.muli %scan3A_106, %mul3A_138 : i32
      %swap3A_140 = arith.constant 2 : i32
      %swap3A_141 = arith.index_cast %swap3A_140 : i32 to index
      %swap3A_142 = arith.index_cast %mul3A_139 : i32 to index
      %swap3A_143 = tpu.vector_load %arg9[%swap3A_141, %swap3A_142] {strides = array<i32>} : memref<40x1024xf32, #tpu.memory_space<vmem>>, vector<16xf32>,
      tpu.vector_store %arg9[%swap3A_141, %swap3A_142], %mul3A_16 {strides = array<i32>} : memref<40x1024xf32, #tpu.memory_space<vmem>>, vector<16xf32>,
      %mul3A_144 = arith.constant 16 : i32
      %mul3A_145 = arith.muli %scan3A_106, %mul3A_144 : i32
      %swap3A_146 = arith.constant 3 : i32
      %swap3A_147 = arith.index_cast %swap3A_146 : i32 to index
      %swap3A_148 = arith.index_cast %mul3A_145 : i32 to index
      %swap3A_149 = tpu.vector_load %arg8[%swap3A_147, %swap3A_148] {strides = array<i32>} : memref<40x1024xf32, #tpu.memory_space<vmem>>, vector<16xf32>,
      tpu.vector_store %arg8[%swap3A_147, %swap3A_148], %mul3A_16 {strides = array<i32>} : memref<40x1024xf32, #tpu.memory_space<vmem>>, vector<16xf32>,
      %mul3A_150 = arith.constant 16 : i32
      %mul3A_151 = arith.muli %scan3A_106, %mul3A_150 : i32
      %swap3A_152 = arith.constant 3 : i32
      %swap3A_153 = arith.index_cast %swap3A_152 : i32 to index
      %swap3A_154 = arith.index_cast %mul3A_151 : i32 to index
      %swap3A_155 = tpu.vector_load %arg9[%swap3A_153, %swap3A_154] {strides = array<i32>} : memref<40x1024xf32, #tpu.memory_space<vmem>>, vector<16xf32>,
      tpu.vector_store %arg9[%swap3A_153, %swap3A_154], %mul3A_16 {strides = array<i32>} : memref<40x1024xf32, #tpu.memory_space<vmem>>, vector<16xf32>,
      %mul3A_156 = arith.constant 16 : i32
      %mul3A_157 = arith.muli %scan3A_106, %mul3A_156 : i32
      %swap3A_158 = arith.constant 4 : i32
      %swap3A_159 = arith.index_cast %swap3A_158 : i32 to index
      %swap3A_160 = arith.index_cast %mul3A_157 : i32 to index
      %swap3A_161 = tpu.vector_load %arg8[%swap3A_159, %swap3A_160] {strides = array<i32>} : memref<40x1024xf32, #tpu.memory_space<vmem>>, vector<16xf32>,
      tpu.vector_store %arg8[%swap3A_159, %swap3A_160], %mul3A_16 {strides = array<i32>} : memref<40x1024xf32, #tpu.memory_space<vmem>>, vector<16xf32>,
      %mul3A_162 = arith.constant 16 : i32
      %mul3A_163 = arith.muli %scan3A_106, %mul3A_162 : i32
      %swap3A_164 = arith.constant 4 : i32
      %swap3A_165 = arith.index_cast %swap3A_164 : i32 to index
      %swap3A_166 = arith.index_cast %mul3A_163 : i32 to index
      %swap3A_167 = tpu.vector_load %arg9[%swap3A_165, %swap3A_166] {strides = array<i32>} : memref<40x1024xf32, #tpu.memory_space<vmem>>, vector<16xf32>,
      tpu.vector_store %arg9[%swap3A_165, %swap3A_166], %mul3A_16 {strides = array<i32>} : memref<40x1024xf32, #tpu.memory_space<vmem>>, vector<16xf32>,
      %mul3A_168 = arith.constant 16 : i32
      %mul3A_169 = arith.muli %scan3A_106, %mul3A_168 : i32
      %swap3A_170 = arith.constant 5 : i32
      %swap3A_171 = arith.index_cast %swap3A_170 : i32 to index
      %swap3A_172 = arith.index_cast %mul3A_169 : i32 to index
      %swap3A_173 = tpu.vector_load %arg8[%swap3A_171, %swap3A_172] {strides = array<i32>} : memref<40x1024xf32, #tpu.memory_space<vmem>>, vector<16xf32>,
      tpu.vector_store %arg8[%swap3A_171, %swap3A_172], %mul3A_16 {strides = array<i32>} : memref<40x1024xf32, #tpu.memory_space<vmem>>, vector<16xf32>,
      %mul3A_174 = arith.constant 16 : i32
      %mul3A_175 = arith.muli %scan3A_106, %mul3A_174 : i32
      %swap3A_176 = arith.constant 5 : i32
      %swap3A_177 = arith.index_cast %swap3A_176 : i32 to index
      %swap3A_178 = arith.index_cast %mul3A_175 : i32 to index
      %swap3A_179 = tpu.vector_load %arg9[%swap3A_177, %swap3A_178] {strides = array<i32>} : memref<40x1024xf32, #tpu.memory_space<vmem>>, vector<16xf32>,
      tpu.vector_store %arg9[%swap3A_177, %swap3A_178], %mul3A_16 {strides = array<i32>} : memref<40x1024xf32, #tpu.memory_space<vmem>>, vector<16xf32>,
      %mul3A_180 = arith.constant 16 : i32
      %mul3A_181 = arith.muli %scan3A_106, %mul3A_180 : i32
      %swap3A_182 = arith.constant 6 : i32
      %swap3A_183 = arith.index_cast %swap3A_182 : i32 to index
      %swap3A_184 = arith.index_cast %mul3A_181 : i32 to index
      %swap3A_185 = tpu.vector_load %arg8[%swap3A_183, %swap3A_184] {strides = array<i32>} : memref<40x1024xf32, #tpu.memory_space<vmem>>, vector<16xf32>,
      tpu.vector_store %arg8[%swap3A_183, %swap3A_184], %mul3A_16 {strides = array<i32>} : memref<40x1024xf32, #tpu.memory_space<vmem>>, vector<16xf32>,
      %mul3A_186 = arith.constant 16 : i32
      %mul3A_187 = arith.muli %scan3A_106, %mul3A_186 : i32
      %swap3A_188 = arith.constant 6 : i32
      %swap3A_189 = arith.index_cast %swap3A_188 : i32 to index
      %swap3A_190 = arith.index_cast %mul3A_187 : i32 to index
      %swap3A_191 = tpu.vector_load %arg9[%swap3A_189, %swap3A_190] {strides = array<i32>} : memref<40x1024xf32, #tpu.memory_space<vmem>>, vector<16xf32>,
      tpu.vector_store %arg9[%swap3A_189, %swap3A_190], %mul3A_16 {strides = array<i32>} : memref<40x1024xf32, #tpu.memory_space<vmem>>, vector<16xf32>,
      %mul3A_192 = arith.constant 16 : i32
      %mul3A_193 = arith.muli %scan3A_106, %mul3A_192 : i32
      %swap3A_194 = arith.constant 7 : i32
      %swap3A_195 = arith.index_cast %swap3A_194 : i32 to index
      %swap3A_196 = arith.index_cast %mul3A_193 : i32 to index
      %swap3A_197 = tpu.vector_load %arg8[%swap3A_195, %swap3A_196] {strides = array<i32>} : memref<40x1024xf32, #tpu.memory_space<vmem>>, vector<16xf32>,
      tpu.vector_store %arg8[%swap3A_195, %swap3A_196], %mul3A_16 {strides = array<i32>} : memref<40x1024xf32, #tpu.memory_space<vmem>>, vector<16xf32>,
      %mul3A_198 = arith.constant 16 : i32
      %mul3A_199 = arith.muli %scan3A_106, %mul3A_198 : i32
      %swap3A_200 = arith.constant 7 : i32
      %swap3A_201 = arith.index_cast %swap3A_200 : i32 to index
      %swap3A_202 = arith.index_cast %mul3A_199 : i32 to index
      %swap3A_203 = tpu.vector_load %arg9[%swap3A_201, %swap3A_202] {strides = array<i32>} : memref<40x1024xf32, #tpu.memory_space<vmem>>, vector<16xf32>,
      tpu.vector_store %arg9[%swap3A_201, %swap3A_202], %mul3A_16 {strides = array<i32>} : memref<40x1024xf32, #tpu.memory_space<vmem>>, vector<16xf32>,
      %mul3A_204 = arith.constant 16 : i32
      %mul3A_205 = arith.muli %scan3A_106, %mul3A_204 : i32
      %swap3A_206 = arith.constant 8 : i32
      %swap3A_207 = arith.index_cast %swap3A_206 : i32 to index
      %swap3A_208 = arith.index_cast %mul3A_205 : i32 to index
      %swap3A_209 = tpu.vector_load %arg8[%swap3A_207, %swap3A_208] {strides = array<i32>} : memref<40x1024xf32, #tpu.memory_space<vmem>>, vector<16xf32>,
      tpu.vector_store %arg8[%swap3A_207, %swap3A_208], %mul3A_16 {strides = array<i32>} : memref<40x1024xf32, #tpu.memory_space<vmem>>, vector<16xf32>,
      %mul3A_210 = arith.constant 16 : i32
      %mul3A_211 = arith.muli %scan3A_106, %mul3A_210 : i32
      %swap3A_212 = arith.constant 8 : i32
      %swap3A_213 = arith.index_cast %swap3A_212 : i32 to index
      %swap3A_214 = arith.index_cast %mul3A_211 : i32 to index
      %swap3A_215 = tpu.vector_load %arg9[%swap3A_213, %swap3A_214] {strides = array<i32>} : memref<40x1024xf32, #tpu.memory_space<vmem>>, vector<16xf32>,
      tpu.vector_store %arg9[%swap3A_213, %swap3A_214], %mul3A_16 {strides = array<i32>} : memref<40x1024xf32, #tpu.memory_space<vmem>>, vector<16xf32>,
      %mul3A_216 = arith.constant 16 : i32
      %mul3A_217 = arith.muli %scan3A_106, %mul3A_216 : i32
      %swap3A_218 = arith.constant 9 : i32
      %swap3A_219 = arith.index_cast %swap3A_218 : i32 to index
      %swap3A_220 = arith.index_cast %mul3A_217 : i32 to index
      %swap3A_221 = tpu.vector_load %arg8[%swap3A_219, %swap3A_220] {strides = array<i32>} : memref<40x1024xf32, #tpu.memory_space<vmem>>, vector<16xf32>,
      tpu.vector_store %arg8[%swap3A_219, %swap3A_220], %mul3A_16 {strides = array<i32>} : memref<40x1024xf32, #tpu.memory_space<vmem>>, vector<16xf32>,
      %mul3A_222 = arith.constant 16 : i32
      %mul3A_223 = arith.muli %scan3A_106, %mul3A_222 : i32
      %swap3A_224 = arith.constant 9 : i32
      %swap3A_225 = arith.index_cast %swap3A_224 : i32 to index
      %swap3A_226 = arith.index_cast %mul3A_223 : i32 to index
      %swap3A_227 = tpu.vector_load %arg9[%swap3A_225, %swap3A_226] {strides = array<i32>} : memref<40x1024xf32, #tpu.memory_space<vmem>>, vector<16xf32>,
      tpu.vector_store %arg9[%swap3A_225, %swap3A_226], %mul3A_16 {strides = array<i32>} : memref<40x1024xf32, #tpu.memory_space<vmem>>, vector<16xf32>,
      %mul3A_228 = arith.constant 16 : i32
      %mul3A_229 = arith.muli %scan3A_106, %mul3A_228 : i32
      %swap3A_230 = arith.constant 10 : i32
      %swap3A_231 = arith.index_cast %swap3A_230 : i32 to index
      %swap3A_232 = arith.index_cast %mul3A_229 : i32 to index
      %swap3A_233 = tpu.vector_load %arg8[%swap3A_231, %swap3A_232] {strides = array<i32>} : memref<40x1024xf32, #tpu.memory_space<vmem>>, vector<16xf32>,
      tpu.vector_store %arg8[%swap3A_231, %swap3A_232], %mul3A_16 {strides = array<i32>} : memref<40x1024xf32, #tpu.memory_space<vmem>>, vector<16xf32>,
      %mul3A_234 = arith.constant 16 : i32
      %mul3A_235 = arith.muli %scan3A_106, %mul3A_234 : i32
      %swap3A_236 = arith.constant 10 : i32
      %swap3A_237 = arith.index_cast %swap3A_236 : i32 to index
      %swap3A_238 = arith.index_cast %mul3A_235 : i32 to index
      %swap3A_239 = tpu.vector_load %arg9[%swap3A_237, %swap3A_238] {strides = array<i32>} : memref<40x1024xf32, #tpu.memory_space<vmem>>, vector<16xf32>,
      tpu.vector_store %arg9[%swap3A_237, %swap3A_238], %mul3A_16 {strides = array<i32>} : memref<40x1024xf32, #tpu.memory_space<vmem>>, vector<16xf32>,
      %mul3A_240 = arith.constant 16 : i32
      %mul3A_241 = arith.muli %scan3A_106, %mul3A_240 : i32
      %swap3A_242 = arith.constant 11 : i32
      %swap3A_243 = arith.index_cast %swap3A_242 : i32 to index
      %swap3A_244 = arith.index_cast %mul3A_241 : i32 to index
      %swap3A_245 = tpu.vector_load %arg8[%swap3A_243, %swap3A_244] {strides = array<i32>} : memref<40x1024xf32, #tpu.memory_space<vmem>>, vector<16xf32>,
      tpu.vector_store %arg8[%swap3A_243, %swap3A_244], %mul3A_16 {strides = array<i32>} : memref<40x1024xf32, #tpu.memory_space<vmem>>, vector<16xf32>,
      %mul3A_246 = arith.constant 16 : i32
      %mul3A_247 = arith.muli %scan3A_106, %mul3A_246 : i32
      %swap3A_248 = arith.constant 11 : i32
      %swap3A_249 = arith.index_cast %swap3A_248 : i32 to index
      %swap3A_250 = arith.index_cast %mul3A_247 : i32 to index
      %swap3A_251 = tpu.vector_load %arg9[%swap3A_249, %swap3A_250] {strides = array<i32>} : memref<40x1024xf32, #tpu.memory_space<vmem>>, vector<16xf32>,
      tpu.vector_store %arg9[%swap3A_249, %swap3A_250], %mul3A_16 {strides = array<i32>} : memref<40x1024xf32, #tpu.memory_space<vmem>>, vector<16xf32>,
      %mul3A_252 = arith.constant 16 : i32
      %mul3A_253 = arith.muli %scan3A_106, %mul3A_252 : i32
      %swap3A_254 = arith.constant 12 : i32
      %swap3A_255 = arith.index_cast %swap3A_254 : i32 to index
      %swap3A_256 = arith.index_cast %mul3A_253 : i32 to index
      %swap3A_257 = tpu.vector_load %arg8[%swap3A_255, %swap3A_256] {strides = array<i32>} : memref<40x1024xf32, #tpu.memory_space<vmem>>, vector<16xf32>,
      tpu.vector_store %arg8[%swap3A_255, %swap3A_256], %mul3A_16 {strides = array<i32>} : memref<40x1024xf32, #tpu.memory_space<vmem>>, vector<16xf32>,
      %mul3A_258 = arith.constant 16 : i32
      %mul3A_259 = arith.muli %scan3A_106, %mul3A_258 : i32
      %swap3A_260 = arith.constant 12 : i32
      %swap3A_261 = arith.index_cast %swap3A_260 : i32 to index
      %swap3A_262 = arith.index_cast %mul3A_259 : i32 to index
      %swap3A_263 = tpu.vector_load %arg9[%swap3A_261, %swap3A_262] {strides = array<i32>} : memref<40x1024xf32, #tpu.memory_space<vmem>>, vector<16xf32>,
      tpu.vector_store %arg9[%swap3A_261, %swap3A_262], %mul3A_16 {strides = array<i32>} : memref<40x1024xf32, #tpu.memory_space<vmem>>, vector<16xf32>,
      %mul3A_264 = arith.constant 16 : i32
      %mul3A_265 = arith.muli %scan3A_106, %mul3A_264 : i32
      %swap3A_266 = arith.constant 13 : i32
      %swap3A_267 = arith.index_cast %swap3A_266 : i32 to index
      %swap3A_268 = arith.index_cast %mul3A_265 : i32 to index
      %swap3A_269 = tpu.vector_load %arg8[%swap3A_267, %swap3A_268] {strides = array<i32>} : memref<40x1024xf32, #tpu.memory_space<vmem>>, vector<16xf32>,
      tpu.vector_store %arg8[%swap3A_267, %swap3A_268], %mul3A_16 {strides = array<i32>} : memref<40x1024xf32, #tpu.memory_space<vmem>>, vector<16xf32>,
      %mul3A_270 = arith.constant 16 : i32
      %mul3A_271 = arith.muli %scan3A_106, %mul3A_270 : i32
      %swap3A_272 = arith.constant 13 : i32
      %swap3A_273 = arith.index_cast %swap3A_272 : i32 to index
      %swap3A_274 = arith.index_cast %mul3A_271 : i32 to index
      %swap3A_275 = tpu.vector_load %arg9[%swap3A_273, %swap3A_274] {strides = array<i32>} : memref<40x1024xf32, #tpu.memory_space<vmem>>, vector<16xf32>,
      tpu.vector_store %arg9[%swap3A_273, %swap3A_274], %mul3A_16 {strides = array<i32>} : memref<40x1024xf32, #tpu.memory_space<vmem>>, vector<16xf32>,
      %mul3A_276 = arith.constant 16 : i32
      %mul3A_277 = arith.muli %scan3A_106, %mul3A_276 : i32
      %swap3A_278 = arith.constant 14 : i32
      %swap3A_279 = arith.index_cast %swap3A_278 : i32 to index
      %swap3A_280 = arith.index_cast %mul3A_277 : i32 to index
      %swap3A_281 = tpu.vector_load %arg8[%swap3A_279, %swap3A_280] {strides = array<i32>} : memref<40x1024xf32, #tpu.memory_space<vmem>>, vector<16xf32>,
      tpu.vector_store %arg8[%swap3A_279, %swap3A_280], %mul3A_16 {strides = array<i32>} : memref<40x1024xf32, #tpu.memory_space<vmem>>, vector<16xf32>,
      %mul3A_282 = arith.constant 16 : i32
      %mul3A_283 = arith.muli %scan3A_106, %mul3A_282 : i32
      %swap3A_284 = arith.constant 14 : i32
      %swap3A_285 = arith.index_cast %swap3A_284 : i32 to index
      %swap3A_286 = arith.index_cast %mul3A_283 : i32 to index
      %swap3A_287 = tpu.vector_load %arg9[%swap3A_285, %swap3A_286] {strides = array<i32>} : memref<40x1024xf32, #tpu.memory_space<vmem>>, vector<16xf32>,
      tpu.vector_store %arg9[%swap3A_285, %swap3A_286], %mul3A_16 {strides = array<i32>} : memref<40x1024xf32, #tpu.memory_space<vmem>>, vector<16xf32>,
      %mul3A_288 = arith.constant 16 : i32
      %mul3A_289 = arith.muli %scan3A_106, %mul3A_288 : i32
      %swap3A_290 = arith.constant 15 : i32
      %swap3A_291 = arith.index_cast %swap3A_290 : i32 to index
      %swap3A_292 = arith.index_cast %mul3A_289 : i32 to index
      %swap3A_293 = tpu.vector_load %arg8[%swap3A_291, %swap3A_292] {strides = array<i32>} : memref<40x1024xf32, #tpu.memory_space<vmem>>, vector<16xf32>,
      tpu.vector_store %arg8[%swap3A_291, %swap3A_292], %mul3A_16 {strides = array<i32>} : memref<40x1024xf32, #tpu.memory_space<vmem>>, vector<16xf32>,
      %mul3A_294 = arith.constant 16 : i32
      %mul3A_295 = arith.muli %scan3A_106, %mul3A_294 : i32
      %swap3A_296 = arith.constant 15 : i32
      %swap3A_297 = arith.index_cast %swap3A_296 : i32 to index
      %swap3A_298 = arith.index_cast %mul3A_295 : i32 to index
      %swap3A_299 = tpu.vector_load %arg9[%swap3A_297, %swap3A_298] {strides = array<i32>} : memref<40x1024xf32, #tpu.memory_space<vmem>>, vector<16xf32>,
      tpu.vector_store %arg9[%swap3A_297, %swap3A_298], %mul3A_16 {strides = array<i32>} : memref<40x1024xf32, #tpu.memory_space<vmem>>, vector<16xf32>,
      %mul3A_300 = arith.constant 16 : i32
      %mul3A_301 = arith.muli %scan3A_106, %mul3A_300 : i32
      %swap3A_302 = arith.constant 16 : i32
      %swap3A_303 = arith.index_cast %swap3A_302 : i32 to index
      %swap3A_304 = arith.index_cast %mul3A_301 : i32 to index
      %swap3A_305 = tpu.vector_load %arg8[%swap3A_303, %swap3A_304] {strides = array<i32>} : memref<40x1024xf32, #tpu.memory_space<vmem>>, vector<16xf32>,
      tpu.vector_store %arg8[%swap3A_303, %swap3A_304], %mul3A_16 {strides = array<i32>} : memref<40x1024xf32, #tpu.memory_space<vmem>>, vector<16xf32>,
      %mul3A_306 = arith.constant 16 : i32
      %mul3A_307 = arith.muli %scan3A_106, %mul3A_306 : i32
      %swap3A_308 = arith.constant 16 : i32
      %swap3A_309 = arith.index_cast %swap3A_308 : i32 to index
      %swap3A_310 = arith.index_cast %mul3A_307 : i32 to index
      %swap3A_311 = tpu.vector_load %arg9[%swap3A_309, %swap3A_310] {strides = array<i32>} : memref<40x1024xf32, #tpu.memory_space<vmem>>, vector<16xf32>,
      tpu.vector_store %arg9[%swap3A_309, %swap3A_310], %mul3A_16 {strides = array<i32>} : memref<40x1024xf32, #tpu.memory_space<vmem>>, vector<16xf32>,
      %mul3A_312 = arith.constant 16 : i32
      %mul3A_313 = arith.muli %scan3A_106, %mul3A_312 : i32
      %swap3A_314 = arith.constant 17 : i32
      %swap3A_315 = arith.index_cast %swap3A_314 : i32 to index
      %swap3A_316 = arith.index_cast %mul3A_313 : i32 to index
      %swap3A_317 = tpu.vector_load %arg8[%swap3A_315, %swap3A_316] {strides = array<i32>} : memref<40x1024xf32, #tpu.memory_space<vmem>>, vector<16xf32>,
      tpu.vector_store %arg8[%swap3A_315, %swap3A_316], %mul3A_16 {strides = array<i32>} : memref<40x1024xf32, #tpu.memory_space<vmem>>, vector<16xf32>,
      %mul3A_318 = arith.constant 16 : i32
      %mul3A_319 = arith.muli %scan3A_106, %mul3A_318 : i32
      %swap3A_320 = arith.constant 17 : i32
      %swap3A_321 = arith.index_cast %swap3A_320 : i32 to index
      %swap3A_322 = arith.index_cast %mul3A_319 : i32 to index
      %swap3A_323 = tpu.vector_load %arg9[%swap3A_321, %swap3A_322] {strides = array<i32>} : memref<40x1024xf32, #tpu.memory_space<vmem>>, vector<16xf32>,
      tpu.vector_store %arg9[%swap3A_321, %swap3A_322], %mul3A_16 {strides = array<i32>} : memref<40x1024xf32, #tpu.memory_space<vmem>>, vector<16xf32>,
      %mul3A_324 = arith.constant 16 : i32
      %mul3A_325 = arith.muli %scan3A_106, %mul3A_324 : i32
      %swap3A_326 = arith.constant 18 : i32
      %swap3A_327 = arith.index_cast %swap3A_326 : i32 to index
      %swap3A_328 = arith.index_cast %mul3A_325 : i32 to index
      %swap3A_329 = tpu.vector_load %arg8[%swap3A_327, %swap3A_328] {strides = array<i32>} : memref<40x1024xf32, #tpu.memory_space<vmem>>, vector<16xf32>,
      tpu.vector_store %arg8[%swap3A_327, %swap3A_328], %mul3A_16 {strides = array<i32>} : memref<40x1024xf32, #tpu.memory_space<vmem>>, vector<16xf32>,
      %mul3A_330 = arith.constant 16 : i32
      %mul3A_331 = arith.muli %scan3A_106, %mul3A_330 : i32
      %swap3A_332 = arith.constant 18 : i32
      %swap3A_333 = arith.index_cast %swap3A_332 : i32 to index
      %swap3A_334 = arith.index_cast %mul3A_331 : i32 to index
      %swap3A_335 = tpu.vector_load %arg9[%swap3A_333, %swap3A_334] {strides = array<i32>} : memref<40x1024xf32, #tpu.memory_space<vmem>>, vector<16xf32>,
      tpu.vector_store %arg9[%swap3A_333, %swap3A_334], %mul3A_16 {strides = array<i32>} : memref<40x1024xf32, #tpu.memory_space<vmem>>, vector<16xf32>,
      %mul3A_336 = arith.constant 16 : i32
      %mul3A_337 = arith.muli %scan3A_106, %mul3A_336 : i32
      %swap3A_338 = arith.constant 19 : i32
      %swap3A_339 = arith.index_cast %swap3A_338 : i32 to index
      %swap3A_340 = arith.index_cast %mul3A_337 : i32 to index
      %swap3A_341 = tpu.vector_load %arg8[%swap3A_339, %swap3A_340] {strides = array<i32>} : memref<40x1024xf32, #tpu.memory_space<vmem>>, vector<16xf32>,
      tpu.vector_store %arg8[%swap3A_339, %swap3A_340], %mul3A_16 {strides = array<i32>} : memref<40x1024xf32, #tpu.memory_space<vmem>>, vector<16xf32>,
      %mul3A_342 = arith.constant 16 : i32
      %mul3A_343 = arith.muli %scan3A_106, %mul3A_342 : i32
      %swap3A_344 = arith.constant 19 : i32
      %swap3A_345 = arith.index_cast %swap3A_344 : i32 to index
      %swap3A_346 = arith.index_cast %mul3A_343 : i32 to index
      %swap3A_347 = tpu.vector_load %arg9[%swap3A_345, %swap3A_346] {strides = array<i32>} : memref<40x1024xf32, #tpu.memory_space<vmem>>, vector<16xf32>,
      tpu.vector_store %arg9[%swap3A_345, %swap3A_346], %mul3A_16 {strides = array<i32>} : memref<40x1024xf32, #tpu.memory_space<vmem>>, vector<16xf32>,
      %mul3A_348 = arith.constant 16 : i32
      %mul3A_349 = arith.muli %scan3A_106, %mul3A_348 : i32
      %swap3A_350 = arith.constant 20 : i32
      %swap3A_351 = arith.index_cast %swap3A_350 : i32 to index
      %swap3A_352 = arith.index_cast %mul3A_349 : i32 to index
      %swap3A_353 = tpu.vector_load %arg8[%swap3A_351, %swap3A_352] {strides = array<i32>} : memref<40x1024xf32, #tpu.memory_space<vmem>>, vector<16xf32>,
      tpu.vector_store %arg8[%swap3A_351, %swap3A_352], %mul3A_16 {strides = array<i32>} : memref<40x1024xf32, #tpu.memory_space<vmem>>, vector<16xf32>,
      %mul3A_354 = arith.constant 16 : i32
      %mul3A_355 = arith.muli %scan3A_106, %mul3A_354 : i32
      %swap3A_356 = arith.constant 20 : i32
      %swap3A_357 = arith.index_cast %swap3A_356 : i32 to index
      %swap3A_358 = arith.index_cast %mul3A_355 : i32 to index
      %swap3A_359 = tpu.vector_load %arg9[%swap3A_357, %swap3A_358] {strides = array<i32>} : memref<40x1024xf32, #tpu.memory_space<vmem>>, vector<16xf32>,
      tpu.vector_store %arg9[%swap3A_357, %swap3A_358], %mul3A_16 {strides = array<i32>} : memref<40x1024xf32, #tpu.memory_space<vmem>>, vector<16xf32>,
      %mul3A_360 = arith.constant 16 : i32
      %mul3A_361 = arith.muli %scan3A_106, %mul3A_360 : i32
      %swap3A_362 = arith.constant 21 : i32
      %swap3A_363 = arith.index_cast %swap3A_362 : i32 to index
      %swap3A_364 = arith.index_cast %mul3A_361 : i32 to index
      %swap3A_365 = tpu.vector_load %arg8[%swap3A_363, %swap3A_364] {strides = array<i32>} : memref<40x1024xf32, #tpu.memory_space<vmem>>, vector<16xf32>,
      tpu.vector_store %arg8[%swap3A_363, %swap3A_364], %mul3A_16 {strides = array<i32>} : memref<40x1024xf32, #tpu.memory_space<vmem>>, vector<16xf32>,
      %mul3A_366 = arith.constant 16 : i32
      %mul3A_367 = arith.muli %scan3A_106, %mul3A_366 : i32
      %swap3A_368 = arith.constant 21 : i32
      %swap3A_369 = arith.index_cast %swap3A_368 : i32 to index
      %swap3A_370 = arith.index_cast %mul3A_367 : i32 to index
      %swap3A_371 = tpu.vector_load %arg9[%swap3A_369, %swap3A_370] {strides = array<i32>} : memref<40x1024xf32, #tpu.memory_space<vmem>>, vector<16xf32>,
      tpu.vector_store %arg9[%swap3A_369, %swap3A_370], %mul3A_16 {strides = array<i32>} : memref<40x1024xf32, #tpu.memory_space<vmem>>, vector<16xf32>,
      %mul3A_372 = arith.constant 16 : i32
      %mul3A_373 = arith.muli %scan3A_106, %mul3A_372 : i32
      %swap3A_374 = arith.constant 22 : i32
      %swap3A_375 = arith.index_cast %swap3A_374 : i32 to index
      %swap3A_376 = arith.index_cast %mul3A_373 : i32 to index
      %swap3A_377 = tpu.vector_load %arg8[%swap3A_375, %swap3A_376] {strides = array<i32>} : memref<40x1024xf32, #tpu.memory_space<vmem>>, vector<16xf32>,
      tpu.vector_store %arg8[%swap3A_375, %swap3A_376], %mul3A_16 {strides = array<i32>} : memref<40x1024xf32, #tpu.memory_space<vmem>>, vector<16xf32>,
      %mul3A_378 = arith.constant 16 : i32
      %mul3A_379 = arith.muli %scan3A_106, %mul3A_378 : i32
      %swap3A_380 = arith.constant 22 : i32
      %swap3A_381 = arith.index_cast %swap3A_380 : i32 to index
      %swap3A_382 = arith.index_cast %mul3A_379 : i32 to index
      %swap3A_383 = tpu.vector_load %arg9[%swap3A_381, %swap3A_382] {strides = array<i32>} : memref<40x1024xf32, #tpu.memory_space<vmem>>, vector<16xf32>,
      tpu.vector_store %arg9[%swap3A_381, %swap3A_382], %mul3A_16 {strides = array<i32>} : memref<40x1024xf32, #tpu.memory_space<vmem>>, vector<16xf32>,
      %mul3A_384 = arith.constant 16 : i32
      %mul3A_385 = arith.muli %scan3A_106, %mul3A_384 : i32
      %swap3A_386 = arith.constant 23 : i32
      %swap3A_387 = arith.index_cast %swap3A_386 : i32 to index
      %swap3A_388 = arith.index_cast %mul3A_385 : i32 to index
      %swap3A_389 = tpu.vector_load %arg8[%swap3A_387, %swap3A_388] {strides = array<i32>} : memref<40x1024xf32, #tpu.memory_space<vmem>>, vector<16xf32>,
      tpu.vector_store %arg8[%swap3A_387, %swap3A_388], %mul3A_16 {strides = array<i32>} : memref<40x1024xf32, #tpu.memory_space<vmem>>, vector<16xf32>,
      %mul3A_390 = arith.constant 16 : i32
      %mul3A_391 = arith.muli %scan3A_106, %mul3A_390 : i32
      %swap3A_392 = arith.constant 23 : i32
      %swap3A_393 = arith.index_cast %swap3A_392 : i32 to index
      %swap3A_394 = arith.index_cast %mul3A_391 : i32 to index
      %swap3A_395 = tpu.vector_load %arg9[%swap3A_393, %swap3A_394] {strides = array<i32>} : memref<40x1024xf32, #tpu.memory_space<vmem>>, vector<16xf32>,
      tpu.vector_store %arg9[%swap3A_393, %swap3A_394], %mul3A_16 {strides = array<i32>} : memref<40x1024xf32, #tpu.memory_space<vmem>>, vector<16xf32>,
      %mul3A_396 = arith.constant 16 : i32
      %mul3A_397 = arith.muli %scan3A_106, %mul3A_396 : i32
      %swap3A_398 = arith.constant 24 : i32
      %swap3A_399 = arith.index_cast %swap3A_398 : i32 to index
      %swap3A_400 = arith.index_cast %mul3A_397 : i32 to index
      %swap3A_401 = tpu.vector_load %arg8[%swap3A_399, %swap3A_400] {strides = array<i32>} : memref<40x1024xf32, #tpu.memory_space<vmem>>, vector<16xf32>,
      tpu.vector_store %arg8[%swap3A_399, %swap3A_400], %mul3A_16 {strides = array<i32>} : memref<40x1024xf32, #tpu.memory_space<vmem>>, vector<16xf32>,
      %mul3A_402 = arith.constant 16 : i32
      %mul3A_403 = arith.muli %scan3A_106, %mul3A_402 : i32
      %swap3A_404 = arith.constant 24 : i32
      %swap3A_405 = arith.index_cast %swap3A_404 : i32 to index
      %swap3A_406 = arith.index_cast %mul3A_403 : i32 to index
      %swap3A_407 = tpu.vector_load %arg9[%swap3A_405, %swap3A_406] {strides = array<i32>} : memref<40x1024xf32, #tpu.memory_space<vmem>>, vector<16xf32>,
      tpu.vector_store %arg9[%swap3A_405, %swap3A_406], %mul3A_16 {strides = array<i32>} : memref<40x1024xf32, #tpu.memory_space<vmem>>, vector<16xf32>,
      %mul3A_408 = arith.constant 16 : i32
      %mul3A_409 = arith.muli %scan3A_106, %mul3A_408 : i32
      %swap3A_410 = arith.constant 25 : i32
      %swap3A_411 = arith.index_cast %swap3A_410 : i32 to index
      %swap3A_412 = arith.index_cast %mul3A_409 : i32 to index
      %swap3A_413 = tpu.vector_load %arg8[%swap3A_411, %swap3A_412] {strides = array<i32>} : memref<40x1024xf32, #tpu.memory_space<vmem>>, vector<16xf32>,
      tpu.vector_store %arg8[%swap3A_411, %swap3A_412], %mul3A_16 {strides = array<i32>} : memref<40x1024xf32, #tpu.memory_space<vmem>>, vector<16xf32>,
      %mul3A_414 = arith.constant 16 : i32
      %mul3A_415 = arith.muli %scan3A_106, %mul3A_414 : i32
      %swap3A_416 = arith.constant 25 : i32
      %swap3A_417 = arith.index_cast %swap3A_416 : i32 to index
      %swap3A_418 = arith.index_cast %mul3A_415 : i32 to index
      %swap3A_419 = tpu.vector_load %arg9[%swap3A_417, %swap3A_418] {strides = array<i32>} : memref<40x1024xf32, #tpu.memory_space<vmem>>, vector<16xf32>,
      tpu.vector_store %arg9[%swap3A_417, %swap3A_418], %mul3A_16 {strides = array<i32>} : memref<40x1024xf32, #tpu.memory_space<vmem>>, vector<16xf32>,
      %mul3A_420 = arith.constant 16 : i32
      %mul3A_421 = arith.muli %scan3A_106, %mul3A_420 : i32
      %swap3A_422 = arith.constant 26 : i32
      %swap3A_423 = arith.index_cast %swap3A_422 : i32 to index
      %swap3A_424 = arith.index_cast %mul3A_421 : i32 to index
      %swap3A_425 = tpu.vector_load %arg8[%swap3A_423, %swap3A_424] {strides = array<i32>} : memref<40x1024xf32, #tpu.memory_space<vmem>>, vector<16xf32>,
      tpu.vector_store %arg8[%swap3A_423, %swap3A_424], %mul3A_16 {strides = array<i32>} : memref<40x1024xf32, #tpu.memory_space<vmem>>, vector<16xf32>,
      %mul3A_426 = arith.constant 16 : i32
      %mul3A_427 = arith.muli %scan3A_106, %mul3A_426 : i32
      %swap3A_428 = arith.constant 26 : i32
      %swap3A_429 = arith.index_cast %swap3A_428 : i32 to index
      %swap3A_430 = arith.index_cast %mul3A_427 : i32 to index
      %swap3A_431 = tpu.vector_load %arg9[%swap3A_429, %swap3A_430] {strides = array<i32>} : memref<40x1024xf32, #tpu.memory_space<vmem>>, vector<16xf32>,
      tpu.vector_store %arg9[%swap3A_429, %swap3A_430], %mul3A_16 {strides = array<i32>} : memref<40x1024xf32, #tpu.memory_space<vmem>>, vector<16xf32>,
      %mul3A_432 = arith.constant 16 : i32
      %mul3A_433 = arith.muli %scan3A_106, %mul3A_432 : i32
      %swap3A_434 = arith.constant 27 : i32
      %swap3A_435 = arith.index_cast %swap3A_434 : i32 to index
      %swap3A_436 = arith.index_cast %mul3A_433 : i32 to index
      %swap3A_437 = tpu.vector_load %arg8[%swap3A_435, %swap3A_436] {strides = array<i32>} : memref<40x1024xf32, #tpu.memory_space<vmem>>, vector<16xf32>,
      tpu.vector_store %arg8[%swap3A_435, %swap3A_436], %mul3A_16 {strides = array<i32>} : memref<40x1024xf32, #tpu.memory_space<vmem>>, vector<16xf32>,
      %mul3A_438 = arith.constant 16 : i32
      %mul3A_439 = arith.muli %scan3A_106, %mul3A_438 : i32
      %swap3A_440 = arith.constant 27 : i32
      %swap3A_441 = arith.index_cast %swap3A_440 : i32 to index
      %swap3A_442 = arith.index_cast %mul3A_439 : i32 to index
      %swap3A_443 = tpu.vector_load %arg9[%swap3A_441, %swap3A_442] {strides = array<i32>} : memref<40x1024xf32, #tpu.memory_space<vmem>>, vector<16xf32>,
      tpu.vector_store %arg9[%swap3A_441, %swap3A_442], %mul3A_16 {strides = array<i32>} : memref<40x1024xf32, #tpu.memory_space<vmem>>, vector<16xf32>,
      %mul3A_444 = arith.constant 16 : i32
      %mul3A_445 = arith.muli %scan3A_106, %mul3A_444 : i32
      %swap3A_446 = arith.constant 28 : i32
      %swap3A_447 = arith.index_cast %swap3A_446 : i32 to index
      %swap3A_448 = arith.index_cast %mul3A_445 : i32 to index
      %swap3A_449 = tpu.vector_load %arg8[%swap3A_447, %swap3A_448] {strides = array<i32>} : memref<40x1024xf32, #tpu.memory_space<vmem>>, vector<16xf32>,
      tpu.vector_store %arg8[%swap3A_447, %swap3A_448], %mul3A_16 {strides = array<i32>} : memref<40x1024xf32, #tpu.memory_space<vmem>>, vector<16xf32>,
      %mul3A_450 = arith.constant 16 : i32
      %mul3A_451 = arith.muli %scan3A_106, %mul3A_450 : i32
      %swap3A_452 = arith.constant 28 : i32
      %swap3A_453 = arith.index_cast %swap3A_452 : i32 to index
      %swap3A_454 = arith.index_cast %mul3A_451 : i32 to index
      %swap3A_455 = tpu.vector_load %arg9[%swap3A_453, %swap3A_454] {strides = array<i32>} : memref<40x1024xf32, #tpu.memory_space<vmem>>, vector<16xf32>,
      tpu.vector_store %arg9[%swap3A_453, %swap3A_454], %mul3A_16 {strides = array<i32>} : memref<40x1024xf32, #tpu.memory_space<vmem>>, vector<16xf32>,
      %mul3A_456 = arith.constant 16 : i32
      %mul3A_457 = arith.muli %scan3A_106, %mul3A_456 : i32
      %swap3A_458 = arith.constant 29 : i32
      %swap3A_459 = arith.index_cast %swap3A_458 : i32 to index
      %swap3A_460 = arith.index_cast %mul3A_457 : i32 to index
      %swap3A_461 = tpu.vector_load %arg8[%swap3A_459, %swap3A_460] {strides = array<i32>} : memref<40x1024xf32, #tpu.memory_space<vmem>>, vector<16xf32>,
      tpu.vector_store %arg8[%swap3A_459, %swap3A_460], %mul3A_16 {strides = array<i32>} : memref<40x1024xf32, #tpu.memory_space<vmem>>, vector<16xf32>,
      %mul3A_462 = arith.constant 16 : i32
      %mul3A_463 = arith.muli %scan3A_106, %mul3A_462 : i32
      %swap3A_464 = arith.constant 29 : i32
      %swap3A_465 = arith.index_cast %swap3A_464 : i32 to index
      %swap3A_466 = arith.index_cast %mul3A_463 : i32 to index
      %swap3A_467 = tpu.vector_load %arg9[%swap3A_465, %swap3A_466] {strides = array<i32>} : memref<40x1024xf32, #tpu.memory_space<vmem>>, vector<16xf32>,
      tpu.vector_store %arg9[%swap3A_465, %swap3A_466], %mul3A_16 {strides = array<i32>} : memref<40x1024xf32, #tpu.memory_space<vmem>>, vector<16xf32>,
      %mul3A_468 = arith.constant 16 : i32
      %mul3A_469 = arith.muli %scan3A_106, %mul3A_468 : i32
      %swap3A_470 = arith.constant 30 : i32
      %swap3A_471 = arith.index_cast %swap3A_470 : i32 to index
      %swap3A_472 = arith.index_cast %mul3A_469 : i32 to index
      %swap3A_473 = tpu.vector_load %arg8[%swap3A_471, %swap3A_472] {strides = array<i32>} : memref<40x1024xf32, #tpu.memory_space<vmem>>, vector<16xf32>,
      tpu.vector_store %arg8[%swap3A_471, %swap3A_472], %mul3A_16 {strides = array<i32>} : memref<40x1024xf32, #tpu.memory_space<vmem>>, vector<16xf32>,
      %mul3A_474 = arith.constant 16 : i32
      %mul3A_475 = arith.muli %scan3A_106, %mul3A_474 : i32
      %swap3A_476 = arith.constant 30 : i32
      %swap3A_477 = arith.index_cast %swap3A_476 : i32 to index
      %swap3A_478 = arith.index_cast %mul3A_475 : i32 to index
      %swap3A_479 = tpu.vector_load %arg9[%swap3A_477, %swap3A_478] {strides = array<i32>} : memref<40x1024xf32, #tpu.memory_space<vmem>>, vector<16xf32>,
      tpu.vector_store %arg9[%swap3A_477, %swap3A_478], %mul3A_16 {strides = array<i32>} : memref<40x1024xf32, #tpu.memory_space<vmem>>, vector<16xf32>,
      %mul3A_480 = arith.constant 16 : i32
      %mul3A_481 = arith.muli %scan3A_106, %mul3A_480 : i32
      %swap3A_482 = arith.constant 31 : i32
      %swap3A_483 = arith.index_cast %swap3A_482 : i32 to index
      %swap3A_484 = arith.index_cast %mul3A_481 : i32 to index
      %swap3A_485 = tpu.vector_load %arg8[%swap3A_483, %swap3A_484] {strides = array<i32>} : memref<40x1024xf32, #tpu.memory_space<vmem>>, vector<16xf32>,
      tpu.vector_store %arg8[%swap3A_483, %swap3A_484], %mul3A_16 {strides = array<i32>} : memref<40x1024xf32, #tpu.memory_space<vmem>>, vector<16xf32>,
      %mul3A_486 = arith.constant 16 : i32
      %mul3A_487 = arith.muli %scan3A_106, %mul3A_486 : i32
      %swap3A_488 = arith.constant 31 : i32
      %swap3A_489 = arith.index_cast %swap3A_488 : i32 to index
      %swap3A_490 = arith.index_cast %mul3A_487 : i32 to index
      %swap3A_491 = tpu.vector_load %arg9[%swap3A_489, %swap3A_490] {strides = array<i32>} : memref<40x1024xf32, #tpu.memory_space<vmem>>, vector<16xf32>,
      tpu.vector_store %arg9[%swap3A_489, %swap3A_490], %mul3A_16 {strides = array<i32>} : memref<40x1024xf32, #tpu.memory_space<vmem>>, vector<16xf32>,
      %mul3A_492 = arith.constant 16 : i32
      %mul3A_493 = arith.muli %scan3A_106, %mul3A_492 : i32
      %swap3A_494 = arith.constant 32 : i32
      %swap3A_495 = arith.index_cast %swap3A_494 : i32 to index
      %swap3A_496 = arith.index_cast %mul3A_493 : i32 to index
      %swap3A_497 = tpu.vector_load %arg8[%swap3A_495, %swap3A_496] {strides = array<i32>} : memref<40x1024xf32, #tpu.memory_space<vmem>>, vector<16xf32>,
      tpu.vector_store %arg8[%swap3A_495, %swap3A_496], %mul3A_16 {strides = array<i32>} : memref<40x1024xf32, #tpu.memory_space<vmem>>, vector<16xf32>,
      %mul3A_498 = arith.constant 16 : i32
      %mul3A_499 = arith.muli %scan3A_106, %mul3A_498 : i32
      %swap3A_500 = arith.constant 32 : i32
      %swap3A_501 = arith.index_cast %swap3A_500 : i32 to index
      %swap3A_502 = arith.index_cast %mul3A_499 : i32 to index
      %swap3A_503 = tpu.vector_load %arg9[%swap3A_501, %swap3A_502] {strides = array<i32>} : memref<40x1024xf32, #tpu.memory_space<vmem>>, vector<16xf32>,
      tpu.vector_store %arg9[%swap3A_501, %swap3A_502], %mul3A_16 {strides = array<i32>} : memref<40x1024xf32, #tpu.memory_space<vmem>>, vector<16xf32>,
      %mul3A_504 = arith.constant 16 : i32
      %mul3A_505 = arith.muli %scan3A_106, %mul3A_504 : i32
      %swap3A_506 = arith.constant 33 : i32
      %swap3A_507 = arith.index_cast %swap3A_506 : i32 to index
      %swap3A_508 = arith.index_cast %mul3A_505 : i32 to index
      %swap3A_509 = tpu.vector_load %arg8[%swap3A_507, %swap3A_508] {strides = array<i32>} : memref<40x1024xf32, #tpu.memory_space<vmem>>, vector<16xf32>,
      tpu.vector_store %arg8[%swap3A_507, %swap3A_508], %mul3A_16 {strides = array<i32>} : memref<40x1024xf32, #tpu.memory_space<vmem>>, vector<16xf32>,
      %mul3A_510 = arith.constant 16 : i32
      %mul3A_511 = arith.muli %scan3A_106, %mul3A_510 : i32
      %swap3A_512 = arith.constant 33 : i32
      %swap3A_513 = arith.index_cast %swap3A_512 : i32 to index
      %swap3A_514 = arith.index_cast %mul3A_511 : i32 to index
      %swap3A_515 = tpu.vector_load %arg9[%swap3A_513, %swap3A_514] {strides = array<i32>} : memref<40x1024xf32, #tpu.memory_space<vmem>>, vector<16xf32>,
      tpu.vector_store %arg9[%swap3A_513, %swap3A_514], %mul3A_16 {strides = array<i32>} : memref<40x1024xf32, #tpu.memory_space<vmem>>, vector<16xf32>,
      %mul3A_516 = arith.constant 16 : i32
      %mul3A_517 = arith.muli %scan3A_106, %mul3A_516 : i32
      %swap3A_518 = arith.constant 34 : i32
      %swap3A_519 = arith.index_cast %swap3A_518 : i32 to index
      %swap3A_520 = arith.index_cast %mul3A_517 : i32 to index
      %swap3A_521 = tpu.vector_load %arg8[%swap3A_519, %swap3A_520] {strides = array<i32>} : memref<40x1024xf32, #tpu.memory_space<vmem>>, vector<16xf32>,
      tpu.vector_store %arg8[%swap3A_519, %swap3A_520], %mul3A_16 {strides = array<i32>} : memref<40x1024xf32, #tpu.memory_space<vmem>>, vector<16xf32>,
      %mul3A_522 = arith.constant 16 : i32
      %mul3A_523 = arith.muli %scan3A_106, %mul3A_522 : i32
      %swap3A_524 = arith.constant 34 : i32
      %swap3A_525 = arith.index_cast %swap3A_524 : i32 to index
      %swap3A_526 = arith.index_cast %mul3A_523 : i32 to index
      %swap3A_527 = tpu.vector_load %arg9[%swap3A_525, %swap3A_526] {strides = array<i32>} : memref<40x1024xf32, #tpu.memory_space<vmem>>, vector<16xf32>,
      tpu.vector_store %arg9[%swap3A_525, %swap3A_526], %mul3A_16 {strides = array<i32>} : memref<40x1024xf32, #tpu.memory_space<vmem>>, vector<16xf32>,
      %mul3A_528 = arith.constant 16 : i32
      %mul3A_529 = arith.muli %scan3A_106, %mul3A_528 : i32
      %swap3A_530 = arith.constant 35 : i32
      %swap3A_531 = arith.index_cast %swap3A_530 : i32 to index
      %swap3A_532 = arith.index_cast %mul3A_529 : i32 to index
      %swap3A_533 = tpu.vector_load %arg8[%swap3A_531, %swap3A_532] {strides = array<i32>} : memref<40x1024xf32, #tpu.memory_space<vmem>>, vector<16xf32>,
      tpu.vector_store %arg8[%swap3A_531, %swap3A_532], %mul3A_16 {strides = array<i32>} : memref<40x1024xf32, #tpu.memory_space<vmem>>, vector<16xf32>,
      %mul3A_534 = arith.constant 16 : i32
      %mul3A_535 = arith.muli %scan3A_106, %mul3A_534 : i32
      %swap3A_536 = arith.constant 35 : i32
      %swap3A_537 = arith.index_cast %swap3A_536 : i32 to index
      %swap3A_538 = arith.index_cast %mul3A_535 : i32 to index
      %swap3A_539 = tpu.vector_load %arg9[%swap3A_537, %swap3A_538] {strides = array<i32>} : memref<40x1024xf32, #tpu.memory_space<vmem>>, vector<16xf32>,
      tpu.vector_store %arg9[%swap3A_537, %swap3A_538], %mul3A_16 {strides = array<i32>} : memref<40x1024xf32, #tpu.memory_space<vmem>>, vector<16xf32>,
      %mul3A_540 = arith.constant 16 : i32
      %mul3A_541 = arith.muli %scan3A_106, %mul3A_540 : i32
      %swap3A_542 = arith.constant 36 : i32
      %swap3A_543 = arith.index_cast %swap3A_542 : i32 to index
      %swap3A_544 = arith.index_cast %mul3A_541 : i32 to index
      %swap3A_545 = tpu.vector_load %arg8[%swap3A_543, %swap3A_544] {strides = array<i32>} : memref<40x1024xf32, #tpu.memory_space<vmem>>, vector<16xf32>,
      tpu.vector_store %arg8[%swap3A_543, %swap3A_544], %mul3A_16 {strides = array<i32>} : memref<40x1024xf32, #tpu.memory_space<vmem>>, vector<16xf32>,
      %mul3A_546 = arith.constant 16 : i32
      %mul3A_547 = arith.muli %scan3A_106, %mul3A_546 : i32
      %swap3A_548 = arith.constant 36 : i32
      %swap3A_549 = arith.index_cast %swap3A_548 : i32 to index
      %swap3A_550 = arith.index_cast %mul3A_547 : i32 to index
      %swap3A_551 = tpu.vector_load %arg9[%swap3A_549, %swap3A_550] {strides = array<i32>} : memref<40x1024xf32, #tpu.memory_space<vmem>>, vector<16xf32>,
      tpu.vector_store %arg9[%swap3A_549, %swap3A_550], %mul3A_16 {strides = array<i32>} : memref<40x1024xf32, #tpu.memory_space<vmem>>, vector<16xf32>,
      %mul3A_552 = arith.constant 16 : i32
      %mul3A_553 = arith.muli %scan3A_106, %mul3A_552 : i32
      %swap3A_554 = arith.constant 37 : i32
      %swap3A_555 = arith.index_cast %swap3A_554 : i32 to index
      %swap3A_556 = arith.index_cast %mul3A_553 : i32 to index
      %swap3A_557 = tpu.vector_load %arg8[%swap3A_555, %swap3A_556] {strides = array<i32>} : memref<40x1024xf32, #tpu.memory_space<vmem>>, vector<16xf32>,
      tpu.vector_store %arg8[%swap3A_555, %swap3A_556], %mul3A_16 {strides = array<i32>} : memref<40x1024xf32, #tpu.memory_space<vmem>>, vector<16xf32>,
      %mul3A_558 = arith.constant 16 : i32
      %mul3A_559 = arith.muli %scan3A_106, %mul3A_558 : i32
      %swap3A_560 = arith.constant 37 : i32
      %swap3A_561 = arith.index_cast %swap3A_560 : i32 to index
      %swap3A_562 = arith.index_cast %mul3A_559 : i32 to index
      %swap3A_563 = tpu.vector_load %arg9[%swap3A_561, %swap3A_562] {strides = array<i32>} : memref<40x1024xf32, #tpu.memory_space<vmem>>, vector<16xf32>,
      tpu.vector_store %arg9[%swap3A_561, %swap3A_562], %mul3A_16 {strides = array<i32>} : memref<40x1024xf32, #tpu.memory_space<vmem>>, vector<16xf32>,
      %mul3A_564 = arith.constant 16 : i32
      %mul3A_565 = arith.muli %scan3A_106, %mul3A_564 : i32
      %swap3A_566 = arith.constant 38 : i32
      %swap3A_567 = arith.index_cast %swap3A_566 : i32 to index
      %swap3A_568 = arith.index_cast %mul3A_565 : i32 to index
      %swap3A_569 = tpu.vector_load %arg8[%swap3A_567, %swap3A_568] {strides = array<i32>} : memref<40x1024xf32, #tpu.memory_space<vmem>>, vector<16xf32>,
      tpu.vector_store %arg8[%swap3A_567, %swap3A_568], %mul3A_16 {strides = array<i32>} : memref<40x1024xf32, #tpu.memory_space<vmem>>, vector<16xf32>,
      %mul3A_570 = arith.constant 16 : i32
      %mul3A_571 = arith.muli %scan3A_106, %mul3A_570 : i32
      %swap3A_572 = arith.constant 38 : i32
      %swap3A_573 = arith.index_cast %swap3A_572 : i32 to index
      %swap3A_574 = arith.index_cast %mul3A_571 : i32 to index
      %swap3A_575 = tpu.vector_load %arg9[%swap3A_573, %swap3A_574] {strides = array<i32>} : memref<40x1024xf32, #tpu.memory_space<vmem>>, vector<16xf32>,
      tpu.vector_store %arg9[%swap3A_573, %swap3A_574], %mul3A_16 {strides = array<i32>} : memref<40x1024xf32, #tpu.memory_space<vmem>>, vector<16xf32>,
      %mul3A_576 = arith.constant 16 : i32
      %mul3A_577 = arith.muli %scan3A_106, %mul3A_576 : i32
      %swap3A_578 = arith.constant 39 : i32
      %swap3A_579 = arith.index_cast %swap3A_578 : i32 to index
      %swap3A_580 = arith.index_cast %mul3A_577 : i32 to index
      %swap3A_581 = tpu.vector_load %arg8[%swap3A_579, %swap3A_580] {strides = array<i32>} : memref<40x1024xf32, #tpu.memory_space<vmem>>, vector<16xf32>,
      tpu.vector_store %arg8[%swap3A_579, %swap3A_580], %mul3A_16 {strides = array<i32>} : memref<40x1024xf32, #tpu.memory_space<vmem>>, vector<16xf32>,
      %mul3A_582 = arith.constant 16 : i32
      %mul3A_583 = arith.muli %scan3A_106, %mul3A_582 : i32
      %swap3A_584 = arith.constant 39 : i32
      %swap3A_585 = arith.index_cast %swap3A_584 : i32 to index
      %swap3A_586 = arith.index_cast %mul3A_583 : i32 to index
      %swap3A_587 = tpu.vector_load %arg9[%swap3A_585, %swap3A_586] {strides = array<i32>} : memref<40x1024xf32, #tpu.memory_space<vmem>>, vector<16xf32>,
      tpu.vector_store %arg9[%swap3A_585, %swap3A_586], %mul3A_16 {strides = array<i32>} : memref<40x1024xf32, #tpu.memory_space<vmem>>, vector<16xf32>,
      %scan3A_588 = arith.constant 0 : i32
      scf.yield %scan3A_588 : i32
    }
    %scan3A_25 = arith.constant 64 : i32
    %add3A_26 = arith.addi %mul3A_8, %mul3A_12 : i32
    %broadcast_in_dim3A = arith.constant 0 : i32
    %broadcast_in_dim3A_27 = vector.broadcast %broadcast_in_dim3A : i32 to vector<16xi32>
    "tpu.region"() ({
      %run_scoped3A = tpu.sem_alloc : memref<!tpu.dma_semaphore, #tpu.memory_space<semaphore_mem>>
      %dma_start3A = arith.constant 0 : i32
      %dma_start3A_106 = tpu.memref_slice %arg2[%dma_start3A] : memref<26624xi32, #tpu.memory_space<hbm>> -> memref<6656xi32, #tpu.memory_space<hbm>>
      %dma_start3A_107 = arith.constant 0 : i32
      %dma_start3A_108 = tpu.memref_slice %arg2[%dma_start3A_107] : memref<26624xi32, #tpu.memory_space<hbm>> -> memref<6656xi32, #tpu.memory_space<hbm>>
      tpu.enqueue_dma source(%dma_start3A_108 : memref<6656xi32, #tpu.memory_space<hbm>>) target(%arg5 : memref<6656xi32, #tpu.memory_space<vmem>>) target_semaphore(%run_scoped3A : memref<!tpu.dma_semaphore, #tpu.memory_space<semaphore_mem>>)
      %dma_wait3A_109 = arith.constant 0 : i32
      %dma_wait3A_110 = tpu.memref_slice %arg2[%dma_wait3A_109] : memref<26624xi32, #tpu.memory_space<hbm>> -> memref<6656xi32, #tpu.memory_space<hbm>>
      %dma_wait3A_111 = arith.constant 0 : i32
      %dma_wait3A_112 = tpu.memref_slice %arg2[%dma_wait3A_111] : memref<26624xi32, #tpu.memory_space<hbm>> -> memref<6656xi32, #tpu.memory_space<hbm>>
      tpu.wait_dma2 semaphore(%run_scoped3A : memref<!tpu.dma_semaphore, #tpu.memory_space<semaphore_mem>>) src(%dma_wait3A_112 : memref<6656xi32, #tpu.memory_space<hbm>>) dst(%arg5 : memref<6656xi32, #tpu.memory_space<vmem>>)
      tpu.yield
    }) : () -> ()
    %add3A_28 = arith.constant 0 : i32
    %add3A_29 = vector.broadcast %add3A_28 : i32 to vector<16xi32>
    %add3A_30 = arith.addi %add3A_29, %iota3A : vector<16xi32>
    %scan3A_31 = arith.constant 0 : i32
    %scan3A_32 = arith.constant 104 : i32
    %scan3A_33 = arith.addi %scan3A_31, %scan3A_32 : i32
    %scan3A_34 = arith.constant 1 : i32
    %scan3A_35:2 = scf.for %scan3A_106 = %scan3A_31 to %scan3A_33 step %scan3A_34 iter_args(%scan3A_107 = %broadcast_in_dim3A_27, %scan3A_108 = %add3A_30) -> (vector<16xi32>, vector<16xi32>)  : i32 {
      %mul3A_109 = arith.constant 4 : i32
      %mul3A_110 = arith.muli %scan3A_106, %mul3A_109 : i32
      %add3A_111 = arith.constant 0 : i32
      %add3A_112 = arith.addi %mul3A_110, %add3A_111 : i32
      %mul3A_113 = arith.constant 16 : i32
      %mul3A_114 = arith.muli %add3A_112, %mul3A_113 : i32
      %get3A_115 = arith.index_cast %mul3A_114 : i32 to index
      %get3A_116 = tpu.vector_load %arg5[%get3A_115] {strides = array<i32>} : memref<6656xi32, #tpu.memory_space<vmem>>, vector<16xi32>,
      %ge3A = vector.broadcast %mul3A_8 : i32 to vector<16xi32>
      %ge3A_117 = arith.cmpi sge, %get3A_116, %ge3A : vector<16xi32>
      %lt3A_118 = vector.broadcast %add3A_26 : i32 to vector<16xi32>
      %lt3A_119 = arith.cmpi slt, %get3A_116, %lt3A_118 : vector<16xi32>
      %and3A = arith.andi %ge3A_117, %lt3A_119 : vector<16xi1>
      %sub3A_120 = vector.broadcast %mul3A_8 : i32 to vector<16xi32>
      %sub3A_121 = arith.subi %get3A_116, %sub3A_120 : vector<16xi32>
      %shift_left3A_122 = arith.constant 15 : i32
      %shift_left3A_123 = vector.broadcast %shift_left3A_122 : i32 to vector<16xi32>
      %shift_left3A_124 = arith.shli %sub3A_121, %shift_left3A_123 : vector<16xi32>
      %or3A = arith.ori %shift_left3A_124, %scan3A_108 : vector<16xi32>
      %convert_element_type3A_125 = arith.extui %and3A : vector<16xi1> to vector<16xi32>
      %broadcast_in_dim3A_126 = arith.constant true
      %broadcast_in_dim3A_127 = vector.broadcast %broadcast_in_dim3A_126 : i1 to vector<16xi1>
      %masked_cumsum3A = tpu.scan <sum>, %convert_element_type3A_125 masked %broadcast_in_dim3A_127 : vector<16xi32>, vector<16xi1> -> vector<16xi32>
      %add3A_128 = arith.addi %scan3A_107, %masked_cumsum3A : vector<16xi32>
      %sub3A_129 = arith.constant 1 : i32
      %sub3A_130 = vector.broadcast %sub3A_129 : i32 to vector<16xi32>
      %sub3A_131 = arith.subi %add3A_128, %sub3A_130 : vector<16xi32>
      %jit3A_132 = arith.constant 0 : i32
      %broadcast_in_dim3A_133 = vector.broadcast %jit3A_132 : i32 to vector<16xi32>
      %select_n3A_134 = arith.select %and3A, %sub3A_131, %broadcast_in_dim3A_133 : vector<16xi1>, vector<16xi32>
      tpu.vector_store_idx %arg6[%select_n3A_134], %or3A masked %and3A : memref<26688xi32, #tpu.memory_space<vmem>>[vector<16xi32>], vector<16xi32>, vector<16xi1>
      %all_reduce_population_count3A = tpu.all_reduce %and3A {dim = 0 : i64, kind = #tpu.reduction_kind<sum>} : vector<16xi1> -> vector<16xi32>
      %add3A_135 = arith.addi %scan3A_107, %all_reduce_population_count3A : vector<16xi32>
      %add3A_136 = arith.constant 16 : i32
      %add3A_137 = vector.broadcast %add3A_136 : i32 to vector<16xi32>
      %add3A_138 = arith.addi %scan3A_108, %add3A_137 : vector<16xi32>
      %mul3A_139 = arith.constant 4 : i32
      %mul3A_140 = arith.muli %scan3A_106, %mul3A_139 : i32
      %add3A_141 = arith.constant 1 : i32
      %add3A_142 = arith.addi %mul3A_140, %add3A_141 : i32
      %mul3A_143 = arith.constant 16 : i32
      %mul3A_144 = arith.muli %add3A_142, %mul3A_143 : i32
      %get3A_145 = arith.index_cast %mul3A_144 : i32 to index
      %get3A_146 = tpu.vector_load %arg5[%get3A_145] {strides = array<i32>} : memref<6656xi32, #tpu.memory_space<vmem>>, vector<16xi32>,
      %ge3A_147 = vector.broadcast %mul3A_8 : i32 to vector<16xi32>
      %ge3A_148 = arith.cmpi sge, %get3A_146, %ge3A_147 : vector<16xi32>
      %lt3A_149 = vector.broadcast %add3A_26 : i32 to vector<16xi32>
      %lt3A_150 = arith.cmpi slt, %get3A_146, %lt3A_149 : vector<16xi32>
      %and3A_151 = arith.andi %ge3A_148, %lt3A_150 : vector<16xi1>
      %sub3A_152 = vector.broadcast %mul3A_8 : i32 to vector<16xi32>
      %sub3A_153 = arith.subi %get3A_146, %sub3A_152 : vector<16xi32>
      %shift_left3A_154 = arith.constant 15 : i32
      %shift_left3A_155 = vector.broadcast %shift_left3A_154 : i32 to vector<16xi32>
      %shift_left3A_156 = arith.shli %sub3A_153, %shift_left3A_155 : vector<16xi32>
      %or3A_157 = arith.ori %shift_left3A_156, %add3A_138 : vector<16xi32>
      %convert_element_type3A_158 = arith.extui %and3A_151 : vector<16xi1> to vector<16xi32>
      %broadcast_in_dim3A_159 = arith.constant true
      %broadcast_in_dim3A_160 = vector.broadcast %broadcast_in_dim3A_159 : i1 to vector<16xi1>
      %masked_cumsum3A_161 = tpu.scan <sum>, %convert_element_type3A_158 masked %broadcast_in_dim3A_160 : vector<16xi32>, vector<16xi1> -> vector<16xi32>
      %add3A_162 = arith.addi %add3A_135, %masked_cumsum3A_161 : vector<16xi32>
      %sub3A_163 = arith.constant 1 : i32
      %sub3A_164 = vector.broadcast %sub3A_163 : i32 to vector<16xi32>
      %sub3A_165 = arith.subi %add3A_162, %sub3A_164 : vector<16xi32>
      %jit3A_166 = arith.constant 0 : i32
      %broadcast_in_dim3A_167 = vector.broadcast %jit3A_166 : i32 to vector<16xi32>
      %select_n3A_168 = arith.select %and3A_151, %sub3A_165, %broadcast_in_dim3A_167 : vector<16xi1>, vector<16xi32>
      tpu.vector_store_idx %arg6[%select_n3A_168], %or3A_157 masked %and3A_151 : memref<26688xi32, #tpu.memory_space<vmem>>[vector<16xi32>], vector<16xi32>, vector<16xi1>
      %all_reduce_population_count3A_169 = tpu.all_reduce %and3A_151 {dim = 0 : i64, kind = #tpu.reduction_kind<sum>} : vector<16xi1> -> vector<16xi32>
      %add3A_170 = arith.addi %add3A_135, %all_reduce_population_count3A_169 : vector<16xi32>
      %add3A_171 = arith.constant 16 : i32
      %add3A_172 = vector.broadcast %add3A_171 : i32 to vector<16xi32>
      %add3A_173 = arith.addi %add3A_138, %add3A_172 : vector<16xi32>
      %mul3A_174 = arith.constant 4 : i32
      %mul3A_175 = arith.muli %scan3A_106, %mul3A_174 : i32
      %add3A_176 = arith.constant 2 : i32
      %add3A_177 = arith.addi %mul3A_175, %add3A_176 : i32
      %mul3A_178 = arith.constant 16 : i32
      %mul3A_179 = arith.muli %add3A_177, %mul3A_178 : i32
      %get3A_180 = arith.index_cast %mul3A_179 : i32 to index
      %get3A_181 = tpu.vector_load %arg5[%get3A_180] {strides = array<i32>} : memref<6656xi32, #tpu.memory_space<vmem>>, vector<16xi32>,
      %ge3A_182 = vector.broadcast %mul3A_8 : i32 to vector<16xi32>
      %ge3A_183 = arith.cmpi sge, %get3A_181, %ge3A_182 : vector<16xi32>
      %lt3A_184 = vector.broadcast %add3A_26 : i32 to vector<16xi32>
      %lt3A_185 = arith.cmpi slt, %get3A_181, %lt3A_184 : vector<16xi32>
      %and3A_186 = arith.andi %ge3A_183, %lt3A_185 : vector<16xi1>
      %sub3A_187 = vector.broadcast %mul3A_8 : i32 to vector<16xi32>
      %sub3A_188 = arith.subi %get3A_181, %sub3A_187 : vector<16xi32>
      %shift_left3A_189 = arith.constant 15 : i32
      %shift_left3A_190 = vector.broadcast %shift_left3A_189 : i32 to vector<16xi32>
      %shift_left3A_191 = arith.shli %sub3A_188, %shift_left3A_190 : vector<16xi32>
      %or3A_192 = arith.ori %shift_left3A_191, %add3A_173 : vector<16xi32>
      %convert_element_type3A_193 = arith.extui %and3A_186 : vector<16xi1> to vector<16xi32>
      %broadcast_in_dim3A_194 = arith.constant true
      %broadcast_in_dim3A_195 = vector.broadcast %broadcast_in_dim3A_194 : i1 to vector<16xi1>
      %masked_cumsum3A_196 = tpu.scan <sum>, %convert_element_type3A_193 masked %broadcast_in_dim3A_195 : vector<16xi32>, vector<16xi1> -> vector<16xi32>
      %add3A_197 = arith.addi %add3A_170, %masked_cumsum3A_196 : vector<16xi32>
      %sub3A_198 = arith.constant 1 : i32
      %sub3A_199 = vector.broadcast %sub3A_198 : i32 to vector<16xi32>
      %sub3A_200 = arith.subi %add3A_197, %sub3A_199 : vector<16xi32>
      %jit3A_201 = arith.constant 0 : i32
      %broadcast_in_dim3A_202 = vector.broadcast %jit3A_201 : i32 to vector<16xi32>
      %select_n3A_203 = arith.select %and3A_186, %sub3A_200, %broadcast_in_dim3A_202 : vector<16xi1>, vector<16xi32>
      tpu.vector_store_idx %arg6[%select_n3A_203], %or3A_192 masked %and3A_186 : memref<26688xi32, #tpu.memory_space<vmem>>[vector<16xi32>], vector<16xi32>, vector<16xi1>
      %all_reduce_population_count3A_204 = tpu.all_reduce %and3A_186 {dim = 0 : i64, kind = #tpu.reduction_kind<sum>} : vector<16xi1> -> vector<16xi32>
      %add3A_205 = arith.addi %add3A_170, %all_reduce_population_count3A_204 : vector<16xi32>
      %add3A_206 = arith.constant 16 : i32
      %add3A_207 = vector.broadcast %add3A_206 : i32 to vector<16xi32>
      %add3A_208 = arith.addi %add3A_173, %add3A_207 : vector<16xi32>
      %mul3A_209 = arith.constant 4 : i32
      %mul3A_210 = arith.muli %scan3A_106, %mul3A_209 : i32
      %add3A_211 = arith.constant 3 : i32
      %add3A_212 = arith.addi %mul3A_210, %add3A_211 : i32
      %mul3A_213 = arith.constant 16 : i32
      %mul3A_214 = arith.muli %add3A_212, %mul3A_213 : i32
      %get3A_215 = arith.index_cast %mul3A_214 : i32 to index
      %get3A_216 = tpu.vector_load %arg5[%get3A_215] {strides = array<i32>} : memref<6656xi32, #tpu.memory_space<vmem>>, vector<16xi32>,
      %ge3A_217 = vector.broadcast %mul3A_8 : i32 to vector<16xi32>
      %ge3A_218 = arith.cmpi sge, %get3A_216, %ge3A_217 : vector<16xi32>
      %lt3A_219 = vector.broadcast %add3A_26 : i32 to vector<16xi32>
      %lt3A_220 = arith.cmpi slt, %get3A_216, %lt3A_219 : vector<16xi32>
      %and3A_221 = arith.andi %ge3A_218, %lt3A_220 : vector<16xi1>
      %sub3A_222 = vector.broadcast %mul3A_8 : i32 to vector<16xi32>
      %sub3A_223 = arith.subi %get3A_216, %sub3A_222 : vector<16xi32>
      %shift_left3A_224 = arith.constant 15 : i32
      %shift_left3A_225 = vector.broadcast %shift_left3A_224 : i32 to vector<16xi32>
      %shift_left3A_226 = arith.shli %sub3A_223, %shift_left3A_225 : vector<16xi32>
      %or3A_227 = arith.ori %shift_left3A_226, %add3A_208 : vector<16xi32>
      %convert_element_type3A_228 = arith.extui %and3A_221 : vector<16xi1> to vector<16xi32>
      %broadcast_in_dim3A_229 = arith.constant true
      %broadcast_in_dim3A_230 = vector.broadcast %broadcast_in_dim3A_229 : i1 to vector<16xi1>
      %masked_cumsum3A_231 = tpu.scan <sum>, %convert_element_type3A_228 masked %broadcast_in_dim3A_230 : vector<16xi32>, vector<16xi1> -> vector<16xi32>
      %add3A_232 = arith.addi %add3A_205, %masked_cumsum3A_231 : vector<16xi32>
      %sub3A_233 = arith.constant 1 : i32
      %sub3A_234 = vector.broadcast %sub3A_233 : i32 to vector<16xi32>
      %sub3A_235 = arith.subi %add3A_232, %sub3A_234 : vector<16xi32>
      %jit3A_236 = arith.constant 0 : i32
      %broadcast_in_dim3A_237 = vector.broadcast %jit3A_236 : i32 to vector<16xi32>
      %select_n3A_238 = arith.select %and3A_221, %sub3A_235, %broadcast_in_dim3A_237 : vector<16xi1>, vector<16xi32>
      tpu.vector_store_idx %arg6[%select_n3A_238], %or3A_227 masked %and3A_221 : memref<26688xi32, #tpu.memory_space<vmem>>[vector<16xi32>], vector<16xi32>, vector<16xi1>
      %all_reduce_population_count3A_239 = tpu.all_reduce %and3A_221 {dim = 0 : i64, kind = #tpu.reduction_kind<sum>} : vector<16xi1> -> vector<16xi32>
      %add3A_240 = arith.addi %add3A_205, %all_reduce_population_count3A_239 : vector<16xi32>
      %add3A_241 = arith.constant 16 : i32
      %add3A_242 = vector.broadcast %add3A_241 : i32 to vector<16xi32>
      %add3A_243 = arith.addi %add3A_208, %add3A_242 : vector<16xi32>
      scf.yield %add3A_240, %add3A_243 : vector<16xi32>, vector<16xi32>
    }
    %scan3A_36 = arith.constant 104 : i32
    "tpu.region"() ({
      %run_scoped3A = tpu.sem_alloc : memref<!tpu.dma_semaphore, #tpu.memory_space<semaphore_mem>>
      %dma_start3A = arith.constant 6656 : i32
      %dma_start3A_106 = tpu.memref_slice %arg2[%dma_start3A] : memref<26624xi32, #tpu.memory_space<hbm>> -> memref<6656xi32, #tpu.memory_space<hbm>>
      %dma_start3A_107 = arith.constant 6656 : i32
      %dma_start3A_108 = tpu.memref_slice %arg2[%dma_start3A_107] : memref<26624xi32, #tpu.memory_space<hbm>> -> memref<6656xi32, #tpu.memory_space<hbm>>
      tpu.enqueue_dma source(%dma_start3A_108 : memref<6656xi32, #tpu.memory_space<hbm>>) target(%arg5 : memref<6656xi32, #tpu.memory_space<vmem>>) target_semaphore(%run_scoped3A : memref<!tpu.dma_semaphore, #tpu.memory_space<semaphore_mem>>)
      %dma_wait3A_109 = arith.constant 6656 : i32
      %dma_wait3A_110 = tpu.memref_slice %arg2[%dma_wait3A_109] : memref<26624xi32, #tpu.memory_space<hbm>> -> memref<6656xi32, #tpu.memory_space<hbm>>
      %dma_wait3A_111 = arith.constant 6656 : i32
      %dma_wait3A_112 = tpu.memref_slice %arg2[%dma_wait3A_111] : memref<26624xi32, #tpu.memory_space<hbm>> -> memref<6656xi32, #tpu.memory_space<hbm>>
      tpu.wait_dma2 semaphore(%run_scoped3A : memref<!tpu.dma_semaphore, #tpu.memory_space<semaphore_mem>>) src(%dma_wait3A_112 : memref<6656xi32, #tpu.memory_space<hbm>>) dst(%arg5 : memref<6656xi32, #tpu.memory_space<vmem>>)
      tpu.yield
    }) : () -> ()
    %add3A_37 = arith.constant 6656 : i32
    %add3A_38 = vector.broadcast %add3A_37 : i32 to vector<16xi32>
    %add3A_39 = arith.addi %add3A_38, %iota3A : vector<16xi32>
    %scan3A_40 = arith.constant 0 : i32
    %scan3A_41 = arith.constant 104 : i32
    %scan3A_42 = arith.addi %scan3A_40, %scan3A_41 : i32
    %scan3A_43 = arith.constant 1 : i32
    %scan3A_44:2 = scf.for %scan3A_106 = %scan3A_40 to %scan3A_42 step %scan3A_43 iter_args(%scan3A_107 = %scan3A_35#0, %scan3A_108 = %add3A_39) -> (vector<16xi32>, vector<16xi32>)  : i32 {
      %mul3A_109 = arith.constant 4 : i32
      %mul3A_110 = arith.muli %scan3A_106, %mul3A_109 : i32
      %add3A_111 = arith.constant 0 : i32
      %add3A_112 = arith.addi %mul3A_110, %add3A_111 : i32
      %mul3A_113 = arith.constant 16 : i32
      %mul3A_114 = arith.muli %add3A_112, %mul3A_113 : i32
      %get3A_115 = arith.index_cast %mul3A_114 : i32 to index
      %get3A_116 = tpu.vector_load %arg5[%get3A_115] {strides = array<i32>} : memref<6656xi32, #tpu.memory_space<vmem>>, vector<16xi32>,
      %ge3A = vector.broadcast %mul3A_8 : i32 to vector<16xi32>
      %ge3A_117 = arith.cmpi sge, %get3A_116, %ge3A : vector<16xi32>
      %lt3A_118 = vector.broadcast %add3A_26 : i32 to vector<16xi32>
      %lt3A_119 = arith.cmpi slt, %get3A_116, %lt3A_118 : vector<16xi32>
      %and3A = arith.andi %ge3A_117, %lt3A_119 : vector<16xi1>
      %sub3A_120 = vector.broadcast %mul3A_8 : i32 to vector<16xi32>
      %sub3A_121 = arith.subi %get3A_116, %sub3A_120 : vector<16xi32>
      %shift_left3A_122 = arith.constant 15 : i32
      %shift_left3A_123 = vector.broadcast %shift_left3A_122 : i32 to vector<16xi32>
      %shift_left3A_124 = arith.shli %sub3A_121, %shift_left3A_123 : vector<16xi32>
      %or3A = arith.ori %shift_left3A_124, %scan3A_108 : vector<16xi32>
      %convert_element_type3A_125 = arith.extui %and3A : vector<16xi1> to vector<16xi32>
      %broadcast_in_dim3A_126 = arith.constant true
      %broadcast_in_dim3A_127 = vector.broadcast %broadcast_in_dim3A_126 : i1 to vector<16xi1>
      %masked_cumsum3A = tpu.scan <sum>, %convert_element_type3A_125 masked %broadcast_in_dim3A_127 : vector<16xi32>, vector<16xi1> -> vector<16xi32>
      %add3A_128 = arith.addi %scan3A_107, %masked_cumsum3A : vector<16xi32>
      %sub3A_129 = arith.constant 1 : i32
      %sub3A_130 = vector.broadcast %sub3A_129 : i32 to vector<16xi32>
      %sub3A_131 = arith.subi %add3A_128, %sub3A_130 : vector<16xi32>
      %jit3A_132 = arith.constant 0 : i32
      %broadcast_in_dim3A_133 = vector.broadcast %jit3A_132 : i32 to vector<16xi32>
      %select_n3A_134 = arith.select %and3A, %sub3A_131, %broadcast_in_dim3A_133 : vector<16xi1>, vector<16xi32>
      tpu.vector_store_idx %arg6[%select_n3A_134], %or3A masked %and3A : memref<26688xi32, #tpu.memory_space<vmem>>[vector<16xi32>], vector<16xi32>, vector<16xi1>
      %all_reduce_population_count3A = tpu.all_reduce %and3A {dim = 0 : i64, kind = #tpu.reduction_kind<sum>} : vector<16xi1> -> vector<16xi32>
      %add3A_135 = arith.addi %scan3A_107, %all_reduce_population_count3A : vector<16xi32>
      %add3A_136 = arith.constant 16 : i32
      %add3A_137 = vector.broadcast %add3A_136 : i32 to vector<16xi32>
      %add3A_138 = arith.addi %scan3A_108, %add3A_137 : vector<16xi32>
      %mul3A_139 = arith.constant 4 : i32
      %mul3A_140 = arith.muli %scan3A_106, %mul3A_139 : i32
      %add3A_141 = arith.constant 1 : i32
      %add3A_142 = arith.addi %mul3A_140, %add3A_141 : i32
      %mul3A_143 = arith.constant 16 : i32
      %mul3A_144 = arith.muli %add3A_142, %mul3A_143 : i32
      %get3A_145 = arith.index_cast %mul3A_144 : i32 to index
      %get3A_146 = tpu.vector_load %arg5[%get3A_145] {strides = array<i32>} : memref<6656xi32, #tpu.memory_space<vmem>>, vector<16xi32>,
      %ge3A_147 = vector.broadcast %mul3A_8 : i32 to vector<16xi32>
      %ge3A_148 = arith.cmpi sge, %get3A_146, %ge3A_147 : vector<16xi32>
      %lt3A_149 = vector.broadcast %add3A_26 : i32 to vector<16xi32>
      %lt3A_150 = arith.cmpi slt, %get3A_146, %lt3A_149 : vector<16xi32>
      %and3A_151 = arith.andi %ge3A_148, %lt3A_150 : vector<16xi1>
      %sub3A_152 = vector.broadcast %mul3A_8 : i32 to vector<16xi32>
      %sub3A_153 = arith.subi %get3A_146, %sub3A_152 : vector<16xi32>
      %shift_left3A_154 = arith.constant 15 : i32
      %shift_left3A_155 = vector.broadcast %shift_left3A_154 : i32 to vector<16xi32>
      %shift_left3A_156 = arith.shli %sub3A_153, %shift_left3A_155 : vector<16xi32>
      %or3A_157 = arith.ori %shift_left3A_156, %add3A_138 : vector<16xi32>
      %convert_element_type3A_158 = arith.extui %and3A_151 : vector<16xi1> to vector<16xi32>
      %broadcast_in_dim3A_159 = arith.constant true
      %broadcast_in_dim3A_160 = vector.broadcast %broadcast_in_dim3A_159 : i1 to vector<16xi1>
      %masked_cumsum3A_161 = tpu.scan <sum>, %convert_element_type3A_158 masked %broadcast_in_dim3A_160 : vector<16xi32>, vector<16xi1> -> vector<16xi32>
      %add3A_162 = arith.addi %add3A_135, %masked_cumsum3A_161 : vector<16xi32>
      %sub3A_163 = arith.constant 1 : i32
      %sub3A_164 = vector.broadcast %sub3A_163 : i32 to vector<16xi32>
      %sub3A_165 = arith.subi %add3A_162, %sub3A_164 : vector<16xi32>
      %jit3A_166 = arith.constant 0 : i32
      %broadcast_in_dim3A_167 = vector.broadcast %jit3A_166 : i32 to vector<16xi32>
      %select_n3A_168 = arith.select %and3A_151, %sub3A_165, %broadcast_in_dim3A_167 : vector<16xi1>, vector<16xi32>
      tpu.vector_store_idx %arg6[%select_n3A_168], %or3A_157 masked %and3A_151 : memref<26688xi32, #tpu.memory_space<vmem>>[vector<16xi32>], vector<16xi32>, vector<16xi1>
      %all_reduce_population_count3A_169 = tpu.all_reduce %and3A_151 {dim = 0 : i64, kind = #tpu.reduction_kind<sum>} : vector<16xi1> -> vector<16xi32>
      %add3A_170 = arith.addi %add3A_135, %all_reduce_population_count3A_169 : vector<16xi32>
      %add3A_171 = arith.constant 16 : i32
      %add3A_172 = vector.broadcast %add3A_171 : i32 to vector<16xi32>
      %add3A_173 = arith.addi %add3A_138, %add3A_172 : vector<16xi32>
      %mul3A_174 = arith.constant 4 : i32
      %mul3A_175 = arith.muli %scan3A_106, %mul3A_174 : i32
      %add3A_176 = arith.constant 2 : i32
      %add3A_177 = arith.addi %mul3A_175, %add3A_176 : i32
      %mul3A_178 = arith.constant 16 : i32
      %mul3A_179 = arith.muli %add3A_177, %mul3A_178 : i32
      %get3A_180 = arith.index_cast %mul3A_179 : i32 to index
      %get3A_181 = tpu.vector_load %arg5[%get3A_180] {strides = array<i32>} : memref<6656xi32, #tpu.memory_space<vmem>>, vector<16xi32>,
      %ge3A_182 = vector.broadcast %mul3A_8 : i32 to vector<16xi32>
      %ge3A_183 = arith.cmpi sge, %get3A_181, %ge3A_182 : vector<16xi32>
      %lt3A_184 = vector.broadcast %add3A_26 : i32 to vector<16xi32>
      %lt3A_185 = arith.cmpi slt, %get3A_181, %lt3A_184 : vector<16xi32>
      %and3A_186 = arith.andi %ge3A_183, %lt3A_185 : vector<16xi1>
      %sub3A_187 = vector.broadcast %mul3A_8 : i32 to vector<16xi32>
      %sub3A_188 = arith.subi %get3A_181, %sub3A_187 : vector<16xi32>
      %shift_left3A_189 = arith.constant 15 : i32
      %shift_left3A_190 = vector.broadcast %shift_left3A_189 : i32 to vector<16xi32>
      %shift_left3A_191 = arith.shli %sub3A_188, %shift_left3A_190 : vector<16xi32>
      %or3A_192 = arith.ori %shift_left3A_191, %add3A_173 : vector<16xi32>
      %convert_element_type3A_193 = arith.extui %and3A_186 : vector<16xi1> to vector<16xi32>
      %broadcast_in_dim3A_194 = arith.constant true
      %broadcast_in_dim3A_195 = vector.broadcast %broadcast_in_dim3A_194 : i1 to vector<16xi1>
      %masked_cumsum3A_196 = tpu.scan <sum>, %convert_element_type3A_193 masked %broadcast_in_dim3A_195 : vector<16xi32>, vector<16xi1> -> vector<16xi32>
      %add3A_197 = arith.addi %add3A_170, %masked_cumsum3A_196 : vector<16xi32>
      %sub3A_198 = arith.constant 1 : i32
      %sub3A_199 = vector.broadcast %sub3A_198 : i32 to vector<16xi32>
      %sub3A_200 = arith.subi %add3A_197, %sub3A_199 : vector<16xi32>
      %jit3A_201 = arith.constant 0 : i32
      %broadcast_in_dim3A_202 = vector.broadcast %jit3A_201 : i32 to vector<16xi32>
      %select_n3A_203 = arith.select %and3A_186, %sub3A_200, %broadcast_in_dim3A_202 : vector<16xi1>, vector<16xi32>
      tpu.vector_store_idx %arg6[%select_n3A_203], %or3A_192 masked %and3A_186 : memref<26688xi32, #tpu.memory_space<vmem>>[vector<16xi32>], vector<16xi32>, vector<16xi1>
      %all_reduce_population_count3A_204 = tpu.all_reduce %and3A_186 {dim = 0 : i64, kind = #tpu.reduction_kind<sum>} : vector<16xi1> -> vector<16xi32>
      %add3A_205 = arith.addi %add3A_170, %all_reduce_population_count3A_204 : vector<16xi32>
      %add3A_206 = arith.constant 16 : i32
      %add3A_207 = vector.broadcast %add3A_206 : i32 to vector<16xi32>
      %add3A_208 = arith.addi %add3A_173, %add3A_207 : vector<16xi32>
      %mul3A_209 = arith.constant 4 : i32
      %mul3A_210 = arith.muli %scan3A_106, %mul3A_209 : i32
      %add3A_211 = arith.constant 3 : i32
      %add3A_212 = arith.addi %mul3A_210, %add3A_211 : i32
      %mul3A_213 = arith.constant 16 : i32
      %mul3A_214 = arith.muli %add3A_212, %mul3A_213 : i32
      %get3A_215 = arith.index_cast %mul3A_214 : i32 to index
      %get3A_216 = tpu.vector_load %arg5[%get3A_215] {strides = array<i32>} : memref<6656xi32, #tpu.memory_space<vmem>>, vector<16xi32>,
      %ge3A_217 = vector.broadcast %mul3A_8 : i32 to vector<16xi32>
      %ge3A_218 = arith.cmpi sge, %get3A_216, %ge3A_217 : vector<16xi32>
      %lt3A_219 = vector.broadcast %add3A_26 : i32 to vector<16xi32>
      %lt3A_220 = arith.cmpi slt, %get3A_216, %lt3A_219 : vector<16xi32>
      %and3A_221 = arith.andi %ge3A_218, %lt3A_220 : vector<16xi1>
      %sub3A_222 = vector.broadcast %mul3A_8 : i32 to vector<16xi32>
      %sub3A_223 = arith.subi %get3A_216, %sub3A_222 : vector<16xi32>
      %shift_left3A_224 = arith.constant 15 : i32
      %shift_left3A_225 = vector.broadcast %shift_left3A_224 : i32 to vector<16xi32>
      %shift_left3A_226 = arith.shli %sub3A_223, %shift_left3A_225 : vector<16xi32>
      %or3A_227 = arith.ori %shift_left3A_226, %add3A_208 : vector<16xi32>
      %convert_element_type3A_228 = arith.extui %and3A_221 : vector<16xi1> to vector<16xi32>
      %broadcast_in_dim3A_229 = arith.constant true
      %broadcast_in_dim3A_230 = vector.broadcast %broadcast_in_dim3A_229 : i1 to vector<16xi1>
      %masked_cumsum3A_231 = tpu.scan <sum>, %convert_element_type3A_228 masked %broadcast_in_dim3A_230 : vector<16xi32>, vector<16xi1> -> vector<16xi32>
      %add3A_232 = arith.addi %add3A_205, %masked_cumsum3A_231 : vector<16xi32>
      %sub3A_233 = arith.constant 1 : i32
      %sub3A_234 = vector.broadcast %sub3A_233 : i32 to vector<16xi32>
      %sub3A_235 = arith.subi %add3A_232, %sub3A_234 : vector<16xi32>
      %jit3A_236 = arith.constant 0 : i32
      %broadcast_in_dim3A_237 = vector.broadcast %jit3A_236 : i32 to vector<16xi32>
      %select_n3A_238 = arith.select %and3A_221, %sub3A_235, %broadcast_in_dim3A_237 : vector<16xi1>, vector<16xi32>
      tpu.vector_store_idx %arg6[%select_n3A_238], %or3A_227 masked %and3A_221 : memref<26688xi32, #tpu.memory_space<vmem>>[vector<16xi32>], vector<16xi32>, vector<16xi1>
      %all_reduce_population_count3A_239 = tpu.all_reduce %and3A_221 {dim = 0 : i64, kind = #tpu.reduction_kind<sum>} : vector<16xi1> -> vector<16xi32>
      %add3A_240 = arith.addi %add3A_205, %all_reduce_population_count3A_239 : vector<16xi32>
      %add3A_241 = arith.constant 16 : i32
      %add3A_242 = vector.broadcast %add3A_241 : i32 to vector<16xi32>
      %add3A_243 = arith.addi %add3A_208, %add3A_242 : vector<16xi32>
      scf.yield %add3A_240, %add3A_243 : vector<16xi32>, vector<16xi32>
    }
    %scan3A_45 = arith.constant 104 : i32
    "tpu.region"() ({
      %run_scoped3A = tpu.sem_alloc : memref<!tpu.dma_semaphore, #tpu.memory_space<semaphore_mem>>
      %dma_start3A = arith.constant 13312 : i32
      %dma_start3A_106 = tpu.memref_slice %arg2[%dma_start3A] : memref<26624xi32, #tpu.memory_space<hbm>> -> memref<6656xi32, #tpu.memory_space<hbm>>
      %dma_start3A_107 = arith.constant 13312 : i32
      %dma_start3A_108 = tpu.memref_slice %arg2[%dma_start3A_107] : memref<26624xi32, #tpu.memory_space<hbm>> -> memref<6656xi32, #tpu.memory_space<hbm>>
      tpu.enqueue_dma source(%dma_start3A_108 : memref<6656xi32, #tpu.memory_space<hbm>>) target(%arg5 : memref<6656xi32, #tpu.memory_space<vmem>>) target_semaphore(%run_scoped3A : memref<!tpu.dma_semaphore, #tpu.memory_space<semaphore_mem>>)
      %dma_wait3A_109 = arith.constant 13312 : i32
      %dma_wait3A_110 = tpu.memref_slice %arg2[%dma_wait3A_109] : memref<26624xi32, #tpu.memory_space<hbm>> -> memref<6656xi32, #tpu.memory_space<hbm>>
      %dma_wait3A_111 = arith.constant 13312 : i32
      %dma_wait3A_112 = tpu.memref_slice %arg2[%dma_wait3A_111] : memref<26624xi32, #tpu.memory_space<hbm>> -> memref<6656xi32, #tpu.memory_space<hbm>>
      tpu.wait_dma2 semaphore(%run_scoped3A : memref<!tpu.dma_semaphore, #tpu.memory_space<semaphore_mem>>) src(%dma_wait3A_112 : memref<6656xi32, #tpu.memory_space<hbm>>) dst(%arg5 : memref<6656xi32, #tpu.memory_space<vmem>>)
      tpu.yield
    }) : () -> ()
    %add3A_46 = arith.constant 13312 : i32
    %add3A_47 = vector.broadcast %add3A_46 : i32 to vector<16xi32>
    %add3A_48 = arith.addi %add3A_47, %iota3A : vector<16xi32>
    %scan3A_49 = arith.constant 0 : i32
    %scan3A_50 = arith.constant 104 : i32
    %scan3A_51 = arith.addi %scan3A_49, %scan3A_50 : i32
    %scan3A_52 = arith.constant 1 : i32
    %scan3A_53:2 = scf.for %scan3A_106 = %scan3A_49 to %scan3A_51 step %scan3A_52 iter_args(%scan3A_107 = %scan3A_44#0, %scan3A_108 = %add3A_48) -> (vector<16xi32>, vector<16xi32>)  : i32 {
      %mul3A_109 = arith.constant 4 : i32
      %mul3A_110 = arith.muli %scan3A_106, %mul3A_109 : i32
      %add3A_111 = arith.constant 0 : i32
      %add3A_112 = arith.addi %mul3A_110, %add3A_111 : i32
      %mul3A_113 = arith.constant 16 : i32
      %mul3A_114 = arith.muli %add3A_112, %mul3A_113 : i32
      %get3A_115 = arith.index_cast %mul3A_114 : i32 to index
      %get3A_116 = tpu.vector_load %arg5[%get3A_115] {strides = array<i32>} : memref<6656xi32, #tpu.memory_space<vmem>>, vector<16xi32>,
      %ge3A = vector.broadcast %mul3A_8 : i32 to vector<16xi32>
      %ge3A_117 = arith.cmpi sge, %get3A_116, %ge3A : vector<16xi32>
      %lt3A_118 = vector.broadcast %add3A_26 : i32 to vector<16xi32>
      %lt3A_119 = arith.cmpi slt, %get3A_116, %lt3A_118 : vector<16xi32>
      %and3A = arith.andi %ge3A_117, %lt3A_119 : vector<16xi1>
      %sub3A_120 = vector.broadcast %mul3A_8 : i32 to vector<16xi32>
      %sub3A_121 = arith.subi %get3A_116, %sub3A_120 : vector<16xi32>
      %shift_left3A_122 = arith.constant 15 : i32
      %shift_left3A_123 = vector.broadcast %shift_left3A_122 : i32 to vector<16xi32>
      %shift_left3A_124 = arith.shli %sub3A_121, %shift_left3A_123 : vector<16xi32>
      %or3A = arith.ori %shift_left3A_124, %scan3A_108 : vector<16xi32>
      %convert_element_type3A_125 = arith.extui %and3A : vector<16xi1> to vector<16xi32>
      %broadcast_in_dim3A_126 = arith.constant true
      %broadcast_in_dim3A_127 = vector.broadcast %broadcast_in_dim3A_126 : i1 to vector<16xi1>
      %masked_cumsum3A = tpu.scan <sum>, %convert_element_type3A_125 masked %broadcast_in_dim3A_127 : vector<16xi32>, vector<16xi1> -> vector<16xi32>
      %add3A_128 = arith.addi %scan3A_107, %masked_cumsum3A : vector<16xi32>
      %sub3A_129 = arith.constant 1 : i32
      %sub3A_130 = vector.broadcast %sub3A_129 : i32 to vector<16xi32>
      %sub3A_131 = arith.subi %add3A_128, %sub3A_130 : vector<16xi32>
      %jit3A_132 = arith.constant 0 : i32
      %broadcast_in_dim3A_133 = vector.broadcast %jit3A_132 : i32 to vector<16xi32>
      %select_n3A_134 = arith.select %and3A, %sub3A_131, %broadcast_in_dim3A_133 : vector<16xi1>, vector<16xi32>
      tpu.vector_store_idx %arg6[%select_n3A_134], %or3A masked %and3A : memref<26688xi32, #tpu.memory_space<vmem>>[vector<16xi32>], vector<16xi32>, vector<16xi1>
      %all_reduce_population_count3A = tpu.all_reduce %and3A {dim = 0 : i64, kind = #tpu.reduction_kind<sum>} : vector<16xi1> -> vector<16xi32>
      %add3A_135 = arith.addi %scan3A_107, %all_reduce_population_count3A : vector<16xi32>
      %add3A_136 = arith.constant 16 : i32
      %add3A_137 = vector.broadcast %add3A_136 : i32 to vector<16xi32>
      %add3A_138 = arith.addi %scan3A_108, %add3A_137 : vector<16xi32>
      %mul3A_139 = arith.constant 4 : i32
      %mul3A_140 = arith.muli %scan3A_106, %mul3A_139 : i32
      %add3A_141 = arith.constant 1 : i32
      %add3A_142 = arith.addi %mul3A_140, %add3A_141 : i32
      %mul3A_143 = arith.constant 16 : i32
      %mul3A_144 = arith.muli %add3A_142, %mul3A_143 : i32
      %get3A_145 = arith.index_cast %mul3A_144 : i32 to index
      %get3A_146 = tpu.vector_load %arg5[%get3A_145] {strides = array<i32>} : memref<6656xi32, #tpu.memory_space<vmem>>, vector<16xi32>,
      %ge3A_147 = vector.broadcast %mul3A_8 : i32 to vector<16xi32>
      %ge3A_148 = arith.cmpi sge, %get3A_146, %ge3A_147 : vector<16xi32>
      %lt3A_149 = vector.broadcast %add3A_26 : i32 to vector<16xi32>
      %lt3A_150 = arith.cmpi slt, %get3A_146, %lt3A_149 : vector<16xi32>
      %and3A_151 = arith.andi %ge3A_148, %lt3A_150 : vector<16xi1>
      %sub3A_152 = vector.broadcast %mul3A_8 : i32 to vector<16xi32>
      %sub3A_153 = arith.subi %get3A_146, %sub3A_152 : vector<16xi32>
      %shift_left3A_154 = arith.constant 15 : i32
      %shift_left3A_155 = vector.broadcast %shift_left3A_154 : i32 to vector<16xi32>
      %shift_left3A_156 = arith.shli %sub3A_153, %shift_left3A_155 : vector<16xi32>
      %or3A_157 = arith.ori %shift_left3A_156, %add3A_138 : vector<16xi32>
      %convert_element_type3A_158 = arith.extui %and3A_151 : vector<16xi1> to vector<16xi32>
      %broadcast_in_dim3A_159 = arith.constant true
      %broadcast_in_dim3A_160 = vector.broadcast %broadcast_in_dim3A_159 : i1 to vector<16xi1>
      %masked_cumsum3A_161 = tpu.scan <sum>, %convert_element_type3A_158 masked %broadcast_in_dim3A_160 : vector<16xi32>, vector<16xi1> -> vector<16xi32>
      %add3A_162 = arith.addi %add3A_135, %masked_cumsum3A_161 : vector<16xi32>
      %sub3A_163 = arith.constant 1 : i32
      %sub3A_164 = vector.broadcast %sub3A_163 : i32 to vector<16xi32>
      %sub3A_165 = arith.subi %add3A_162, %sub3A_164 : vector<16xi32>
      %jit3A_166 = arith.constant 0 : i32
      %broadcast_in_dim3A_167 = vector.broadcast %jit3A_166 : i32 to vector<16xi32>
      %select_n3A_168 = arith.select %and3A_151, %sub3A_165, %broadcast_in_dim3A_167 : vector<16xi1>, vector<16xi32>
      tpu.vector_store_idx %arg6[%select_n3A_168], %or3A_157 masked %and3A_151 : memref<26688xi32, #tpu.memory_space<vmem>>[vector<16xi32>], vector<16xi32>, vector<16xi1>
      %all_reduce_population_count3A_169 = tpu.all_reduce %and3A_151 {dim = 0 : i64, kind = #tpu.reduction_kind<sum>} : vector<16xi1> -> vector<16xi32>
      %add3A_170 = arith.addi %add3A_135, %all_reduce_population_count3A_169 : vector<16xi32>
      %add3A_171 = arith.constant 16 : i32
      %add3A_172 = vector.broadcast %add3A_171 : i32 to vector<16xi32>
      %add3A_173 = arith.addi %add3A_138, %add3A_172 : vector<16xi32>
      %mul3A_174 = arith.constant 4 : i32
      %mul3A_175 = arith.muli %scan3A_106, %mul3A_174 : i32
      %add3A_176 = arith.constant 2 : i32
      %add3A_177 = arith.addi %mul3A_175, %add3A_176 : i32
      %mul3A_178 = arith.constant 16 : i32
      %mul3A_179 = arith.muli %add3A_177, %mul3A_178 : i32
      %get3A_180 = arith.index_cast %mul3A_179 : i32 to index
      %get3A_181 = tpu.vector_load %arg5[%get3A_180] {strides = array<i32>} : memref<6656xi32, #tpu.memory_space<vmem>>, vector<16xi32>,
      %ge3A_182 = vector.broadcast %mul3A_8 : i32 to vector<16xi32>
      %ge3A_183 = arith.cmpi sge, %get3A_181, %ge3A_182 : vector<16xi32>
      %lt3A_184 = vector.broadcast %add3A_26 : i32 to vector<16xi32>
      %lt3A_185 = arith.cmpi slt, %get3A_181, %lt3A_184 : vector<16xi32>
      %and3A_186 = arith.andi %ge3A_183, %lt3A_185 : vector<16xi1>
      %sub3A_187 = vector.broadcast %mul3A_8 : i32 to vector<16xi32>
      %sub3A_188 = arith.subi %get3A_181, %sub3A_187 : vector<16xi32>
      %shift_left3A_189 = arith.constant 15 : i32
      %shift_left3A_190 = vector.broadcast %shift_left3A_189 : i32 to vector<16xi32>
      %shift_left3A_191 = arith.shli %sub3A_188, %shift_left3A_190 : vector<16xi32>
      %or3A_192 = arith.ori %shift_left3A_191, %add3A_173 : vector<16xi32>
      %convert_element_type3A_193 = arith.extui %and3A_186 : vector<16xi1> to vector<16xi32>
      %broadcast_in_dim3A_194 = arith.constant true
      %broadcast_in_dim3A_195 = vector.broadcast %broadcast_in_dim3A_194 : i1 to vector<16xi1>
      %masked_cumsum3A_196 = tpu.scan <sum>, %convert_element_type3A_193 masked %broadcast_in_dim3A_195 : vector<16xi32>, vector<16xi1> -> vector<16xi32>
      %add3A_197 = arith.addi %add3A_170, %masked_cumsum3A_196 : vector<16xi32>
      %sub3A_198 = arith.constant 1 : i32
      %sub3A_199 = vector.broadcast %sub3A_198 : i32 to vector<16xi32>
      %sub3A_200 = arith.subi %add3A_197, %sub3A_199 : vector<16xi32>
      %jit3A_201 = arith.constant 0 : i32
      %broadcast_in_dim3A_202 = vector.broadcast %jit3A_201 : i32 to vector<16xi32>
      %select_n3A_203 = arith.select %and3A_186, %sub3A_200, %broadcast_in_dim3A_202 : vector<16xi1>, vector<16xi32>
      tpu.vector_store_idx %arg6[%select_n3A_203], %or3A_192 masked %and3A_186 : memref<26688xi32, #tpu.memory_space<vmem>>[vector<16xi32>], vector<16xi32>, vector<16xi1>
      %all_reduce_population_count3A_204 = tpu.all_reduce %and3A_186 {dim = 0 : i64, kind = #tpu.reduction_kind<sum>} : vector<16xi1> -> vector<16xi32>
      %add3A_205 = arith.addi %add3A_170, %all_reduce_population_count3A_204 : vector<16xi32>
      %add3A_206 = arith.constant 16 : i32
      %add3A_207 = vector.broadcast %add3A_206 : i32 to vector<16xi32>
      %add3A_208 = arith.addi %add3A_173, %add3A_207 : vector<16xi32>
      %mul3A_209 = arith.constant 4 : i32
      %mul3A_210 = arith.muli %scan3A_106, %mul3A_209 : i32
      %add3A_211 = arith.constant 3 : i32
      %add3A_212 = arith.addi %mul3A_210, %add3A_211 : i32
      %mul3A_213 = arith.constant 16 : i32
      %mul3A_214 = arith.muli %add3A_212, %mul3A_213 : i32
      %get3A_215 = arith.index_cast %mul3A_214 : i32 to index
      %get3A_216 = tpu.vector_load %arg5[%get3A_215] {strides = array<i32>} : memref<6656xi32, #tpu.memory_space<vmem>>, vector<16xi32>,
      %ge3A_217 = vector.broadcast %mul3A_8 : i32 to vector<16xi32>
      %ge3A_218 = arith.cmpi sge, %get3A_216, %ge3A_217 : vector<16xi32>
      %lt3A_219 = vector.broadcast %add3A_26 : i32 to vector<16xi32>
      %lt3A_220 = arith.cmpi slt, %get3A_216, %lt3A_219 : vector<16xi32>
      %and3A_221 = arith.andi %ge3A_218, %lt3A_220 : vector<16xi1>
      %sub3A_222 = vector.broadcast %mul3A_8 : i32 to vector<16xi32>
      %sub3A_223 = arith.subi %get3A_216, %sub3A_222 : vector<16xi32>
      %shift_left3A_224 = arith.constant 15 : i32
      %shift_left3A_225 = vector.broadcast %shift_left3A_224 : i32 to vector<16xi32>
      %shift_left3A_226 = arith.shli %sub3A_223, %shift_left3A_225 : vector<16xi32>
      %or3A_227 = arith.ori %shift_left3A_226, %add3A_208 : vector<16xi32>
      %convert_element_type3A_228 = arith.extui %and3A_221 : vector<16xi1> to vector<16xi32>
      %broadcast_in_dim3A_229 = arith.constant true
      %broadcast_in_dim3A_230 = vector.broadcast %broadcast_in_dim3A_229 : i1 to vector<16xi1>
      %masked_cumsum3A_231 = tpu.scan <sum>, %convert_element_type3A_228 masked %broadcast_in_dim3A_230 : vector<16xi32>, vector<16xi1> -> vector<16xi32>
      %add3A_232 = arith.addi %add3A_205, %masked_cumsum3A_231 : vector<16xi32>
      %sub3A_233 = arith.constant 1 : i32
      %sub3A_234 = vector.broadcast %sub3A_233 : i32 to vector<16xi32>
      %sub3A_235 = arith.subi %add3A_232, %sub3A_234 : vector<16xi32>
      %jit3A_236 = arith.constant 0 : i32
      %broadcast_in_dim3A_237 = vector.broadcast %jit3A_236 : i32 to vector<16xi32>
      %select_n3A_238 = arith.select %and3A_221, %sub3A_235, %broadcast_in_dim3A_237 : vector<16xi1>, vector<16xi32>
      tpu.vector_store_idx %arg6[%select_n3A_238], %or3A_227 masked %and3A_221 : memref<26688xi32, #tpu.memory_space<vmem>>[vector<16xi32>], vector<16xi32>, vector<16xi1>
      %all_reduce_population_count3A_239 = tpu.all_reduce %and3A_221 {dim = 0 : i64, kind = #tpu.reduction_kind<sum>} : vector<16xi1> -> vector<16xi32>
      %add3A_240 = arith.addi %add3A_205, %all_reduce_population_count3A_239 : vector<16xi32>
      %add3A_241 = arith.constant 16 : i32
      %add3A_242 = vector.broadcast %add3A_241 : i32 to vector<16xi32>
      %add3A_243 = arith.addi %add3A_208, %add3A_242 : vector<16xi32>
      scf.yield %add3A_240, %add3A_243 : vector<16xi32>, vector<16xi32>
    }
    %scan3A_54 = arith.constant 104 : i32
    "tpu.region"() ({
      %run_scoped3A = tpu.sem_alloc : memref<!tpu.dma_semaphore, #tpu.memory_space<semaphore_mem>>
      %dma_start3A = arith.constant 19968 : i32
      %dma_start3A_106 = tpu.memref_slice %arg2[%dma_start3A] : memref<26624xi32, #tpu.memory_space<hbm>> -> memref<6656xi32, #tpu.memory_space<hbm>>
      %dma_start3A_107 = arith.constant 19968 : i32
      %dma_start3A_108 = tpu.memref_slice %arg2[%dma_start3A_107] : memref<26624xi32, #tpu.memory_space<hbm>> -> memref<6656xi32, #tpu.memory_space<hbm>>
      tpu.enqueue_dma source(%dma_start3A_108 : memref<6656xi32, #tpu.memory_space<hbm>>) target(%arg5 : memref<6656xi32, #tpu.memory_space<vmem>>) target_semaphore(%run_scoped3A : memref<!tpu.dma_semaphore, #tpu.memory_space<semaphore_mem>>)
      %dma_wait3A_109 = arith.constant 19968 : i32
      %dma_wait3A_110 = tpu.memref_slice %arg2[%dma_wait3A_109] : memref<26624xi32, #tpu.memory_space<hbm>> -> memref<6656xi32, #tpu.memory_space<hbm>>
      %dma_wait3A_111 = arith.constant 19968 : i32
      %dma_wait3A_112 = tpu.memref_slice %arg2[%dma_wait3A_111] : memref<26624xi32, #tpu.memory_space<hbm>> -> memref<6656xi32, #tpu.memory_space<hbm>>
      tpu.wait_dma2 semaphore(%run_scoped3A : memref<!tpu.dma_semaphore, #tpu.memory_space<semaphore_mem>>) src(%dma_wait3A_112 : memref<6656xi32, #tpu.memory_space<hbm>>) dst(%arg5 : memref<6656xi32, #tpu.memory_space<vmem>>)
      tpu.yield
    }) : () -> ()
    %add3A_55 = arith.constant 19968 : i32
    %add3A_56 = vector.broadcast %add3A_55 : i32 to vector<16xi32>
    %add3A_57 = arith.addi %add3A_56, %iota3A : vector<16xi32>
    %scan3A_58 = arith.constant 0 : i32
    %scan3A_59 = arith.constant 104 : i32
    %scan3A_60 = arith.addi %scan3A_58, %scan3A_59 : i32
    %scan3A_61 = arith.constant 1 : i32
    %scan3A_62:2 = scf.for %scan3A_106 = %scan3A_58 to %scan3A_60 step %scan3A_61 iter_args(%scan3A_107 = %scan3A_53#0, %scan3A_108 = %add3A_57) -> (vector<16xi32>, vector<16xi32>)  : i32 {
      %mul3A_109 = arith.constant 4 : i32
      %mul3A_110 = arith.muli %scan3A_106, %mul3A_109 : i32
      %add3A_111 = arith.constant 0 : i32
      %add3A_112 = arith.addi %mul3A_110, %add3A_111 : i32
      %mul3A_113 = arith.constant 16 : i32
      %mul3A_114 = arith.muli %add3A_112, %mul3A_113 : i32
      %get3A_115 = arith.index_cast %mul3A_114 : i32 to index
      %get3A_116 = tpu.vector_load %arg5[%get3A_115] {strides = array<i32>} : memref<6656xi32, #tpu.memory_space<vmem>>, vector<16xi32>,
      %ge3A = vector.broadcast %mul3A_8 : i32 to vector<16xi32>
      %ge3A_117 = arith.cmpi sge, %get3A_116, %ge3A : vector<16xi32>
      %lt3A_118 = vector.broadcast %add3A_26 : i32 to vector<16xi32>
      %lt3A_119 = arith.cmpi slt, %get3A_116, %lt3A_118 : vector<16xi32>
      %and3A = arith.andi %ge3A_117, %lt3A_119 : vector<16xi1>
      %sub3A_120 = vector.broadcast %mul3A_8 : i32 to vector<16xi32>
      %sub3A_121 = arith.subi %get3A_116, %sub3A_120 : vector<16xi32>
      %shift_left3A_122 = arith.constant 15 : i32
      %shift_left3A_123 = vector.broadcast %shift_left3A_122 : i32 to vector<16xi32>
      %shift_left3A_124 = arith.shli %sub3A_121, %shift_left3A_123 : vector<16xi32>
      %or3A = arith.ori %shift_left3A_124, %scan3A_108 : vector<16xi32>
      %convert_element_type3A_125 = arith.extui %and3A : vector<16xi1> to vector<16xi32>
      %broadcast_in_dim3A_126 = arith.constant true
      %broadcast_in_dim3A_127 = vector.broadcast %broadcast_in_dim3A_126 : i1 to vector<16xi1>
      %masked_cumsum3A = tpu.scan <sum>, %convert_element_type3A_125 masked %broadcast_in_dim3A_127 : vector<16xi32>, vector<16xi1> -> vector<16xi32>
      %add3A_128 = arith.addi %scan3A_107, %masked_cumsum3A : vector<16xi32>
      %sub3A_129 = arith.constant 1 : i32
      %sub3A_130 = vector.broadcast %sub3A_129 : i32 to vector<16xi32>
      %sub3A_131 = arith.subi %add3A_128, %sub3A_130 : vector<16xi32>
      %jit3A_132 = arith.constant 0 : i32
      %broadcast_in_dim3A_133 = vector.broadcast %jit3A_132 : i32 to vector<16xi32>
      %select_n3A_134 = arith.select %and3A, %sub3A_131, %broadcast_in_dim3A_133 : vector<16xi1>, vector<16xi32>
      tpu.vector_store_idx %arg6[%select_n3A_134], %or3A masked %and3A : memref<26688xi32, #tpu.memory_space<vmem>>[vector<16xi32>], vector<16xi32>, vector<16xi1>
      %all_reduce_population_count3A = tpu.all_reduce %and3A {dim = 0 : i64, kind = #tpu.reduction_kind<sum>} : vector<16xi1> -> vector<16xi32>
      %add3A_135 = arith.addi %scan3A_107, %all_reduce_population_count3A : vector<16xi32>
      %add3A_136 = arith.constant 16 : i32
      %add3A_137 = vector.broadcast %add3A_136 : i32 to vector<16xi32>
      %add3A_138 = arith.addi %scan3A_108, %add3A_137 : vector<16xi32>
      %mul3A_139 = arith.constant 4 : i32
      %mul3A_140 = arith.muli %scan3A_106, %mul3A_139 : i32
      %add3A_141 = arith.constant 1 : i32
      %add3A_142 = arith.addi %mul3A_140, %add3A_141 : i32
      %mul3A_143 = arith.constant 16 : i32
      %mul3A_144 = arith.muli %add3A_142, %mul3A_143 : i32
      %get3A_145 = arith.index_cast %mul3A_144 : i32 to index
      %get3A_146 = tpu.vector_load %arg5[%get3A_145] {strides = array<i32>} : memref<6656xi32, #tpu.memory_space<vmem>>, vector<16xi32>,
      %ge3A_147 = vector.broadcast %mul3A_8 : i32 to vector<16xi32>
      %ge3A_148 = arith.cmpi sge, %get3A_146, %ge3A_147 : vector<16xi32>
      %lt3A_149 = vector.broadcast %add3A_26 : i32 to vector<16xi32>
      %lt3A_150 = arith.cmpi slt, %get3A_146, %lt3A_149 : vector<16xi32>
      %and3A_151 = arith.andi %ge3A_148, %lt3A_150 : vector<16xi1>
      %sub3A_152 = vector.broadcast %mul3A_8 : i32 to vector<16xi32>
      %sub3A_153 = arith.subi %get3A_146, %sub3A_152 : vector<16xi32>
      %shift_left3A_154 = arith.constant 15 : i32
      %shift_left3A_155 = vector.broadcast %shift_left3A_154 : i32 to vector<16xi32>
      %shift_left3A_156 = arith.shli %sub3A_153, %shift_left3A_155 : vector<16xi32>
      %or3A_157 = arith.ori %shift_left3A_156, %add3A_138 : vector<16xi32>
      %convert_element_type3A_158 = arith.extui %and3A_151 : vector<16xi1> to vector<16xi32>
      %broadcast_in_dim3A_159 = arith.constant true
      %broadcast_in_dim3A_160 = vector.broadcast %broadcast_in_dim3A_159 : i1 to vector<16xi1>
      %masked_cumsum3A_161 = tpu.scan <sum>, %convert_element_type3A_158 masked %broadcast_in_dim3A_160 : vector<16xi32>, vector<16xi1> -> vector<16xi32>
      %add3A_162 = arith.addi %add3A_135, %masked_cumsum3A_161 : vector<16xi32>
      %sub3A_163 = arith.constant 1 : i32
      %sub3A_164 = vector.broadcast %sub3A_163 : i32 to vector<16xi32>
      %sub3A_165 = arith.subi %add3A_162, %sub3A_164 : vector<16xi32>
      %jit3A_166 = arith.constant 0 : i32
      %broadcast_in_dim3A_167 = vector.broadcast %jit3A_166 : i32 to vector<16xi32>
      %select_n3A_168 = arith.select %and3A_151, %sub3A_165, %broadcast_in_dim3A_167 : vector<16xi1>, vector<16xi32>
      tpu.vector_store_idx %arg6[%select_n3A_168], %or3A_157 masked %and3A_151 : memref<26688xi32, #tpu.memory_space<vmem>>[vector<16xi32>], vector<16xi32>, vector<16xi1>
      %all_reduce_population_count3A_169 = tpu.all_reduce %and3A_151 {dim = 0 : i64, kind = #tpu.reduction_kind<sum>} : vector<16xi1> -> vector<16xi32>
      %add3A_170 = arith.addi %add3A_135, %all_reduce_population_count3A_169 : vector<16xi32>
      %add3A_171 = arith.constant 16 : i32
      %add3A_172 = vector.broadcast %add3A_171 : i32 to vector<16xi32>
      %add3A_173 = arith.addi %add3A_138, %add3A_172 : vector<16xi32>
      %mul3A_174 = arith.constant 4 : i32
      %mul3A_175 = arith.muli %scan3A_106, %mul3A_174 : i32
      %add3A_176 = arith.constant 2 : i32
      %add3A_177 = arith.addi %mul3A_175, %add3A_176 : i32
      %mul3A_178 = arith.constant 16 : i32
      %mul3A_179 = arith.muli %add3A_177, %mul3A_178 : i32
      %get3A_180 = arith.index_cast %mul3A_179 : i32 to index
      %get3A_181 = tpu.vector_load %arg5[%get3A_180] {strides = array<i32>} : memref<6656xi32, #tpu.memory_space<vmem>>, vector<16xi32>,
      %ge3A_182 = vector.broadcast %mul3A_8 : i32 to vector<16xi32>
      %ge3A_183 = arith.cmpi sge, %get3A_181, %ge3A_182 : vector<16xi32>
      %lt3A_184 = vector.broadcast %add3A_26 : i32 to vector<16xi32>
      %lt3A_185 = arith.cmpi slt, %get3A_181, %lt3A_184 : vector<16xi32>
      %and3A_186 = arith.andi %ge3A_183, %lt3A_185 : vector<16xi1>
      %sub3A_187 = vector.broadcast %mul3A_8 : i32 to vector<16xi32>
      %sub3A_188 = arith.subi %get3A_181, %sub3A_187 : vector<16xi32>
      %shift_left3A_189 = arith.constant 15 : i32
      %shift_left3A_190 = vector.broadcast %shift_left3A_189 : i32 to vector<16xi32>
      %shift_left3A_191 = arith.shli %sub3A_188, %shift_left3A_190 : vector<16xi32>
      %or3A_192 = arith.ori %shift_left3A_191, %add3A_173 : vector<16xi32>
      %convert_element_type3A_193 = arith.extui %and3A_186 : vector<16xi1> to vector<16xi32>
      %broadcast_in_dim3A_194 = arith.constant true
      %broadcast_in_dim3A_195 = vector.broadcast %broadcast_in_dim3A_194 : i1 to vector<16xi1>
      %masked_cumsum3A_196 = tpu.scan <sum>, %convert_element_type3A_193 masked %broadcast_in_dim3A_195 : vector<16xi32>, vector<16xi1> -> vector<16xi32>
      %add3A_197 = arith.addi %add3A_170, %masked_cumsum3A_196 : vector<16xi32>
      %sub3A_198 = arith.constant 1 : i32
      %sub3A_199 = vector.broadcast %sub3A_198 : i32 to vector<16xi32>
      %sub3A_200 = arith.subi %add3A_197, %sub3A_199 : vector<16xi32>
      %jit3A_201 = arith.constant 0 : i32
      %broadcast_in_dim3A_202 = vector.broadcast %jit3A_201 : i32 to vector<16xi32>
      %select_n3A_203 = arith.select %and3A_186, %sub3A_200, %broadcast_in_dim3A_202 : vector<16xi1>, vector<16xi32>
      tpu.vector_store_idx %arg6[%select_n3A_203], %or3A_192 masked %and3A_186 : memref<26688xi32, #tpu.memory_space<vmem>>[vector<16xi32>], vector<16xi32>, vector<16xi1>
      %all_reduce_population_count3A_204 = tpu.all_reduce %and3A_186 {dim = 0 : i64, kind = #tpu.reduction_kind<sum>} : vector<16xi1> -> vector<16xi32>
      %add3A_205 = arith.addi %add3A_170, %all_reduce_population_count3A_204 : vector<16xi32>
      %add3A_206 = arith.constant 16 : i32
      %add3A_207 = vector.broadcast %add3A_206 : i32 to vector<16xi32>
      %add3A_208 = arith.addi %add3A_173, %add3A_207 : vector<16xi32>
      %mul3A_209 = arith.constant 4 : i32
      %mul3A_210 = arith.muli %scan3A_106, %mul3A_209 : i32
      %add3A_211 = arith.constant 3 : i32
      %add3A_212 = arith.addi %mul3A_210, %add3A_211 : i32
      %mul3A_213 = arith.constant 16 : i32
      %mul3A_214 = arith.muli %add3A_212, %mul3A_213 : i32
      %get3A_215 = arith.index_cast %mul3A_214 : i32 to index
      %get3A_216 = tpu.vector_load %arg5[%get3A_215] {strides = array<i32>} : memref<6656xi32, #tpu.memory_space<vmem>>, vector<16xi32>,
      %ge3A_217 = vector.broadcast %mul3A_8 : i32 to vector<16xi32>
      %ge3A_218 = arith.cmpi sge, %get3A_216, %ge3A_217 : vector<16xi32>
      %lt3A_219 = vector.broadcast %add3A_26 : i32 to vector<16xi32>
      %lt3A_220 = arith.cmpi slt, %get3A_216, %lt3A_219 : vector<16xi32>
      %and3A_221 = arith.andi %ge3A_218, %lt3A_220 : vector<16xi1>
      %sub3A_222 = vector.broadcast %mul3A_8 : i32 to vector<16xi32>
      %sub3A_223 = arith.subi %get3A_216, %sub3A_222 : vector<16xi32>
      %shift_left3A_224 = arith.constant 15 : i32
      %shift_left3A_225 = vector.broadcast %shift_left3A_224 : i32 to vector<16xi32>
      %shift_left3A_226 = arith.shli %sub3A_223, %shift_left3A_225 : vector<16xi32>
      %or3A_227 = arith.ori %shift_left3A_226, %add3A_208 : vector<16xi32>
      %convert_element_type3A_228 = arith.extui %and3A_221 : vector<16xi1> to vector<16xi32>
      %broadcast_in_dim3A_229 = arith.constant true
      %broadcast_in_dim3A_230 = vector.broadcast %broadcast_in_dim3A_229 : i1 to vector<16xi1>
      %masked_cumsum3A_231 = tpu.scan <sum>, %convert_element_type3A_228 masked %broadcast_in_dim3A_230 : vector<16xi32>, vector<16xi1> -> vector<16xi32>
      %add3A_232 = arith.addi %add3A_205, %masked_cumsum3A_231 : vector<16xi32>
      %sub3A_233 = arith.constant 1 : i32
      %sub3A_234 = vector.broadcast %sub3A_233 : i32 to vector<16xi32>
      %sub3A_235 = arith.subi %add3A_232, %sub3A_234 : vector<16xi32>
      %jit3A_236 = arith.constant 0 : i32
      %broadcast_in_dim3A_237 = vector.broadcast %jit3A_236 : i32 to vector<16xi32>
      %select_n3A_238 = arith.select %and3A_221, %sub3A_235, %broadcast_in_dim3A_237 : vector<16xi1>, vector<16xi32>
      tpu.vector_store_idx %arg6[%select_n3A_238], %or3A_227 masked %and3A_221 : memref<26688xi32, #tpu.memory_space<vmem>>[vector<16xi32>], vector<16xi32>, vector<16xi1>
      %all_reduce_population_count3A_239 = tpu.all_reduce %and3A_221 {dim = 0 : i64, kind = #tpu.reduction_kind<sum>} : vector<16xi1> -> vector<16xi32>
      %add3A_240 = arith.addi %add3A_205, %all_reduce_population_count3A_239 : vector<16xi32>
      %add3A_241 = arith.constant 16 : i32
      %add3A_242 = vector.broadcast %add3A_241 : i32 to vector<16xi32>
      %add3A_243 = arith.addi %add3A_208, %add3A_242 : vector<16xi32>
      scf.yield %add3A_240, %add3A_243 : vector<16xi32>, vector<16xi32>
    }
    %scan3A_63 = arith.constant 104 : i32
    %slice3A = vector.extract_strided_slice %scan3A_62#0 {offsets = [0], sizes = [1], strides = [1]} : vector<16xi32> to vector<1xi32>
    %squeeze3A = vector.extract %slice3A[0] : i32 from vector<1xi32>
    %add3A_64 = arith.constant 31 : i32
    %add3A_65 = arith.addi %squeeze3A, %add3A_64 : i32
    %shift_right_arithmetic3A = arith.constant 5 : i32
    %shift_right_arithmetic3A_66 = arith.shrsi %add3A_65, %shift_right_arithmetic3A : i32
    %broadcast_in_dim3A_67 = arith.constant 1073741824 : i32
    %broadcast_in_dim3A_68 = vector.broadcast %broadcast_in_dim3A_67 : i32 to vector<16xi32>
    %shift_right_arithmetic3A_69 = arith.constant 4 : i32
    %shift_right_arithmetic3A_70 = arith.shrsi %squeeze3A, %shift_right_arithmetic3A_69 : i32
    %shift_left3A = arith.constant 4 : i32
    %shift_left3A_71 = arith.shli %shift_right_arithmetic3A_70, %shift_left3A : i32
    %get3A_72 = arith.index_cast %shift_left3A_71 : i32 to index
    %get3A_73 = tpu.vector_load %arg6[%get3A_72] {strides = array<i32>} : memref<26688xi32, #tpu.memory_space<vmem>>, vector<16xi32>,
    %sub3A_74 = arith.subi %squeeze3A, %shift_left3A_71 : i32
    %lt3A_75 = vector.broadcast %sub3A_74 : i32 to vector<16xi32>
    %lt3A_76 = arith.cmpi slt, %iota3A, %lt3A_75 : vector<16xi32>
    %select_n3A_77 = arith.select %lt3A_76, %get3A_73, %broadcast_in_dim3A_68 : vector<16xi1>, vector<16xi32>
    %swap3A = arith.index_cast %shift_left3A_71 : i32 to index
    %swap3A_78 = tpu.vector_load %arg6[%swap3A] {strides = array<i32>} : memref<26688xi32, #tpu.memory_space<vmem>>, vector<16xi32>,
    tpu.vector_store %arg6[%swap3A], %select_n3A_77 {strides = array<i32>} : memref<26688xi32, #tpu.memory_space<vmem>>, vector<16xi32>,
    %add3A_79 = arith.constant 16 : i32
    %add3A_80 = arith.addi %shift_left3A_71, %add3A_79 : i32
    %swap3A_81 = arith.index_cast %add3A_80 : i32 to index
    %swap3A_82 = tpu.vector_load %arg6[%swap3A_81] {strides = array<i32>} : memref<26688xi32, #tpu.memory_space<vmem>>, vector<16xi32>,
    tpu.vector_store %arg6[%swap3A_81], %broadcast_in_dim3A_68 {strides = array<i32>} : memref<26688xi32, #tpu.memory_space<vmem>>, vector<16xi32>,
    %add3A_83 = arith.constant 32 : i32
    %add3A_84 = arith.addi %shift_left3A_71, %add3A_83 : i32
    %swap3A_85 = arith.index_cast %add3A_84 : i32 to index
    %swap3A_86 = tpu.vector_load %arg6[%swap3A_85] {strides = array<i32>} : memref<26688xi32, #tpu.memory_space<vmem>>, vector<16xi32>,
    tpu.vector_store %arg6[%swap3A_85], %broadcast_in_dim3A_68 {strides = array<i32>} : memref<26688xi32, #tpu.memory_space<vmem>>, vector<16xi32>,
    %scan3A_87 = arith.constant 0 : i32
    %scan3A_88 = arith.constant 0 : i32
    %scan3A_89 = arith.constant 39 : i32
    %scan3A_90 = arith.addi %scan3A_88, %scan3A_89 : i32
    %scan3A_91 = arith.constant 1 : i32
    %scan3A_92 = scf.for %scan3A_106 = %scan3A_88 to %scan3A_90 step %scan3A_91 iter_args(%scan3A_107 = %scan3A_87) -> (i32)  : i32 {
      %mul3A_108 = arith.constant 2 : i32
      %mul3A_109 = arith.muli %scan3A_106, %mul3A_108 : i32
      %add3A_110 = arith.constant 0 : i32
      %add3A_111 = arith.addi %mul3A_109, %add3A_110 : i32
      %ge3A = arith.constant 2 : i32
      %ge3A_112 = arith.cmpi sge, %add3A_111, %ge3A : i32
      %convert_element_type3A_113 = arith.extui %ge3A_112 : i1 to i32
      %cond3A_114 = arith.constant 0 : i32
      %cond3A_115 = arith.cmpi ne, %convert_element_type3A_113, %cond3A_114 : i32
      scf.if %cond3A_115 {
        %add3A_166 = arith.constant 0 : i32
        %add3A_167 = arith.addi %mul3A_8, %add3A_166 : i32
        %dma_wait3A_168 = arith.constant 0 : i32
        %dma_wait3A_169 = tpu.memref_slice %arg4[%add3A_167, %dma_wait3A_168] : memref<100000x1024xf32, #tpu.memory_space<hbm>> -> memref<40x1024xf32, #tpu.memory_space<hbm>>
        %dma_wait3A_170 = arith.constant 0 : i32
        %dma_wait3A_171 = tpu.memref_slice %arg4[%add3A_167, %dma_wait3A_170] : memref<100000x1024xf32, #tpu.memory_space<hbm>> -> memref<40x1024xf32, #tpu.memory_space<hbm>>
        tpu.wait_dma2 semaphore(%arg10 : memref<!tpu.dma_semaphore, #tpu.memory_space<semaphore_mem>>) src(%arg8 : memref<40x1024xf32, #tpu.memory_space<vmem>>) dst(%dma_wait3A_171 : memref<40x1024xf32, #tpu.memory_space<hbm>>)
        %sub3A_172 = arith.constant 2 : i32
        %sub3A_173 = arith.subi %add3A_111, %sub3A_172 : i32
        %mul3A_174 = arith.constant 40 : i32
        %mul3A_175 = arith.muli %sub3A_173, %mul3A_174 : i32
        %while3A_176 = arith.constant 0 : i32
        %while3A_177 = arith.constant 0 : i32
        %while3A_178 = arith.subi %shift_right_arithmetic3A_66, %while3A_176 : i32
        %while3A_179 = arith.addi %while3A_176, %while3A_178 : i32
        %while3A_180 = arith.constant 1 : i32
        %while3A_181 = arith.divsi %while3A_178, %while3A_180 : i32
        %while3A_182 = arith.muli %while3A_181, %while3A_180 : i32
        %while3A_183 = arith.addi %while3A_176, %while3A_182 : i32
        %while3A_184 = arith.constant 1 : i32
        %while3A_185 = scf.for %while3A_188 = %while3A_176 to %while3A_183 step %while3A_184 iter_args(%while3A_189 = %while3A_177) -> (i32)  : i32 {
          %mul3A_190 = arith.constant 32 : i32
          %mul3A_191 = arith.muli %while3A_188, %mul3A_190 : i32
          %add3A_192 = arith.constant 0 : i32
          %add3A_193 = arith.addi %mul3A_191, %add3A_192 : i32
          %get3A_194 = arith.index_cast %add3A_193 : i32 to index
          %get3A_195 = tpu.vector_load %arg6[%get3A_194] {strides = array<i32>} : memref<26688xi32, #tpu.memory_space<vmem>>, vector<16xi32>,
          %shift_right_arithmetic3A_196 = arith.constant 15 : i32
          %shift_right_arithmetic3A_197 = vector.broadcast %shift_right_arithmetic3A_196 : i32 to vector<16xi32>
          %shift_right_arithmetic3A_198 = arith.shrsi %get3A_195, %shift_right_arithmetic3A_197 : vector<16xi32>
          %and3A = arith.constant 32767 : i32
          %and3A_199 = vector.broadcast %and3A : i32 to vector<16xi32>
          %and3A_200 = arith.andi %get3A_195, %and3A_199 : vector<16xi32>
          %mul3A_201 = arith.constant 20165 : i32
          %mul3A_202 = vector.broadcast %mul3A_201 : i32 to vector<16xi32>
          %mul3A_203 = arith.muli %and3A_200, %mul3A_202 : vector<16xi32>
          %shift_right_arithmetic3A_204 = arith.constant 19 : i32
          %shift_right_arithmetic3A_205 = vector.broadcast %shift_right_arithmetic3A_204 : i32 to vector<16xi32>
          %shift_right_arithmetic3A_206 = arith.shrsi %mul3A_203, %shift_right_arithmetic3A_205 : vector<16xi32>
          %ge3A_207 = vector.broadcast %mul3A_175 : i32 to vector<16xi32>
          %ge3A_208 = arith.cmpi sge, %shift_right_arithmetic3A_198, %ge3A_207 : vector<16xi32>
          %add3A_209 = arith.constant 40 : i32
          %add3A_210 = arith.addi %mul3A_175, %add3A_209 : i32
          %lt3A_211 = vector.broadcast %add3A_210 : i32 to vector<16xi32>
          %lt3A_212 = arith.cmpi slt, %shift_right_arithmetic3A_198, %lt3A_211 : vector<16xi32>
          %and3A_213 = arith.andi %ge3A_208, %lt3A_212 : vector<16xi1>
          %sub3A_214 = vector.broadcast %mul3A_175 : i32 to vector<16xi32>
          %sub3A_215 = arith.subi %shift_right_arithmetic3A_198, %sub3A_214 : vector<16xi32>
          %jit3A_216 = arith.constant 0 : i32
          %broadcast_in_dim3A_217 = vector.broadcast %jit3A_216 : i32 to vector<16xi32>
          %select_n3A_218 = arith.select %and3A_213, %sub3A_215, %broadcast_in_dim3A_217 : vector<16xi1>, vector<16xi32>
          tpu.vector_store_idx %arg8[%select_n3A_218, %shift_right_arithmetic3A_206], %mul3A_16 masked %and3A_213 : memref<40x1024xf32, #tpu.memory_space<vmem>>[vector<16xi32>, vector<16xi32>], vector<16xf32>, vector<16xi1>
          %mul3A_219 = arith.constant 32 : i32
          %mul3A_220 = arith.muli %while3A_188, %mul3A_219 : i32
          %add3A_221 = arith.constant 16 : i32
          %add3A_222 = arith.addi %mul3A_220, %add3A_221 : i32
          %get3A_223 = arith.index_cast %add3A_222 : i32 to index
          %get3A_224 = tpu.vector_load %arg6[%get3A_223] {strides = array<i32>} : memref<26688xi32, #tpu.memory_space<vmem>>, vector<16xi32>,
          %shift_right_arithmetic3A_225 = arith.constant 15 : i32
          %shift_right_arithmetic3A_226 = vector.broadcast %shift_right_arithmetic3A_225 : i32 to vector<16xi32>
          %shift_right_arithmetic3A_227 = arith.shrsi %get3A_224, %shift_right_arithmetic3A_226 : vector<16xi32>
          %and3A_228 = arith.constant 32767 : i32
          %and3A_229 = vector.broadcast %and3A_228 : i32 to vector<16xi32>
          %and3A_230 = arith.andi %get3A_224, %and3A_229 : vector<16xi32>
          %mul3A_231 = arith.constant 20165 : i32
          %mul3A_232 = vector.broadcast %mul3A_231 : i32 to vector<16xi32>
          %mul3A_233 = arith.muli %and3A_230, %mul3A_232 : vector<16xi32>
          %shift_right_arithmetic3A_234 = arith.constant 19 : i32
          %shift_right_arithmetic3A_235 = vector.broadcast %shift_right_arithmetic3A_234 : i32 to vector<16xi32>
          %shift_right_arithmetic3A_236 = arith.shrsi %mul3A_233, %shift_right_arithmetic3A_235 : vector<16xi32>
          %ge3A_237 = vector.broadcast %mul3A_175 : i32 to vector<16xi32>
          %ge3A_238 = arith.cmpi sge, %shift_right_arithmetic3A_227, %ge3A_237 : vector<16xi32>
          %add3A_239 = arith.constant 40 : i32
          %add3A_240 = arith.addi %mul3A_175, %add3A_239 : i32
          %lt3A_241 = vector.broadcast %add3A_240 : i32 to vector<16xi32>
          %lt3A_242 = arith.cmpi slt, %shift_right_arithmetic3A_227, %lt3A_241 : vector<16xi32>
          %and3A_243 = arith.andi %ge3A_238, %lt3A_242 : vector<16xi1>
          %sub3A_244 = vector.broadcast %mul3A_175 : i32 to vector<16xi32>
          %sub3A_245 = arith.subi %shift_right_arithmetic3A_227, %sub3A_244 : vector<16xi32>
          %jit3A_246 = arith.constant 0 : i32
          %broadcast_in_dim3A_247 = vector.broadcast %jit3A_246 : i32 to vector<16xi32>
          %select_n3A_248 = arith.select %and3A_243, %sub3A_245, %broadcast_in_dim3A_247 : vector<16xi1>, vector<16xi32>
          tpu.vector_store_idx %arg8[%select_n3A_248, %shift_right_arithmetic3A_236], %mul3A_16 masked %and3A_243 : memref<40x1024xf32, #tpu.memory_space<vmem>>[vector<16xi32>, vector<16xi32>], vector<16xf32>, vector<16xi1>
          %while3A_249 = arith.constant 0 : i32
          scf.yield %while3A_249 : i32
        }
        %while3A_186 = arith.constant 1 : i32
        %while3A_187 = scf.for %while3A_188 = %while3A_183 to %while3A_179 step %while3A_186 iter_args(%while3A_189 = %while3A_185) -> (i32)  : i32 {
          %mul3A_190 = arith.constant 32 : i32
          %mul3A_191 = arith.muli %while3A_188, %mul3A_190 : i32
          %add3A_192 = arith.constant 0 : i32
          %add3A_193 = arith.addi %mul3A_191, %add3A_192 : i32
          %get3A_194 = arith.index_cast %add3A_193 : i32 to index
          %get3A_195 = tpu.vector_load %arg6[%get3A_194] {strides = array<i32>} : memref<26688xi32, #tpu.memory_space<vmem>>, vector<16xi32>,
          %shift_right_arithmetic3A_196 = arith.constant 15 : i32
          %shift_right_arithmetic3A_197 = vector.broadcast %shift_right_arithmetic3A_196 : i32 to vector<16xi32>
          %shift_right_arithmetic3A_198 = arith.shrsi %get3A_195, %shift_right_arithmetic3A_197 : vector<16xi32>
          %and3A = arith.constant 32767 : i32
          %and3A_199 = vector.broadcast %and3A : i32 to vector<16xi32>
          %and3A_200 = arith.andi %get3A_195, %and3A_199 : vector<16xi32>
          %mul3A_201 = arith.constant 20165 : i32
          %mul3A_202 = vector.broadcast %mul3A_201 : i32 to vector<16xi32>
          %mul3A_203 = arith.muli %and3A_200, %mul3A_202 : vector<16xi32>
          %shift_right_arithmetic3A_204 = arith.constant 19 : i32
          %shift_right_arithmetic3A_205 = vector.broadcast %shift_right_arithmetic3A_204 : i32 to vector<16xi32>
          %shift_right_arithmetic3A_206 = arith.shrsi %mul3A_203, %shift_right_arithmetic3A_205 : vector<16xi32>
          %ge3A_207 = vector.broadcast %mul3A_175 : i32 to vector<16xi32>
          %ge3A_208 = arith.cmpi sge, %shift_right_arithmetic3A_198, %ge3A_207 : vector<16xi32>
          %add3A_209 = arith.constant 40 : i32
          %add3A_210 = arith.addi %mul3A_175, %add3A_209 : i32
          %lt3A_211 = vector.broadcast %add3A_210 : i32 to vector<16xi32>
          %lt3A_212 = arith.cmpi slt, %shift_right_arithmetic3A_198, %lt3A_211 : vector<16xi32>
          %and3A_213 = arith.andi %ge3A_208, %lt3A_212 : vector<16xi1>
          %sub3A_214 = vector.broadcast %mul3A_175 : i32 to vector<16xi32>
          %sub3A_215 = arith.subi %shift_right_arithmetic3A_198, %sub3A_214 : vector<16xi32>
          %jit3A_216 = arith.constant 0 : i32
          %broadcast_in_dim3A_217 = vector.broadcast %jit3A_216 : i32 to vector<16xi32>
          %select_n3A_218 = arith.select %and3A_213, %sub3A_215, %broadcast_in_dim3A_217 : vector<16xi1>, vector<16xi32>
          tpu.vector_store_idx %arg8[%select_n3A_218, %shift_right_arithmetic3A_206], %mul3A_16 masked %and3A_213 : memref<40x1024xf32, #tpu.memory_space<vmem>>[vector<16xi32>, vector<16xi32>], vector<16xf32>, vector<16xi1>
          %mul3A_219 = arith.constant 32 : i32
          %mul3A_220 = arith.muli %while3A_188, %mul3A_219 : i32
          %add3A_221 = arith.constant 16 : i32
          %add3A_222 = arith.addi %mul3A_220, %add3A_221 : i32
          %get3A_223 = arith.index_cast %add3A_222 : i32 to index
          %get3A_224 = tpu.vector_load %arg6[%get3A_223] {strides = array<i32>} : memref<26688xi32, #tpu.memory_space<vmem>>, vector<16xi32>,
          %shift_right_arithmetic3A_225 = arith.constant 15 : i32
          %shift_right_arithmetic3A_226 = vector.broadcast %shift_right_arithmetic3A_225 : i32 to vector<16xi32>
          %shift_right_arithmetic3A_227 = arith.shrsi %get3A_224, %shift_right_arithmetic3A_226 : vector<16xi32>
          %and3A_228 = arith.constant 32767 : i32
          %and3A_229 = vector.broadcast %and3A_228 : i32 to vector<16xi32>
          %and3A_230 = arith.andi %get3A_224, %and3A_229 : vector<16xi32>
          %mul3A_231 = arith.constant 20165 : i32
          %mul3A_232 = vector.broadcast %mul3A_231 : i32 to vector<16xi32>
          %mul3A_233 = arith.muli %and3A_230, %mul3A_232 : vector<16xi32>
          %shift_right_arithmetic3A_234 = arith.constant 19 : i32
          %shift_right_arithmetic3A_235 = vector.broadcast %shift_right_arithmetic3A_234 : i32 to vector<16xi32>
          %shift_right_arithmetic3A_236 = arith.shrsi %mul3A_233, %shift_right_arithmetic3A_235 : vector<16xi32>
          %ge3A_237 = vector.broadcast %mul3A_175 : i32 to vector<16xi32>
          %ge3A_238 = arith.cmpi sge, %shift_right_arithmetic3A_227, %ge3A_237 : vector<16xi32>
          %add3A_239 = arith.constant 40 : i32
          %add3A_240 = arith.addi %mul3A_175, %add3A_239 : i32
          %lt3A_241 = vector.broadcast %add3A_240 : i32 to vector<16xi32>
          %lt3A_242 = arith.cmpi slt, %shift_right_arithmetic3A_227, %lt3A_241 : vector<16xi32>
          %and3A_243 = arith.andi %ge3A_238, %lt3A_242 : vector<16xi1>
          %sub3A_244 = vector.broadcast %mul3A_175 : i32 to vector<16xi32>
          %sub3A_245 = arith.subi %shift_right_arithmetic3A_227, %sub3A_244 : vector<16xi32>
          %jit3A_246 = arith.constant 0 : i32
          %broadcast_in_dim3A_247 = vector.broadcast %jit3A_246 : i32 to vector<16xi32>
          %select_n3A_248 = arith.select %and3A_243, %sub3A_245, %broadcast_in_dim3A_247 : vector<16xi1>, vector<16xi32>
          tpu.vector_store_idx %arg8[%select_n3A_248, %shift_right_arithmetic3A_236], %mul3A_16 masked %and3A_243 : memref<40x1024xf32, #tpu.memory_space<vmem>>[vector<16xi32>, vector<16xi32>], vector<16xf32>, vector<16xi1>
          %while3A_249 = arith.constant 0 : i32
          scf.yield %while3A_249 : i32
        }
      } else {
      }
      %mul3A_116 = arith.constant 40 : i32
      %mul3A_117 = arith.muli %add3A_111, %mul3A_116 : i32
      %while3A = arith.constant 0 : i32
      %while3A_118 = arith.constant 0 : i32
      %while3A_119 = arith.subi %shift_right_arithmetic3A_66, %while3A : i32
      %while3A_120 = arith.addi %while3A, %while3A_119 : i32
      %while3A_121 = arith.constant 1 : i32
      %while3A_122 = arith.divsi %while3A_119, %while3A_121 : i32
      %while3A_123 = arith.muli %while3A_122, %while3A_121 : i32
      %while3A_124 = arith.addi %while3A, %while3A_123 : i32
      %while3A_125 = arith.constant 1 : i32
      %while3A_126 = scf.for %while3A_166 = %while3A to %while3A_124 step %while3A_125 iter_args(%while3A_167 = %while3A_118) -> (i32)  : i32 {
        %mul3A_168 = arith.constant 32 : i32
        %mul3A_169 = arith.muli %while3A_166, %mul3A_168 : i32
        %add3A_170 = arith.constant 0 : i32
        %add3A_171 = arith.addi %mul3A_169, %add3A_170 : i32
        %get3A_172 = arith.index_cast %add3A_171 : i32 to index
        %get3A_173 = tpu.vector_load %arg6[%get3A_172] {strides = array<i32>} : memref<26688xi32, #tpu.memory_space<vmem>>, vector<16xi32>,
        %shift_right_arithmetic3A_174 = arith.constant 15 : i32
        %shift_right_arithmetic3A_175 = vector.broadcast %shift_right_arithmetic3A_174 : i32 to vector<16xi32>
        %shift_right_arithmetic3A_176 = arith.shrsi %get3A_173, %shift_right_arithmetic3A_175 : vector<16xi32>
        %and3A = arith.constant 32767 : i32
        %and3A_177 = vector.broadcast %and3A : i32 to vector<16xi32>
        %and3A_178 = arith.andi %get3A_173, %and3A_177 : vector<16xi32>
        %mul3A_179 = arith.constant 20165 : i32
        %mul3A_180 = vector.broadcast %mul3A_179 : i32 to vector<16xi32>
        %mul3A_181 = arith.muli %and3A_178, %mul3A_180 : vector<16xi32>
        %shift_right_arithmetic3A_182 = arith.constant 19 : i32
        %shift_right_arithmetic3A_183 = vector.broadcast %shift_right_arithmetic3A_182 : i32 to vector<16xi32>
        %shift_right_arithmetic3A_184 = arith.shrsi %mul3A_181, %shift_right_arithmetic3A_183 : vector<16xi32>
        %ge3A_185 = vector.broadcast %mul3A_117 : i32 to vector<16xi32>
        %ge3A_186 = arith.cmpi sge, %shift_right_arithmetic3A_176, %ge3A_185 : vector<16xi32>
        %add3A_187 = arith.constant 40 : i32
        %add3A_188 = arith.addi %mul3A_117, %add3A_187 : i32
        %lt3A_189 = vector.broadcast %add3A_188 : i32 to vector<16xi32>
        %lt3A_190 = arith.cmpi slt, %shift_right_arithmetic3A_176, %lt3A_189 : vector<16xi32>
        %and3A_191 = arith.andi %ge3A_186, %lt3A_190 : vector<16xi1>
        %sub3A_192 = vector.broadcast %mul3A_117 : i32 to vector<16xi32>
        %sub3A_193 = arith.subi %shift_right_arithmetic3A_176, %sub3A_192 : vector<16xi32>
        %jit3A_194 = arith.constant 0 : i32
        %broadcast_in_dim3A_195 = vector.broadcast %jit3A_194 : i32 to vector<16xi32>
        %select_n3A_196 = arith.select %and3A_191, %sub3A_193, %broadcast_in_dim3A_195 : vector<16xi1>, vector<16xi32>
        tpu.vector_store_idx %arg8[%select_n3A_196, %shift_right_arithmetic3A_184], %add3A_19 masked %and3A_191 : memref<40x1024xf32, #tpu.memory_space<vmem>>[vector<16xi32>, vector<16xi32>], vector<16xf32>, vector<16xi1>
        %mul3A_197 = arith.constant 32 : i32
        %mul3A_198 = arith.muli %while3A_166, %mul3A_197 : i32
        %add3A_199 = arith.constant 16 : i32
        %add3A_200 = arith.addi %mul3A_198, %add3A_199 : i32
        %get3A_201 = arith.index_cast %add3A_200 : i32 to index
        %get3A_202 = tpu.vector_load %arg6[%get3A_201] {strides = array<i32>} : memref<26688xi32, #tpu.memory_space<vmem>>, vector<16xi32>,
        %shift_right_arithmetic3A_203 = arith.constant 15 : i32
        %shift_right_arithmetic3A_204 = vector.broadcast %shift_right_arithmetic3A_203 : i32 to vector<16xi32>
        %shift_right_arithmetic3A_205 = arith.shrsi %get3A_202, %shift_right_arithmetic3A_204 : vector<16xi32>
        %and3A_206 = arith.constant 32767 : i32
        %and3A_207 = vector.broadcast %and3A_206 : i32 to vector<16xi32>
        %and3A_208 = arith.andi %get3A_202, %and3A_207 : vector<16xi32>
        %mul3A_209 = arith.constant 20165 : i32
        %mul3A_210 = vector.broadcast %mul3A_209 : i32 to vector<16xi32>
        %mul3A_211 = arith.muli %and3A_208, %mul3A_210 : vector<16xi32>
        %shift_right_arithmetic3A_212 = arith.constant 19 : i32
        %shift_right_arithmetic3A_213 = vector.broadcast %shift_right_arithmetic3A_212 : i32 to vector<16xi32>
        %shift_right_arithmetic3A_214 = arith.shrsi %mul3A_211, %shift_right_arithmetic3A_213 : vector<16xi32>
        %ge3A_215 = vector.broadcast %mul3A_117 : i32 to vector<16xi32>
        %ge3A_216 = arith.cmpi sge, %shift_right_arithmetic3A_205, %ge3A_215 : vector<16xi32>
        %add3A_217 = arith.constant 40 : i32
        %add3A_218 = arith.addi %mul3A_117, %add3A_217 : i32
        %lt3A_219 = vector.broadcast %add3A_218 : i32 to vector<16xi32>
        %lt3A_220 = arith.cmpi slt, %shift_right_arithmetic3A_205, %lt3A_219 : vector<16xi32>
        %and3A_221 = arith.andi %ge3A_216, %lt3A_220 : vector<16xi1>
        %sub3A_222 = vector.broadcast %mul3A_117 : i32 to vector<16xi32>
        %sub3A_223 = arith.subi %shift_right_arithmetic3A_205, %sub3A_222 : vector<16xi32>
        %jit3A_224 = arith.constant 0 : i32
        %broadcast_in_dim3A_225 = vector.broadcast %jit3A_224 : i32 to vector<16xi32>
        %select_n3A_226 = arith.select %and3A_221, %sub3A_223, %broadcast_in_dim3A_225 : vector<16xi1>, vector<16xi32>
        tpu.vector_store_idx %arg8[%select_n3A_226, %shift_right_arithmetic3A_214], %add3A_19 masked %and3A_221 : memref<40x1024xf32, #tpu.memory_space<vmem>>[vector<16xi32>, vector<16xi32>], vector<16xf32>, vector<16xi1>
        %while3A_227 = arith.constant 0 : i32
        scf.yield %while3A_227 : i32
      }
      %while3A_127 = arith.constant 1 : i32
      %while3A_128 = scf.for %while3A_166 = %while3A_124 to %while3A_120 step %while3A_127 iter_args(%while3A_167 = %while3A_126) -> (i32)  : i32 {
        %mul3A_168 = arith.constant 32 : i32
        %mul3A_169 = arith.muli %while3A_166, %mul3A_168 : i32
        %add3A_170 = arith.constant 0 : i32
        %add3A_171 = arith.addi %mul3A_169, %add3A_170 : i32
        %get3A_172 = arith.index_cast %add3A_171 : i32 to index
        %get3A_173 = tpu.vector_load %arg6[%get3A_172] {strides = array<i32>} : memref<26688xi32, #tpu.memory_space<vmem>>, vector<16xi32>,
        %shift_right_arithmetic3A_174 = arith.constant 15 : i32
        %shift_right_arithmetic3A_175 = vector.broadcast %shift_right_arithmetic3A_174 : i32 to vector<16xi32>
        %shift_right_arithmetic3A_176 = arith.shrsi %get3A_173, %shift_right_arithmetic3A_175 : vector<16xi32>
        %and3A = arith.constant 32767 : i32
        %and3A_177 = vector.broadcast %and3A : i32 to vector<16xi32>
        %and3A_178 = arith.andi %get3A_173, %and3A_177 : vector<16xi32>
        %mul3A_179 = arith.constant 20165 : i32
        %mul3A_180 = vector.broadcast %mul3A_179 : i32 to vector<16xi32>
        %mul3A_181 = arith.muli %and3A_178, %mul3A_180 : vector<16xi32>
        %shift_right_arithmetic3A_182 = arith.constant 19 : i32
        %shift_right_arithmetic3A_183 = vector.broadcast %shift_right_arithmetic3A_182 : i32 to vector<16xi32>
        %shift_right_arithmetic3A_184 = arith.shrsi %mul3A_181, %shift_right_arithmetic3A_183 : vector<16xi32>
        %ge3A_185 = vector.broadcast %mul3A_117 : i32 to vector<16xi32>
        %ge3A_186 = arith.cmpi sge, %shift_right_arithmetic3A_176, %ge3A_185 : vector<16xi32>
        %add3A_187 = arith.constant 40 : i32
        %add3A_188 = arith.addi %mul3A_117, %add3A_187 : i32
        %lt3A_189 = vector.broadcast %add3A_188 : i32 to vector<16xi32>
        %lt3A_190 = arith.cmpi slt, %shift_right_arithmetic3A_176, %lt3A_189 : vector<16xi32>
        %and3A_191 = arith.andi %ge3A_186, %lt3A_190 : vector<16xi1>
        %sub3A_192 = vector.broadcast %mul3A_117 : i32 to vector<16xi32>
        %sub3A_193 = arith.subi %shift_right_arithmetic3A_176, %sub3A_192 : vector<16xi32>
        %jit3A_194 = arith.constant 0 : i32
        %broadcast_in_dim3A_195 = vector.broadcast %jit3A_194 : i32 to vector<16xi32>
        %select_n3A_196 = arith.select %and3A_191, %sub3A_193, %broadcast_in_dim3A_195 : vector<16xi1>, vector<16xi32>
        tpu.vector_store_idx %arg8[%select_n3A_196, %shift_right_arithmetic3A_184], %add3A_19 masked %and3A_191 : memref<40x1024xf32, #tpu.memory_space<vmem>>[vector<16xi32>, vector<16xi32>], vector<16xf32>, vector<16xi1>
        %mul3A_197 = arith.constant 32 : i32
        %mul3A_198 = arith.muli %while3A_166, %mul3A_197 : i32
        %add3A_199 = arith.constant 16 : i32
        %add3A_200 = arith.addi %mul3A_198, %add3A_199 : i32
        %get3A_201 = arith.index_cast %add3A_200 : i32 to index
        %get3A_202 = tpu.vector_load %arg6[%get3A_201] {strides = array<i32>} : memref<26688xi32, #tpu.memory_space<vmem>>, vector<16xi32>,
        %shift_right_arithmetic3A_203 = arith.constant 15 : i32
        %shift_right_arithmetic3A_204 = vector.broadcast %shift_right_arithmetic3A_203 : i32 to vector<16xi32>
        %shift_right_arithmetic3A_205 = arith.shrsi %get3A_202, %shift_right_arithmetic3A_204 : vector<16xi32>
        %and3A_206 = arith.constant 32767 : i32
        %and3A_207 = vector.broadcast %and3A_206 : i32 to vector<16xi32>
        %and3A_208 = arith.andi %get3A_202, %and3A_207 : vector<16xi32>
        %mul3A_209 = arith.constant 20165 : i32
        %mul3A_210 = vector.broadcast %mul3A_209 : i32 to vector<16xi32>
        %mul3A_211 = arith.muli %and3A_208, %mul3A_210 : vector<16xi32>
        %shift_right_arithmetic3A_212 = arith.constant 19 : i32
        %shift_right_arithmetic3A_213 = vector.broadcast %shift_right_arithmetic3A_212 : i32 to vector<16xi32>
        %shift_right_arithmetic3A_214 = arith.shrsi %mul3A_211, %shift_right_arithmetic3A_213 : vector<16xi32>
        %ge3A_215 = vector.broadcast %mul3A_117 : i32 to vector<16xi32>
        %ge3A_216 = arith.cmpi sge, %shift_right_arithmetic3A_205, %ge3A_215 : vector<16xi32>
        %add3A_217 = arith.constant 40 : i32
        %add3A_218 = arith.addi %mul3A_117, %add3A_217 : i32
        %lt3A_219 = vector.broadcast %add3A_218 : i32 to vector<16xi32>
        %lt3A_220 = arith.cmpi slt, %shift_right_arithmetic3A_205, %lt3A_219 : vector<16xi32>
        %and3A_221 = arith.andi %ge3A_216, %lt3A_220 : vector<16xi1>
        %sub3A_222 = vector.broadcast %mul3A_117 : i32 to vector<16xi32>
        %sub3A_223 = arith.subi %shift_right_arithmetic3A_205, %sub3A_222 : vector<16xi32>
        %jit3A_224 = arith.constant 0 : i32
        %broadcast_in_dim3A_225 = vector.broadcast %jit3A_224 : i32 to vector<16xi32>
        %select_n3A_226 = arith.select %and3A_221, %sub3A_223, %broadcast_in_dim3A_225 : vector<16xi1>, vector<16xi32>
        tpu.vector_store_idx %arg8[%select_n3A_226, %shift_right_arithmetic3A_214], %add3A_19 masked %and3A_221 : memref<40x1024xf32, #tpu.memory_space<vmem>>[vector<16xi32>, vector<16xi32>], vector<16xf32>, vector<16xi1>
        %while3A_227 = arith.constant 0 : i32
        scf.yield %while3A_227 : i32
      }
      %mul3A_129 = arith.constant 40 : i32
      %mul3A_130 = arith.muli %add3A_111, %mul3A_129 : i32
      %add3A_131 = arith.addi %mul3A_8, %mul3A_130 : i32
      %dma_start3A = arith.constant 0 : i32
      %dma_start3A_132 = tpu.memref_slice %arg4[%add3A_131, %dma_start3A] : memref<100000x1024xf32, #tpu.memory_space<hbm>> -> memref<40x1024xf32, #tpu.memory_space<hbm>>
      %dma_start3A_133 = arith.constant 0 : i32
      %dma_start3A_134 = tpu.memref_slice %arg4[%add3A_131, %dma_start3A_133] : memref<100000x1024xf32, #tpu.memory_space<hbm>> -> memref<40x1024xf32, #tpu.memory_space<hbm>>
      tpu.enqueue_dma source(%arg8 : memref<40x1024xf32, #tpu.memory_space<vmem>>) target(%dma_start3A_134 : memref<40x1024xf32, #tpu.memory_space<hbm>>) target_semaphore(%arg10 : memref<!tpu.dma_semaphore, #tpu.memory_space<semaphore_mem>>)
      %mul3A_135 = arith.constant 2 : i32
      %mul3A_136 = arith.muli %scan3A_106, %mul3A_135 : i32
      %add3A_137 = arith.constant 1 : i32
      %add3A_138 = arith.addi %mul3A_136, %add3A_137 : i32
      %ge3A_139 = arith.constant 2 : i32
      %ge3A_140 = arith.cmpi sge, %add3A_138, %ge3A_139 : i32
      %convert_element_type3A_141 = arith.extui %ge3A_140 : i1 to i32
      %cond3A_142 = arith.constant 0 : i32
      %cond3A_143 = arith.cmpi ne, %convert_element_type3A_141, %cond3A_142 : i32
      scf.if %cond3A_143 {
        %add3A_166 = arith.constant 0 : i32
        %add3A_167 = arith.addi %mul3A_8, %add3A_166 : i32
        %dma_wait3A_168 = arith.constant 0 : i32
        %dma_wait3A_169 = tpu.memref_slice %arg4[%add3A_167, %dma_wait3A_168] : memref<100000x1024xf32, #tpu.memory_space<hbm>> -> memref<40x1024xf32, #tpu.memory_space<hbm>>
        %dma_wait3A_170 = arith.constant 0 : i32
        %dma_wait3A_171 = tpu.memref_slice %arg4[%add3A_167, %dma_wait3A_170] : memref<100000x1024xf32, #tpu.memory_space<hbm>> -> memref<40x1024xf32, #tpu.memory_space<hbm>>
        tpu.wait_dma2 semaphore(%arg11 : memref<!tpu.dma_semaphore, #tpu.memory_space<semaphore_mem>>) src(%arg9 : memref<40x1024xf32, #tpu.memory_space<vmem>>) dst(%dma_wait3A_171 : memref<40x1024xf32, #tpu.memory_space<hbm>>)
        %sub3A_172 = arith.constant 2 : i32
        %sub3A_173 = arith.subi %add3A_138, %sub3A_172 : i32
        %mul3A_174 = arith.constant 40 : i32
        %mul3A_175 = arith.muli %sub3A_173, %mul3A_174 : i32
        %while3A_176 = arith.constant 0 : i32
        %while3A_177 = arith.constant 0 : i32
        %while3A_178 = arith.subi %shift_right_arithmetic3A_66, %while3A_176 : i32
        %while3A_179 = arith.addi %while3A_176, %while3A_178 : i32
        %while3A_180 = arith.constant 1 : i32
        %while3A_181 = arith.divsi %while3A_178, %while3A_180 : i32
        %while3A_182 = arith.muli %while3A_181, %while3A_180 : i32
        %while3A_183 = arith.addi %while3A_176, %while3A_182 : i32
        %while3A_184 = arith.constant 1 : i32
        %while3A_185 = scf.for %while3A_188 = %while3A_176 to %while3A_183 step %while3A_184 iter_args(%while3A_189 = %while3A_177) -> (i32)  : i32 {
          %mul3A_190 = arith.constant 32 : i32
          %mul3A_191 = arith.muli %while3A_188, %mul3A_190 : i32
          %add3A_192 = arith.constant 0 : i32
          %add3A_193 = arith.addi %mul3A_191, %add3A_192 : i32
          %get3A_194 = arith.index_cast %add3A_193 : i32 to index
          %get3A_195 = tpu.vector_load %arg6[%get3A_194] {strides = array<i32>} : memref<26688xi32, #tpu.memory_space<vmem>>, vector<16xi32>,
          %shift_right_arithmetic3A_196 = arith.constant 15 : i32
          %shift_right_arithmetic3A_197 = vector.broadcast %shift_right_arithmetic3A_196 : i32 to vector<16xi32>
          %shift_right_arithmetic3A_198 = arith.shrsi %get3A_195, %shift_right_arithmetic3A_197 : vector<16xi32>
          %and3A = arith.constant 32767 : i32
          %and3A_199 = vector.broadcast %and3A : i32 to vector<16xi32>
          %and3A_200 = arith.andi %get3A_195, %and3A_199 : vector<16xi32>
          %mul3A_201 = arith.constant 20165 : i32
          %mul3A_202 = vector.broadcast %mul3A_201 : i32 to vector<16xi32>
          %mul3A_203 = arith.muli %and3A_200, %mul3A_202 : vector<16xi32>
          %shift_right_arithmetic3A_204 = arith.constant 19 : i32
          %shift_right_arithmetic3A_205 = vector.broadcast %shift_right_arithmetic3A_204 : i32 to vector<16xi32>
          %shift_right_arithmetic3A_206 = arith.shrsi %mul3A_203, %shift_right_arithmetic3A_205 : vector<16xi32>
          %ge3A_207 = vector.broadcast %mul3A_175 : i32 to vector<16xi32>
          %ge3A_208 = arith.cmpi sge, %shift_right_arithmetic3A_198, %ge3A_207 : vector<16xi32>
          %add3A_209 = arith.constant 40 : i32
          %add3A_210 = arith.addi %mul3A_175, %add3A_209 : i32
          %lt3A_211 = vector.broadcast %add3A_210 : i32 to vector<16xi32>
          %lt3A_212 = arith.cmpi slt, %shift_right_arithmetic3A_198, %lt3A_211 : vector<16xi32>
          %and3A_213 = arith.andi %ge3A_208, %lt3A_212 : vector<16xi1>
          %sub3A_214 = vector.broadcast %mul3A_175 : i32 to vector<16xi32>
          %sub3A_215 = arith.subi %shift_right_arithmetic3A_198, %sub3A_214 : vector<16xi32>
          %jit3A_216 = arith.constant 0 : i32
          %broadcast_in_dim3A_217 = vector.broadcast %jit3A_216 : i32 to vector<16xi32>
          %select_n3A_218 = arith.select %and3A_213, %sub3A_215, %broadcast_in_dim3A_217 : vector<16xi1>, vector<16xi32>
          tpu.vector_store_idx %arg9[%select_n3A_218, %shift_right_arithmetic3A_206], %mul3A_16 masked %and3A_213 : memref<40x1024xf32, #tpu.memory_space<vmem>>[vector<16xi32>, vector<16xi32>], vector<16xf32>, vector<16xi1>
          %mul3A_219 = arith.constant 32 : i32
          %mul3A_220 = arith.muli %while3A_188, %mul3A_219 : i32
          %add3A_221 = arith.constant 16 : i32
          %add3A_222 = arith.addi %mul3A_220, %add3A_221 : i32
          %get3A_223 = arith.index_cast %add3A_222 : i32 to index
          %get3A_224 = tpu.vector_load %arg6[%get3A_223] {strides = array<i32>} : memref<26688xi32, #tpu.memory_space<vmem>>, vector<16xi32>,
          %shift_right_arithmetic3A_225 = arith.constant 15 : i32
          %shift_right_arithmetic3A_226 = vector.broadcast %shift_right_arithmetic3A_225 : i32 to vector<16xi32>
          %shift_right_arithmetic3A_227 = arith.shrsi %get3A_224, %shift_right_arithmetic3A_226 : vector<16xi32>
          %and3A_228 = arith.constant 32767 : i32
          %and3A_229 = vector.broadcast %and3A_228 : i32 to vector<16xi32>
          %and3A_230 = arith.andi %get3A_224, %and3A_229 : vector<16xi32>
          %mul3A_231 = arith.constant 20165 : i32
          %mul3A_232 = vector.broadcast %mul3A_231 : i32 to vector<16xi32>
          %mul3A_233 = arith.muli %and3A_230, %mul3A_232 : vector<16xi32>
          %shift_right_arithmetic3A_234 = arith.constant 19 : i32
          %shift_right_arithmetic3A_235 = vector.broadcast %shift_right_arithmetic3A_234 : i32 to vector<16xi32>
          %shift_right_arithmetic3A_236 = arith.shrsi %mul3A_233, %shift_right_arithmetic3A_235 : vector<16xi32>
          %ge3A_237 = vector.broadcast %mul3A_175 : i32 to vector<16xi32>
          %ge3A_238 = arith.cmpi sge, %shift_right_arithmetic3A_227, %ge3A_237 : vector<16xi32>
          %add3A_239 = arith.constant 40 : i32
          %add3A_240 = arith.addi %mul3A_175, %add3A_239 : i32
          %lt3A_241 = vector.broadcast %add3A_240 : i32 to vector<16xi32>
          %lt3A_242 = arith.cmpi slt, %shift_right_arithmetic3A_227, %lt3A_241 : vector<16xi32>
          %and3A_243 = arith.andi %ge3A_238, %lt3A_242 : vector<16xi1>
          %sub3A_244 = vector.broadcast %mul3A_175 : i32 to vector<16xi32>
          %sub3A_245 = arith.subi %shift_right_arithmetic3A_227, %sub3A_244 : vector<16xi32>
          %jit3A_246 = arith.constant 0 : i32
          %broadcast_in_dim3A_247 = vector.broadcast %jit3A_246 : i32 to vector<16xi32>
          %select_n3A_248 = arith.select %and3A_243, %sub3A_245, %broadcast_in_dim3A_247 : vector<16xi1>, vector<16xi32>
          tpu.vector_store_idx %arg9[%select_n3A_248, %shift_right_arithmetic3A_236], %mul3A_16 masked %and3A_243 : memref<40x1024xf32, #tpu.memory_space<vmem>>[vector<16xi32>, vector<16xi32>], vector<16xf32>, vector<16xi1>
          %while3A_249 = arith.constant 0 : i32
          scf.yield %while3A_249 : i32
        }
        %while3A_186 = arith.constant 1 : i32
        %while3A_187 = scf.for %while3A_188 = %while3A_183 to %while3A_179 step %while3A_186 iter_args(%while3A_189 = %while3A_185) -> (i32)  : i32 {
          %mul3A_190 = arith.constant 32 : i32
          %mul3A_191 = arith.muli %while3A_188, %mul3A_190 : i32
          %add3A_192 = arith.constant 0 : i32
          %add3A_193 = arith.addi %mul3A_191, %add3A_192 : i32
          %get3A_194 = arith.index_cast %add3A_193 : i32 to index
          %get3A_195 = tpu.vector_load %arg6[%get3A_194] {strides = array<i32>} : memref<26688xi32, #tpu.memory_space<vmem>>, vector<16xi32>,
          %shift_right_arithmetic3A_196 = arith.constant 15 : i32
          %shift_right_arithmetic3A_197 = vector.broadcast %shift_right_arithmetic3A_196 : i32 to vector<16xi32>
          %shift_right_arithmetic3A_198 = arith.shrsi %get3A_195, %shift_right_arithmetic3A_197 : vector<16xi32>
          %and3A = arith.constant 32767 : i32
          %and3A_199 = vector.broadcast %and3A : i32 to vector<16xi32>
          %and3A_200 = arith.andi %get3A_195, %and3A_199 : vector<16xi32>
          %mul3A_201 = arith.constant 20165 : i32
          %mul3A_202 = vector.broadcast %mul3A_201 : i32 to vector<16xi32>
          %mul3A_203 = arith.muli %and3A_200, %mul3A_202 : vector<16xi32>
          %shift_right_arithmetic3A_204 = arith.constant 19 : i32
          %shift_right_arithmetic3A_205 = vector.broadcast %shift_right_arithmetic3A_204 : i32 to vector<16xi32>
          %shift_right_arithmetic3A_206 = arith.shrsi %mul3A_203, %shift_right_arithmetic3A_205 : vector<16xi32>
          %ge3A_207 = vector.broadcast %mul3A_175 : i32 to vector<16xi32>
          %ge3A_208 = arith.cmpi sge, %shift_right_arithmetic3A_198, %ge3A_207 : vector<16xi32>
          %add3A_209 = arith.constant 40 : i32
          %add3A_210 = arith.addi %mul3A_175, %add3A_209 : i32
          %lt3A_211 = vector.broadcast %add3A_210 : i32 to vector<16xi32>
          %lt3A_212 = arith.cmpi slt, %shift_right_arithmetic3A_198, %lt3A_211 : vector<16xi32>
          %and3A_213 = arith.andi %ge3A_208, %lt3A_212 : vector<16xi1>
          %sub3A_214 = vector.broadcast %mul3A_175 : i32 to vector<16xi32>
          %sub3A_215 = arith.subi %shift_right_arithmetic3A_198, %sub3A_214 : vector<16xi32>
          %jit3A_216 = arith.constant 0 : i32
          %broadcast_in_dim3A_217 = vector.broadcast %jit3A_216 : i32 to vector<16xi32>
          %select_n3A_218 = arith.select %and3A_213, %sub3A_215, %broadcast_in_dim3A_217 : vector<16xi1>, vector<16xi32>
          tpu.vector_store_idx %arg9[%select_n3A_218, %shift_right_arithmetic3A_206], %mul3A_16 masked %and3A_213 : memref<40x1024xf32, #tpu.memory_space<vmem>>[vector<16xi32>, vector<16xi32>], vector<16xf32>, vector<16xi1>
          %mul3A_219 = arith.constant 32 : i32
          %mul3A_220 = arith.muli %while3A_188, %mul3A_219 : i32
          %add3A_221 = arith.constant 16 : i32
          %add3A_222 = arith.addi %mul3A_220, %add3A_221 : i32
          %get3A_223 = arith.index_cast %add3A_222 : i32 to index
          %get3A_224 = tpu.vector_load %arg6[%get3A_223] {strides = array<i32>} : memref<26688xi32, #tpu.memory_space<vmem>>, vector<16xi32>,
          %shift_right_arithmetic3A_225 = arith.constant 15 : i32
          %shift_right_arithmetic3A_226 = vector.broadcast %shift_right_arithmetic3A_225 : i32 to vector<16xi32>
          %shift_right_arithmetic3A_227 = arith.shrsi %get3A_224, %shift_right_arithmetic3A_226 : vector<16xi32>
          %and3A_228 = arith.constant 32767 : i32
          %and3A_229 = vector.broadcast %and3A_228 : i32 to vector<16xi32>
          %and3A_230 = arith.andi %get3A_224, %and3A_229 : vector<16xi32>
          %mul3A_231 = arith.constant 20165 : i32
          %mul3A_232 = vector.broadcast %mul3A_231 : i32 to vector<16xi32>
          %mul3A_233 = arith.muli %and3A_230, %mul3A_232 : vector<16xi32>
          %shift_right_arithmetic3A_234 = arith.constant 19 : i32
          %shift_right_arithmetic3A_235 = vector.broadcast %shift_right_arithmetic3A_234 : i32 to vector<16xi32>
          %shift_right_arithmetic3A_236 = arith.shrsi %mul3A_233, %shift_right_arithmetic3A_235 : vector<16xi32>
          %ge3A_237 = vector.broadcast %mul3A_175 : i32 to vector<16xi32>
          %ge3A_238 = arith.cmpi sge, %shift_right_arithmetic3A_227, %ge3A_237 : vector<16xi32>
          %add3A_239 = arith.constant 40 : i32
          %add3A_240 = arith.addi %mul3A_175, %add3A_239 : i32
          %lt3A_241 = vector.broadcast %add3A_240 : i32 to vector<16xi32>
          %lt3A_242 = arith.cmpi slt, %shift_right_arithmetic3A_227, %lt3A_241 : vector<16xi32>
          %and3A_243 = arith.andi %ge3A_238, %lt3A_242 : vector<16xi1>
          %sub3A_244 = vector.broadcast %mul3A_175 : i32 to vector<16xi32>
          %sub3A_245 = arith.subi %shift_right_arithmetic3A_227, %sub3A_244 : vector<16xi32>
          %jit3A_246 = arith.constant 0 : i32
          %broadcast_in_dim3A_247 = vector.broadcast %jit3A_246 : i32 to vector<16xi32>
          %select_n3A_248 = arith.select %and3A_243, %sub3A_245, %broadcast_in_dim3A_247 : vector<16xi1>, vector<16xi32>
          tpu.vector_store_idx %arg9[%select_n3A_248, %shift_right_arithmetic3A_236], %mul3A_16 masked %and3A_243 : memref<40x1024xf32, #tpu.memory_space<vmem>>[vector<16xi32>, vector<16xi32>], vector<16xf32>, vector<16xi1>
          %while3A_249 = arith.constant 0 : i32
          scf.yield %while3A_249 : i32
        }
      } else {
      }
      %mul3A_144 = arith.constant 40 : i32
      %mul3A_145 = arith.muli %add3A_138, %mul3A_144 : i32
      %while3A_146 = arith.constant 0 : i32
      %while3A_147 = arith.constant 0 : i32
      %while3A_148 = arith.subi %shift_right_arithmetic3A_66, %while3A_146 : i32
      %while3A_149 = arith.addi %while3A_146, %while3A_148 : i32
      %while3A_150 = arith.constant 1 : i32
      %while3A_151 = arith.divsi %while3A_148, %while3A_150 : i32
      %while3A_152 = arith.muli %while3A_151, %while3A_150 : i32
      %while3A_153 = arith.addi %while3A_146, %while3A_152 : i32
      %while3A_154 = arith.constant 1 : i32
      %while3A_155 = scf.for %while3A_166 = %while3A_146 to %while3A_153 step %while3A_154 iter_args(%while3A_167 = %while3A_147) -> (i32)  : i32 {
        %mul3A_168 = arith.constant 32 : i32
        %mul3A_169 = arith.muli %while3A_166, %mul3A_168 : i32
        %add3A_170 = arith.constant 0 : i32
        %add3A_171 = arith.addi %mul3A_169, %add3A_170 : i32
        %get3A_172 = arith.index_cast %add3A_171 : i32 to index
        %get3A_173 = tpu.vector_load %arg6[%get3A_172] {strides = array<i32>} : memref<26688xi32, #tpu.memory_space<vmem>>, vector<16xi32>,
        %shift_right_arithmetic3A_174 = arith.constant 15 : i32
        %shift_right_arithmetic3A_175 = vector.broadcast %shift_right_arithmetic3A_174 : i32 to vector<16xi32>
        %shift_right_arithmetic3A_176 = arith.shrsi %get3A_173, %shift_right_arithmetic3A_175 : vector<16xi32>
        %and3A = arith.constant 32767 : i32
        %and3A_177 = vector.broadcast %and3A : i32 to vector<16xi32>
        %and3A_178 = arith.andi %get3A_173, %and3A_177 : vector<16xi32>
        %mul3A_179 = arith.constant 20165 : i32
        %mul3A_180 = vector.broadcast %mul3A_179 : i32 to vector<16xi32>
        %mul3A_181 = arith.muli %and3A_178, %mul3A_180 : vector<16xi32>
        %shift_right_arithmetic3A_182 = arith.constant 19 : i32
        %shift_right_arithmetic3A_183 = vector.broadcast %shift_right_arithmetic3A_182 : i32 to vector<16xi32>
        %shift_right_arithmetic3A_184 = arith.shrsi %mul3A_181, %shift_right_arithmetic3A_183 : vector<16xi32>
        %ge3A_185 = vector.broadcast %mul3A_145 : i32 to vector<16xi32>
        %ge3A_186 = arith.cmpi sge, %shift_right_arithmetic3A_176, %ge3A_185 : vector<16xi32>
        %add3A_187 = arith.constant 40 : i32
        %add3A_188 = arith.addi %mul3A_145, %add3A_187 : i32
        %lt3A_189 = vector.broadcast %add3A_188 : i32 to vector<16xi32>
        %lt3A_190 = arith.cmpi slt, %shift_right_arithmetic3A_176, %lt3A_189 : vector<16xi32>
        %and3A_191 = arith.andi %ge3A_186, %lt3A_190 : vector<16xi1>
        %sub3A_192 = vector.broadcast %mul3A_145 : i32 to vector<16xi32>
        %sub3A_193 = arith.subi %shift_right_arithmetic3A_176, %sub3A_192 : vector<16xi32>
        %jit3A_194 = arith.constant 0 : i32
        %broadcast_in_dim3A_195 = vector.broadcast %jit3A_194 : i32 to vector<16xi32>
        %select_n3A_196 = arith.select %and3A_191, %sub3A_193, %broadcast_in_dim3A_195 : vector<16xi1>, vector<16xi32>
        tpu.vector_store_idx %arg9[%select_n3A_196, %shift_right_arithmetic3A_184], %add3A_19 masked %and3A_191 : memref<40x1024xf32, #tpu.memory_space<vmem>>[vector<16xi32>, vector<16xi32>], vector<16xf32>, vector<16xi1>
        %mul3A_197 = arith.constant 32 : i32
        %mul3A_198 = arith.muli %while3A_166, %mul3A_197 : i32
        %add3A_199 = arith.constant 16 : i32
        %add3A_200 = arith.addi %mul3A_198, %add3A_199 : i32
        %get3A_201 = arith.index_cast %add3A_200 : i32 to index
        %get3A_202 = tpu.vector_load %arg6[%get3A_201] {strides = array<i32>} : memref<26688xi32, #tpu.memory_space<vmem>>, vector<16xi32>,
        %shift_right_arithmetic3A_203 = arith.constant 15 : i32
        %shift_right_arithmetic3A_204 = vector.broadcast %shift_right_arithmetic3A_203 : i32 to vector<16xi32>
        %shift_right_arithmetic3A_205 = arith.shrsi %get3A_202, %shift_right_arithmetic3A_204 : vector<16xi32>
        %and3A_206 = arith.constant 32767 : i32
        %and3A_207 = vector.broadcast %and3A_206 : i32 to vector<16xi32>
        %and3A_208 = arith.andi %get3A_202, %and3A_207 : vector<16xi32>
        %mul3A_209 = arith.constant 20165 : i32
        %mul3A_210 = vector.broadcast %mul3A_209 : i32 to vector<16xi32>
        %mul3A_211 = arith.muli %and3A_208, %mul3A_210 : vector<16xi32>
        %shift_right_arithmetic3A_212 = arith.constant 19 : i32
        %shift_right_arithmetic3A_213 = vector.broadcast %shift_right_arithmetic3A_212 : i32 to vector<16xi32>
        %shift_right_arithmetic3A_214 = arith.shrsi %mul3A_211, %shift_right_arithmetic3A_213 : vector<16xi32>
        %ge3A_215 = vector.broadcast %mul3A_145 : i32 to vector<16xi32>
        %ge3A_216 = arith.cmpi sge, %shift_right_arithmetic3A_205, %ge3A_215 : vector<16xi32>
        %add3A_217 = arith.constant 40 : i32
        %add3A_218 = arith.addi %mul3A_145, %add3A_217 : i32
        %lt3A_219 = vector.broadcast %add3A_218 : i32 to vector<16xi32>
        %lt3A_220 = arith.cmpi slt, %shift_right_arithmetic3A_205, %lt3A_219 : vector<16xi32>
        %and3A_221 = arith.andi %ge3A_216, %lt3A_220 : vector<16xi1>
        %sub3A_222 = vector.broadcast %mul3A_145 : i32 to vector<16xi32>
        %sub3A_223 = arith.subi %shift_right_arithmetic3A_205, %sub3A_222 : vector<16xi32>
        %jit3A_224 = arith.constant 0 : i32
        %broadcast_in_dim3A_225 = vector.broadcast %jit3A_224 : i32 to vector<16xi32>
        %select_n3A_226 = arith.select %and3A_221, %sub3A_223, %broadcast_in_dim3A_225 : vector<16xi1>, vector<16xi32>
        tpu.vector_store_idx %arg9[%select_n3A_226, %shift_right_arithmetic3A_214], %add3A_19 masked %and3A_221 : memref<40x1024xf32, #tpu.memory_space<vmem>>[vector<16xi32>, vector<16xi32>], vector<16xf32>, vector<16xi1>
        %while3A_227 = arith.constant 0 : i32
        scf.yield %while3A_227 : i32
      }
      %while3A_156 = arith.constant 1 : i32
      %while3A_157 = scf.for %while3A_166 = %while3A_153 to %while3A_149 step %while3A_156 iter_args(%while3A_167 = %while3A_155) -> (i32)  : i32 {
        %mul3A_168 = arith.constant 32 : i32
        %mul3A_169 = arith.muli %while3A_166, %mul3A_168 : i32
        %add3A_170 = arith.constant 0 : i32
        %add3A_171 = arith.addi %mul3A_169, %add3A_170 : i32
        %get3A_172 = arith.index_cast %add3A_171 : i32 to index
        %get3A_173 = tpu.vector_load %arg6[%get3A_172] {strides = array<i32>} : memref<26688xi32, #tpu.memory_space<vmem>>, vector<16xi32>,
        %shift_right_arithmetic3A_174 = arith.constant 15 : i32
        %shift_right_arithmetic3A_175 = vector.broadcast %shift_right_arithmetic3A_174 : i32 to vector<16xi32>
        %shift_right_arithmetic3A_176 = arith.shrsi %get3A_173, %shift_right_arithmetic3A_175 : vector<16xi32>
        %and3A = arith.constant 32767 : i32
        %and3A_177 = vector.broadcast %and3A : i32 to vector<16xi32>
        %and3A_178 = arith.andi %get3A_173, %and3A_177 : vector<16xi32>
        %mul3A_179 = arith.constant 20165 : i32
        %mul3A_180 = vector.broadcast %mul3A_179 : i32 to vector<16xi32>
        %mul3A_181 = arith.muli %and3A_178, %mul3A_180 : vector<16xi32>
        %shift_right_arithmetic3A_182 = arith.constant 19 : i32
        %shift_right_arithmetic3A_183 = vector.broadcast %shift_right_arithmetic3A_182 : i32 to vector<16xi32>
        %shift_right_arithmetic3A_184 = arith.shrsi %mul3A_181, %shift_right_arithmetic3A_183 : vector<16xi32>
        %ge3A_185 = vector.broadcast %mul3A_145 : i32 to vector<16xi32>
        %ge3A_186 = arith.cmpi sge, %shift_right_arithmetic3A_176, %ge3A_185 : vector<16xi32>
        %add3A_187 = arith.constant 40 : i32
        %add3A_188 = arith.addi %mul3A_145, %add3A_187 : i32
        %lt3A_189 = vector.broadcast %add3A_188 : i32 to vector<16xi32>
        %lt3A_190 = arith.cmpi slt, %shift_right_arithmetic3A_176, %lt3A_189 : vector<16xi32>
        %and3A_191 = arith.andi %ge3A_186, %lt3A_190 : vector<16xi1>
        %sub3A_192 = vector.broadcast %mul3A_145 : i32 to vector<16xi32>
        %sub3A_193 = arith.subi %shift_right_arithmetic3A_176, %sub3A_192 : vector<16xi32>
        %jit3A_194 = arith.constant 0 : i32
        %broadcast_in_dim3A_195 = vector.broadcast %jit3A_194 : i32 to vector<16xi32>
        %select_n3A_196 = arith.select %and3A_191, %sub3A_193, %broadcast_in_dim3A_195 : vector<16xi1>, vector<16xi32>
        tpu.vector_store_idx %arg9[%select_n3A_196, %shift_right_arithmetic3A_184], %add3A_19 masked %and3A_191 : memref<40x1024xf32, #tpu.memory_space<vmem>>[vector<16xi32>, vector<16xi32>], vector<16xf32>, vector<16xi1>
        %mul3A_197 = arith.constant 32 : i32
        %mul3A_198 = arith.muli %while3A_166, %mul3A_197 : i32
        %add3A_199 = arith.constant 16 : i32
        %add3A_200 = arith.addi %mul3A_198, %add3A_199 : i32
        %get3A_201 = arith.index_cast %add3A_200 : i32 to index
        %get3A_202 = tpu.vector_load %arg6[%get3A_201] {strides = array<i32>} : memref<26688xi32, #tpu.memory_space<vmem>>, vector<16xi32>,
        %shift_right_arithmetic3A_203 = arith.constant 15 : i32
        %shift_right_arithmetic3A_204 = vector.broadcast %shift_right_arithmetic3A_203 : i32 to vector<16xi32>
        %shift_right_arithmetic3A_205 = arith.shrsi %get3A_202, %shift_right_arithmetic3A_204 : vector<16xi32>
        %and3A_206 = arith.constant 32767 : i32
        %and3A_207 = vector.broadcast %and3A_206 : i32 to vector<16xi32>
        %and3A_208 = arith.andi %get3A_202, %and3A_207 : vector<16xi32>
        %mul3A_209 = arith.constant 20165 : i32
        %mul3A_210 = vector.broadcast %mul3A_209 : i32 to vector<16xi32>
        %mul3A_211 = arith.muli %and3A_208, %mul3A_210 : vector<16xi32>
        %shift_right_arithmetic3A_212 = arith.constant 19 : i32
        %shift_right_arithmetic3A_213 = vector.broadcast %shift_right_arithmetic3A_212 : i32 to vector<16xi32>
        %shift_right_arithmetic3A_214 = arith.shrsi %mul3A_211, %shift_right_arithmetic3A_213 : vector<16xi32>
        %ge3A_215 = vector.broadcast %mul3A_145 : i32 to vector<16xi32>
        %ge3A_216 = arith.cmpi sge, %shift_right_arithmetic3A_205, %ge3A_215 : vector<16xi32>
        %add3A_217 = arith.constant 40 : i32
        %add3A_218 = arith.addi %mul3A_145, %add3A_217 : i32
        %lt3A_219 = vector.broadcast %add3A_218 : i32 to vector<16xi32>
        %lt3A_220 = arith.cmpi slt, %shift_right_arithmetic3A_205, %lt3A_219 : vector<16xi32>
        %and3A_221 = arith.andi %ge3A_216, %lt3A_220 : vector<16xi1>
        %sub3A_222 = vector.broadcast %mul3A_145 : i32 to vector<16xi32>
        %sub3A_223 = arith.subi %shift_right_arithmetic3A_205, %sub3A_222 : vector<16xi32>
        %jit3A_224 = arith.constant 0 : i32
        %broadcast_in_dim3A_225 = vector.broadcast %jit3A_224 : i32 to vector<16xi32>
        %select_n3A_226 = arith.select %and3A_221, %sub3A_223, %broadcast_in_dim3A_225 : vector<16xi1>, vector<16xi32>
        tpu.vector_store_idx %arg9[%select_n3A_226, %shift_right_arithmetic3A_214], %add3A_19 masked %and3A_221 : memref<40x1024xf32, #tpu.memory_space<vmem>>[vector<16xi32>, vector<16xi32>], vector<16xf32>, vector<16xi1>
        %while3A_227 = arith.constant 0 : i32
        scf.yield %while3A_227 : i32
      }
      %mul3A_158 = arith.constant 40 : i32
      %mul3A_159 = arith.muli %add3A_138, %mul3A_158 : i32
      %add3A_160 = arith.addi %mul3A_8, %mul3A_159 : i32
      %dma_start3A_161 = arith.constant 0 : i32
      %dma_start3A_162 = tpu.memref_slice %arg4[%add3A_160, %dma_start3A_161] : memref<100000x1024xf32, #tpu.memory_space<hbm>> -> memref<40x1024xf32, #tpu.memory_space<hbm>>
      %dma_start3A_163 = arith.constant 0 : i32
      %dma_start3A_164 = tpu.memref_slice %arg4[%add3A_160, %dma_start3A_163] : memref<100000x1024xf32, #tpu.memory_space<hbm>> -> memref<40x1024xf32, #tpu.memory_space<hbm>>
      tpu.enqueue_dma source(%arg9 : memref<40x1024xf32, #tpu.memory_space<vmem>>) target(%dma_start3A_164 : memref<40x1024xf32, #tpu.memory_space<hbm>>) target_semaphore(%arg11 : memref<!tpu.dma_semaphore, #tpu.memory_space<semaphore_mem>>)
      %scan3A_165 = arith.constant 0 : i32
      scf.yield %scan3A_165 : i32
    }
    %scan3A_93 = arith.constant 39 : i32
    %eq3A = arith.constant 1 : i32
    %eq3A_94 = arith.cmpi eq, %select_n3A, %eq3A : i32
    %convert_element_type3A = arith.extui %eq3A_94 : i1 to i32
    %cond3A = arith.constant 0 : i32
    %cond3A_95 = arith.cmpi ne, %convert_element_type3A, %cond3A : i32
    scf.if %cond3A_95 {
      %add3A_106 = arith.constant 0 : i32
      %add3A_107 = arith.addi %mul3A_8, %add3A_106 : i32
      %dma_wait3A_108 = arith.constant 0 : i32
      %dma_wait3A_109 = tpu.memref_slice %arg4[%add3A_107, %dma_wait3A_108] : memref<100000x1024xf32, #tpu.memory_space<hbm>> -> memref<40x1024xf32, #tpu.memory_space<hbm>>
      %dma_wait3A_110 = arith.constant 0 : i32
      %dma_wait3A_111 = tpu.memref_slice %arg4[%add3A_107, %dma_wait3A_110] : memref<100000x1024xf32, #tpu.memory_space<hbm>> -> memref<40x1024xf32, #tpu.memory_space<hbm>>
      tpu.wait_dma2 semaphore(%arg10 : memref<!tpu.dma_semaphore, #tpu.memory_space<semaphore_mem>>) src(%arg8 : memref<40x1024xf32, #tpu.memory_space<vmem>>) dst(%dma_wait3A_111 : memref<40x1024xf32, #tpu.memory_space<hbm>>)
      %while3A = arith.constant 0 : i32
      %while3A_112 = arith.constant 0 : i32
      %while3A_113 = arith.subi %shift_right_arithmetic3A_66, %while3A : i32
      %while3A_114 = arith.addi %while3A, %while3A_113 : i32
      %while3A_115 = arith.constant 1 : i32
      %while3A_116 = arith.divsi %while3A_113, %while3A_115 : i32
      %while3A_117 = arith.muli %while3A_116, %while3A_115 : i32
      %while3A_118 = arith.addi %while3A, %while3A_117 : i32
      %while3A_119 = arith.constant 1 : i32
      %while3A_120 = scf.for %while3A_158 = %while3A to %while3A_118 step %while3A_119 iter_args(%while3A_159 = %while3A_112) -> (i32)  : i32 {
        %mul3A_160 = arith.constant 32 : i32
        %mul3A_161 = arith.muli %while3A_158, %mul3A_160 : i32
        %add3A_162 = arith.constant 0 : i32
        %add3A_163 = arith.addi %mul3A_161, %add3A_162 : i32
        %get3A_164 = arith.index_cast %add3A_163 : i32 to index
        %get3A_165 = tpu.vector_load %arg6[%get3A_164] {strides = array<i32>} : memref<26688xi32, #tpu.memory_space<vmem>>, vector<16xi32>,
        %shift_right_arithmetic3A_166 = arith.constant 15 : i32
        %shift_right_arithmetic3A_167 = vector.broadcast %shift_right_arithmetic3A_166 : i32 to vector<16xi32>
        %shift_right_arithmetic3A_168 = arith.shrsi %get3A_165, %shift_right_arithmetic3A_167 : vector<16xi32>
        %and3A = arith.constant 32767 : i32
        %and3A_169 = vector.broadcast %and3A : i32 to vector<16xi32>
        %and3A_170 = arith.andi %get3A_165, %and3A_169 : vector<16xi32>
        %mul3A_171 = arith.constant 20165 : i32
        %mul3A_172 = vector.broadcast %mul3A_171 : i32 to vector<16xi32>
        %mul3A_173 = arith.muli %and3A_170, %mul3A_172 : vector<16xi32>
        %shift_right_arithmetic3A_174 = arith.constant 19 : i32
        %shift_right_arithmetic3A_175 = vector.broadcast %shift_right_arithmetic3A_174 : i32 to vector<16xi32>
        %shift_right_arithmetic3A_176 = arith.shrsi %mul3A_173, %shift_right_arithmetic3A_175 : vector<16xi32>
        %ge3A = arith.constant 3040 : i32
        %ge3A_177 = vector.broadcast %ge3A : i32 to vector<16xi32>
        %ge3A_178 = arith.cmpi sge, %shift_right_arithmetic3A_168, %ge3A_177 : vector<16xi32>
        %lt3A_179 = arith.constant 3080 : i32
        %lt3A_180 = vector.broadcast %lt3A_179 : i32 to vector<16xi32>
        %lt3A_181 = arith.cmpi slt, %shift_right_arithmetic3A_168, %lt3A_180 : vector<16xi32>
        %and3A_182 = arith.andi %ge3A_178, %lt3A_181 : vector<16xi1>
        %sub3A_183 = arith.constant 3040 : i32
        %sub3A_184 = vector.broadcast %sub3A_183 : i32 to vector<16xi32>
        %sub3A_185 = arith.subi %shift_right_arithmetic3A_168, %sub3A_184 : vector<16xi32>
        %jit3A_186 = arith.constant 0 : i32
        %broadcast_in_dim3A_187 = vector.broadcast %jit3A_186 : i32 to vector<16xi32>
        %select_n3A_188 = arith.select %and3A_182, %sub3A_185, %broadcast_in_dim3A_187 : vector<16xi1>, vector<16xi32>
        tpu.vector_store_idx %arg8[%select_n3A_188, %shift_right_arithmetic3A_176], %mul3A_16 masked %and3A_182 : memref<40x1024xf32, #tpu.memory_space<vmem>>[vector<16xi32>, vector<16xi32>], vector<16xf32>, vector<16xi1>
        %mul3A_189 = arith.constant 32 : i32
        %mul3A_190 = arith.muli %while3A_158, %mul3A_189 : i32
        %add3A_191 = arith.constant 16 : i32
        %add3A_192 = arith.addi %mul3A_190, %add3A_191 : i32
        %get3A_193 = arith.index_cast %add3A_192 : i32 to index
        %get3A_194 = tpu.vector_load %arg6[%get3A_193] {strides = array<i32>} : memref<26688xi32, #tpu.memory_space<vmem>>, vector<16xi32>,
        %shift_right_arithmetic3A_195 = arith.constant 15 : i32
        %shift_right_arithmetic3A_196 = vector.broadcast %shift_right_arithmetic3A_195 : i32 to vector<16xi32>
        %shift_right_arithmetic3A_197 = arith.shrsi %get3A_194, %shift_right_arithmetic3A_196 : vector<16xi32>
        %and3A_198 = arith.constant 32767 : i32
        %and3A_199 = vector.broadcast %and3A_198 : i32 to vector<16xi32>
        %and3A_200 = arith.andi %get3A_194, %and3A_199 : vector<16xi32>
        %mul3A_201 = arith.constant 20165 : i32
        %mul3A_202 = vector.broadcast %mul3A_201 : i32 to vector<16xi32>
        %mul3A_203 = arith.muli %and3A_200, %mul3A_202 : vector<16xi32>
        %shift_right_arithmetic3A_204 = arith.constant 19 : i32
        %shift_right_arithmetic3A_205 = vector.broadcast %shift_right_arithmetic3A_204 : i32 to vector<16xi32>
        %shift_right_arithmetic3A_206 = arith.shrsi %mul3A_203, %shift_right_arithmetic3A_205 : vector<16xi32>
        %ge3A_207 = arith.constant 3040 : i32
        %ge3A_208 = vector.broadcast %ge3A_207 : i32 to vector<16xi32>
        %ge3A_209 = arith.cmpi sge, %shift_right_arithmetic3A_197, %ge3A_208 : vector<16xi32>
        %lt3A_210 = arith.constant 3080 : i32
        %lt3A_211 = vector.broadcast %lt3A_210 : i32 to vector<16xi32>
        %lt3A_212 = arith.cmpi slt, %shift_right_arithmetic3A_197, %lt3A_211 : vector<16xi32>
        %and3A_213 = arith.andi %ge3A_209, %lt3A_212 : vector<16xi1>
        %sub3A_214 = arith.constant 3040 : i32
        %sub3A_215 = vector.broadcast %sub3A_214 : i32 to vector<16xi32>
        %sub3A_216 = arith.subi %shift_right_arithmetic3A_197, %sub3A_215 : vector<16xi32>
        %jit3A_217 = arith.constant 0 : i32
        %broadcast_in_dim3A_218 = vector.broadcast %jit3A_217 : i32 to vector<16xi32>
        %select_n3A_219 = arith.select %and3A_213, %sub3A_216, %broadcast_in_dim3A_218 : vector<16xi1>, vector<16xi32>
        tpu.vector_store_idx %arg8[%select_n3A_219, %shift_right_arithmetic3A_206], %mul3A_16 masked %and3A_213 : memref<40x1024xf32, #tpu.memory_space<vmem>>[vector<16xi32>, vector<16xi32>], vector<16xf32>, vector<16xi1>
        %while3A_220 = arith.constant 0 : i32
        scf.yield %while3A_220 : i32
      }
      %while3A_121 = arith.constant 1 : i32
      %while3A_122 = scf.for %while3A_158 = %while3A_118 to %while3A_114 step %while3A_121 iter_args(%while3A_159 = %while3A_120) -> (i32)  : i32 {
        %mul3A_160 = arith.constant 32 : i32
        %mul3A_161 = arith.muli %while3A_158, %mul3A_160 : i32
        %add3A_162 = arith.constant 0 : i32
        %add3A_163 = arith.addi %mul3A_161, %add3A_162 : i32
        %get3A_164 = arith.index_cast %add3A_163 : i32 to index
        %get3A_165 = tpu.vector_load %arg6[%get3A_164] {strides = array<i32>} : memref<26688xi32, #tpu.memory_space<vmem>>, vector<16xi32>,
        %shift_right_arithmetic3A_166 = arith.constant 15 : i32
        %shift_right_arithmetic3A_167 = vector.broadcast %shift_right_arithmetic3A_166 : i32 to vector<16xi32>
        %shift_right_arithmetic3A_168 = arith.shrsi %get3A_165, %shift_right_arithmetic3A_167 : vector<16xi32>
        %and3A = arith.constant 32767 : i32
        %and3A_169 = vector.broadcast %and3A : i32 to vector<16xi32>
        %and3A_170 = arith.andi %get3A_165, %and3A_169 : vector<16xi32>
        %mul3A_171 = arith.constant 20165 : i32
        %mul3A_172 = vector.broadcast %mul3A_171 : i32 to vector<16xi32>
        %mul3A_173 = arith.muli %and3A_170, %mul3A_172 : vector<16xi32>
        %shift_right_arithmetic3A_174 = arith.constant 19 : i32
        %shift_right_arithmetic3A_175 = vector.broadcast %shift_right_arithmetic3A_174 : i32 to vector<16xi32>
        %shift_right_arithmetic3A_176 = arith.shrsi %mul3A_173, %shift_right_arithmetic3A_175 : vector<16xi32>
        %ge3A = arith.constant 3040 : i32
        %ge3A_177 = vector.broadcast %ge3A : i32 to vector<16xi32>
        %ge3A_178 = arith.cmpi sge, %shift_right_arithmetic3A_168, %ge3A_177 : vector<16xi32>
        %lt3A_179 = arith.constant 3080 : i32
        %lt3A_180 = vector.broadcast %lt3A_179 : i32 to vector<16xi32>
        %lt3A_181 = arith.cmpi slt, %shift_right_arithmetic3A_168, %lt3A_180 : vector<16xi32>
        %and3A_182 = arith.andi %ge3A_178, %lt3A_181 : vector<16xi1>
        %sub3A_183 = arith.constant 3040 : i32
        %sub3A_184 = vector.broadcast %sub3A_183 : i32 to vector<16xi32>
        %sub3A_185 = arith.subi %shift_right_arithmetic3A_168, %sub3A_184 : vector<16xi32>
        %jit3A_186 = arith.constant 0 : i32
        %broadcast_in_dim3A_187 = vector.broadcast %jit3A_186 : i32 to vector<16xi32>
        %select_n3A_188 = arith.select %and3A_182, %sub3A_185, %broadcast_in_dim3A_187 : vector<16xi1>, vector<16xi32>
        tpu.vector_store_idx %arg8[%select_n3A_188, %shift_right_arithmetic3A_176], %mul3A_16 masked %and3A_182 : memref<40x1024xf32, #tpu.memory_space<vmem>>[vector<16xi32>, vector<16xi32>], vector<16xf32>, vector<16xi1>
        %mul3A_189 = arith.constant 32 : i32
        %mul3A_190 = arith.muli %while3A_158, %mul3A_189 : i32
        %add3A_191 = arith.constant 16 : i32
        %add3A_192 = arith.addi %mul3A_190, %add3A_191 : i32
        %get3A_193 = arith.index_cast %add3A_192 : i32 to index
        %get3A_194 = tpu.vector_load %arg6[%get3A_193] {strides = array<i32>} : memref<26688xi32, #tpu.memory_space<vmem>>, vector<16xi32>,
        %shift_right_arithmetic3A_195 = arith.constant 15 : i32
        %shift_right_arithmetic3A_196 = vector.broadcast %shift_right_arithmetic3A_195 : i32 to vector<16xi32>
        %shift_right_arithmetic3A_197 = arith.shrsi %get3A_194, %shift_right_arithmetic3A_196 : vector<16xi32>
        %and3A_198 = arith.constant 32767 : i32
        %and3A_199 = vector.broadcast %and3A_198 : i32 to vector<16xi32>
        %and3A_200 = arith.andi %get3A_194, %and3A_199 : vector<16xi32>
        %mul3A_201 = arith.constant 20165 : i32
        %mul3A_202 = vector.broadcast %mul3A_201 : i32 to vector<16xi32>
        %mul3A_203 = arith.muli %and3A_200, %mul3A_202 : vector<16xi32>
        %shift_right_arithmetic3A_204 = arith.constant 19 : i32
        %shift_right_arithmetic3A_205 = vector.broadcast %shift_right_arithmetic3A_204 : i32 to vector<16xi32>
        %shift_right_arithmetic3A_206 = arith.shrsi %mul3A_203, %shift_right_arithmetic3A_205 : vector<16xi32>
        %ge3A_207 = arith.constant 3040 : i32
        %ge3A_208 = vector.broadcast %ge3A_207 : i32 to vector<16xi32>
        %ge3A_209 = arith.cmpi sge, %shift_right_arithmetic3A_197, %ge3A_208 : vector<16xi32>
        %lt3A_210 = arith.constant 3080 : i32
        %lt3A_211 = vector.broadcast %lt3A_210 : i32 to vector<16xi32>
        %lt3A_212 = arith.cmpi slt, %shift_right_arithmetic3A_197, %lt3A_211 : vector<16xi32>
        %and3A_213 = arith.andi %ge3A_209, %lt3A_212 : vector<16xi1>
        %sub3A_214 = arith.constant 3040 : i32
        %sub3A_215 = vector.broadcast %sub3A_214 : i32 to vector<16xi32>
        %sub3A_216 = arith.subi %shift_right_arithmetic3A_197, %sub3A_215 : vector<16xi32>
        %jit3A_217 = arith.constant 0 : i32
        %broadcast_in_dim3A_218 = vector.broadcast %jit3A_217 : i32 to vector<16xi32>
        %select_n3A_219 = arith.select %and3A_213, %sub3A_216, %broadcast_in_dim3A_218 : vector<16xi1>, vector<16xi32>
        tpu.vector_store_idx %arg8[%select_n3A_219, %shift_right_arithmetic3A_206], %mul3A_16 masked %and3A_213 : memref<40x1024xf32, #tpu.memory_space<vmem>>[vector<16xi32>, vector<16xi32>], vector<16xf32>, vector<16xi1>
        %while3A_220 = arith.constant 0 : i32
        scf.yield %while3A_220 : i32
      }
      %while3A_123 = arith.constant 0 : i32
      %while3A_124 = arith.constant 0 : i32
      %while3A_125 = arith.subi %shift_right_arithmetic3A_66, %while3A_123 : i32
      %while3A_126 = arith.addi %while3A_123, %while3A_125 : i32
      %while3A_127 = arith.constant 1 : i32
      %while3A_128 = arith.divsi %while3A_125, %while3A_127 : i32
      %while3A_129 = arith.muli %while3A_128, %while3A_127 : i32
      %while3A_130 = arith.addi %while3A_123, %while3A_129 : i32
      %while3A_131 = arith.constant 1 : i32
      %while3A_132 = scf.for %while3A_158 = %while3A_123 to %while3A_130 step %while3A_131 iter_args(%while3A_159 = %while3A_124) -> (i32)  : i32 {
        %mul3A_160 = arith.constant 32 : i32
        %mul3A_161 = arith.muli %while3A_158, %mul3A_160 : i32
        %add3A_162 = arith.constant 0 : i32
        %add3A_163 = arith.addi %mul3A_161, %add3A_162 : i32
        %get3A_164 = arith.index_cast %add3A_163 : i32 to index
        %get3A_165 = tpu.vector_load %arg6[%get3A_164] {strides = array<i32>} : memref<26688xi32, #tpu.memory_space<vmem>>, vector<16xi32>,
        %shift_right_arithmetic3A_166 = arith.constant 15 : i32
        %shift_right_arithmetic3A_167 = vector.broadcast %shift_right_arithmetic3A_166 : i32 to vector<16xi32>
        %shift_right_arithmetic3A_168 = arith.shrsi %get3A_165, %shift_right_arithmetic3A_167 : vector<16xi32>
        %and3A = arith.constant 32767 : i32
        %and3A_169 = vector.broadcast %and3A : i32 to vector<16xi32>
        %and3A_170 = arith.andi %get3A_165, %and3A_169 : vector<16xi32>
        %mul3A_171 = arith.constant 20165 : i32
        %mul3A_172 = vector.broadcast %mul3A_171 : i32 to vector<16xi32>
        %mul3A_173 = arith.muli %and3A_170, %mul3A_172 : vector<16xi32>
        %shift_right_arithmetic3A_174 = arith.constant 19 : i32
        %shift_right_arithmetic3A_175 = vector.broadcast %shift_right_arithmetic3A_174 : i32 to vector<16xi32>
        %shift_right_arithmetic3A_176 = arith.shrsi %mul3A_173, %shift_right_arithmetic3A_175 : vector<16xi32>
        %ge3A = arith.constant 3120 : i32
        %ge3A_177 = vector.broadcast %ge3A : i32 to vector<16xi32>
        %ge3A_178 = arith.cmpi sge, %shift_right_arithmetic3A_168, %ge3A_177 : vector<16xi32>
        %lt3A_179 = arith.constant 3160 : i32
        %lt3A_180 = vector.broadcast %lt3A_179 : i32 to vector<16xi32>
        %lt3A_181 = arith.cmpi slt, %shift_right_arithmetic3A_168, %lt3A_180 : vector<16xi32>
        %and3A_182 = arith.andi %ge3A_178, %lt3A_181 : vector<16xi1>
        %sub3A_183 = arith.constant 3120 : i32
        %sub3A_184 = vector.broadcast %sub3A_183 : i32 to vector<16xi32>
        %sub3A_185 = arith.subi %shift_right_arithmetic3A_168, %sub3A_184 : vector<16xi32>
        %jit3A_186 = arith.constant 0 : i32
        %broadcast_in_dim3A_187 = vector.broadcast %jit3A_186 : i32 to vector<16xi32>
        %select_n3A_188 = arith.select %and3A_182, %sub3A_185, %broadcast_in_dim3A_187 : vector<16xi1>, vector<16xi32>
        tpu.vector_store_idx %arg8[%select_n3A_188, %shift_right_arithmetic3A_176], %add3A_19 masked %and3A_182 : memref<40x1024xf32, #tpu.memory_space<vmem>>[vector<16xi32>, vector<16xi32>], vector<16xf32>, vector<16xi1>
        %mul3A_189 = arith.constant 32 : i32
        %mul3A_190 = arith.muli %while3A_158, %mul3A_189 : i32
        %add3A_191 = arith.constant 16 : i32
        %add3A_192 = arith.addi %mul3A_190, %add3A_191 : i32
        %get3A_193 = arith.index_cast %add3A_192 : i32 to index
        %get3A_194 = tpu.vector_load %arg6[%get3A_193] {strides = array<i32>} : memref<26688xi32, #tpu.memory_space<vmem>>, vector<16xi32>,
        %shift_right_arithmetic3A_195 = arith.constant 15 : i32
        %shift_right_arithmetic3A_196 = vector.broadcast %shift_right_arithmetic3A_195 : i32 to vector<16xi32>
        %shift_right_arithmetic3A_197 = arith.shrsi %get3A_194, %shift_right_arithmetic3A_196 : vector<16xi32>
        %and3A_198 = arith.constant 32767 : i32
        %and3A_199 = vector.broadcast %and3A_198 : i32 to vector<16xi32>
        %and3A_200 = arith.andi %get3A_194, %and3A_199 : vector<16xi32>
        %mul3A_201 = arith.constant 20165 : i32
        %mul3A_202 = vector.broadcast %mul3A_201 : i32 to vector<16xi32>
        %mul3A_203 = arith.muli %and3A_200, %mul3A_202 : vector<16xi32>
        %shift_right_arithmetic3A_204 = arith.constant 19 : i32
        %shift_right_arithmetic3A_205 = vector.broadcast %shift_right_arithmetic3A_204 : i32 to vector<16xi32>
        %shift_right_arithmetic3A_206 = arith.shrsi %mul3A_203, %shift_right_arithmetic3A_205 : vector<16xi32>
        %ge3A_207 = arith.constant 3120 : i32
        %ge3A_208 = vector.broadcast %ge3A_207 : i32 to vector<16xi32>
        %ge3A_209 = arith.cmpi sge, %shift_right_arithmetic3A_197, %ge3A_208 : vector<16xi32>
        %lt3A_210 = arith.constant 3160 : i32
        %lt3A_211 = vector.broadcast %lt3A_210 : i32 to vector<16xi32>
        %lt3A_212 = arith.cmpi slt, %shift_right_arithmetic3A_197, %lt3A_211 : vector<16xi32>
        %and3A_213 = arith.andi %ge3A_209, %lt3A_212 : vector<16xi1>
        %sub3A_214 = arith.constant 3120 : i32
        %sub3A_215 = vector.broadcast %sub3A_214 : i32 to vector<16xi32>
        %sub3A_216 = arith.subi %shift_right_arithmetic3A_197, %sub3A_215 : vector<16xi32>
        %jit3A_217 = arith.constant 0 : i32
        %broadcast_in_dim3A_218 = vector.broadcast %jit3A_217 : i32 to vector<16xi32>
        %select_n3A_219 = arith.select %and3A_213, %sub3A_216, %broadcast_in_dim3A_218 : vector<16xi1>, vector<16xi32>
        tpu.vector_store_idx %arg8[%select_n3A_219, %shift_right_arithmetic3A_206], %add3A_19 masked %and3A_213 : memref<40x1024xf32, #tpu.memory_space<vmem>>[vector<16xi32>, vector<16xi32>], vector<16xf32>, vector<16xi1>
        %while3A_220 = arith.constant 0 : i32
        scf.yield %while3A_220 : i32
      }
      %while3A_133 = arith.constant 1 : i32
      %while3A_134 = scf.for %while3A_158 = %while3A_130 to %while3A_126 step %while3A_133 iter_args(%while3A_159 = %while3A_132) -> (i32)  : i32 {
        %mul3A_160 = arith.constant 32 : i32
        %mul3A_161 = arith.muli %while3A_158, %mul3A_160 : i32
        %add3A_162 = arith.constant 0 : i32
        %add3A_163 = arith.addi %mul3A_161, %add3A_162 : i32
        %get3A_164 = arith.index_cast %add3A_163 : i32 to index
        %get3A_165 = tpu.vector_load %arg6[%get3A_164] {strides = array<i32>} : memref<26688xi32, #tpu.memory_space<vmem>>, vector<16xi32>,
        %shift_right_arithmetic3A_166 = arith.constant 15 : i32
        %shift_right_arithmetic3A_167 = vector.broadcast %shift_right_arithmetic3A_166 : i32 to vector<16xi32>
        %shift_right_arithmetic3A_168 = arith.shrsi %get3A_165, %shift_right_arithmetic3A_167 : vector<16xi32>
        %and3A = arith.constant 32767 : i32
        %and3A_169 = vector.broadcast %and3A : i32 to vector<16xi32>
        %and3A_170 = arith.andi %get3A_165, %and3A_169 : vector<16xi32>
        %mul3A_171 = arith.constant 20165 : i32
        %mul3A_172 = vector.broadcast %mul3A_171 : i32 to vector<16xi32>
        %mul3A_173 = arith.muli %and3A_170, %mul3A_172 : vector<16xi32>
        %shift_right_arithmetic3A_174 = arith.constant 19 : i32
        %shift_right_arithmetic3A_175 = vector.broadcast %shift_right_arithmetic3A_174 : i32 to vector<16xi32>
        %shift_right_arithmetic3A_176 = arith.shrsi %mul3A_173, %shift_right_arithmetic3A_175 : vector<16xi32>
        %ge3A = arith.constant 3120 : i32
        %ge3A_177 = vector.broadcast %ge3A : i32 to vector<16xi32>
        %ge3A_178 = arith.cmpi sge, %shift_right_arithmetic3A_168, %ge3A_177 : vector<16xi32>
        %lt3A_179 = arith.constant 3160 : i32
        %lt3A_180 = vector.broadcast %lt3A_179 : i32 to vector<16xi32>
        %lt3A_181 = arith.cmpi slt, %shift_right_arithmetic3A_168, %lt3A_180 : vector<16xi32>
        %and3A_182 = arith.andi %ge3A_178, %lt3A_181 : vector<16xi1>
        %sub3A_183 = arith.constant 3120 : i32
        %sub3A_184 = vector.broadcast %sub3A_183 : i32 to vector<16xi32>
        %sub3A_185 = arith.subi %shift_right_arithmetic3A_168, %sub3A_184 : vector<16xi32>
        %jit3A_186 = arith.constant 0 : i32
        %broadcast_in_dim3A_187 = vector.broadcast %jit3A_186 : i32 to vector<16xi32>
        %select_n3A_188 = arith.select %and3A_182, %sub3A_185, %broadcast_in_dim3A_187 : vector<16xi1>, vector<16xi32>
        tpu.vector_store_idx %arg8[%select_n3A_188, %shift_right_arithmetic3A_176], %add3A_19 masked %and3A_182 : memref<40x1024xf32, #tpu.memory_space<vmem>>[vector<16xi32>, vector<16xi32>], vector<16xf32>, vector<16xi1>
        %mul3A_189 = arith.constant 32 : i32
        %mul3A_190 = arith.muli %while3A_158, %mul3A_189 : i32
        %add3A_191 = arith.constant 16 : i32
        %add3A_192 = arith.addi %mul3A_190, %add3A_191 : i32
        %get3A_193 = arith.index_cast %add3A_192 : i32 to index
        %get3A_194 = tpu.vector_load %arg6[%get3A_193] {strides = array<i32>} : memref<26688xi32, #tpu.memory_space<vmem>>, vector<16xi32>,
        %shift_right_arithmetic3A_195 = arith.constant 15 : i32
        %shift_right_arithmetic3A_196 = vector.broadcast %shift_right_arithmetic3A_195 : i32 to vector<16xi32>
        %shift_right_arithmetic3A_197 = arith.shrsi %get3A_194, %shift_right_arithmetic3A_196 : vector<16xi32>
        %and3A_198 = arith.constant 32767 : i32
        %and3A_199 = vector.broadcast %and3A_198 : i32 to vector<16xi32>
        %and3A_200 = arith.andi %get3A_194, %and3A_199 : vector<16xi32>
        %mul3A_201 = arith.constant 20165 : i32
        %mul3A_202 = vector.broadcast %mul3A_201 : i32 to vector<16xi32>
        %mul3A_203 = arith.muli %and3A_200, %mul3A_202 : vector<16xi32>
        %shift_right_arithmetic3A_204 = arith.constant 19 : i32
        %shift_right_arithmetic3A_205 = vector.broadcast %shift_right_arithmetic3A_204 : i32 to vector<16xi32>
        %shift_right_arithmetic3A_206 = arith.shrsi %mul3A_203, %shift_right_arithmetic3A_205 : vector<16xi32>
        %ge3A_207 = arith.constant 3120 : i32
        %ge3A_208 = vector.broadcast %ge3A_207 : i32 to vector<16xi32>
        %ge3A_209 = arith.cmpi sge, %shift_right_arithmetic3A_197, %ge3A_208 : vector<16xi32>
        %lt3A_210 = arith.constant 3160 : i32
        %lt3A_211 = vector.broadcast %lt3A_210 : i32 to vector<16xi32>
        %lt3A_212 = arith.cmpi slt, %shift_right_arithmetic3A_197, %lt3A_211 : vector<16xi32>
        %and3A_213 = arith.andi %ge3A_209, %lt3A_212 : vector<16xi1>
        %sub3A_214 = arith.constant 3120 : i32
        %sub3A_215 = vector.broadcast %sub3A_214 : i32 to vector<16xi32>
        %sub3A_216 = arith.subi %shift_right_arithmetic3A_197, %sub3A_215 : vector<16xi32>
        %jit3A_217 = arith.constant 0 : i32
        %broadcast_in_dim3A_218 = vector.broadcast %jit3A_217 : i32 to vector<16xi32>
        %select_n3A_219 = arith.select %and3A_213, %sub3A_216, %broadcast_in_dim3A_218 : vector<16xi1>, vector<16xi32>
        tpu.vector_store_idx %arg8[%select_n3A_219, %shift_right_arithmetic3A_206], %add3A_19 masked %and3A_213 : memref<40x1024xf32, #tpu.memory_space<vmem>>[vector<16xi32>, vector<16xi32>], vector<16xf32>, vector<16xi1>
        %while3A_220 = arith.constant 0 : i32
        scf.yield %while3A_220 : i32
      }
      %add3A_135 = arith.constant 3120 : i32
      %add3A_136 = arith.addi %mul3A_8, %add3A_135 : i32
      %dma_start3A = arith.constant 0 : i32
      %dma_start3A_137 = arith.constant 0 : i32
      %dma_start3A_138 = tpu.memref_slice %arg8[%dma_start3A, %dma_start3A_137] : memref<40x1024xf32, #tpu.memory_space<vmem>> -> memref<8x1024xf32, #tpu.memory_space<vmem>>
      %dma_start3A_139 = arith.constant 0 : i32
      %dma_start3A_140 = tpu.memref_slice %arg4[%add3A_136, %dma_start3A_139] : memref<100000x1024xf32, #tpu.memory_space<hbm>> -> memref<8x1024xf32, #tpu.memory_space<hbm>>
      %dma_start3A_141 = arith.constant 0 : i32
      %dma_start3A_142 = tpu.memref_slice %arg4[%add3A_136, %dma_start3A_141] : memref<100000x1024xf32, #tpu.memory_space<hbm>> -> memref<8x1024xf32, #tpu.memory_space<hbm>>
      %dma_start3A_143 = arith.constant 0 : i32
      %dma_start3A_144 = arith.constant 0 : i32
      %dma_start3A_145 = tpu.memref_slice %arg8[%dma_start3A_143, %dma_start3A_144] : memref<40x1024xf32, #tpu.memory_space<vmem>> -> memref<8x1024xf32, #tpu.memory_space<vmem>>
      tpu.enqueue_dma source(%dma_start3A_145 : memref<8x1024xf32, #tpu.memory_space<vmem>>) target(%dma_start3A_142 : memref<8x1024xf32, #tpu.memory_space<hbm>>) target_semaphore(%arg10 : memref<!tpu.dma_semaphore, #tpu.memory_space<semaphore_mem>>)
      %dma_wait3A_146 = arith.constant 0 : i32
      %dma_wait3A_147 = arith.constant 0 : i32
      %dma_wait3A_148 = tpu.memref_slice %arg8[%dma_wait3A_146, %dma_wait3A_147] : memref<40x1024xf32, #tpu.memory_space<vmem>> -> memref<8x1024xf32, #tpu.memory_space<vmem>>
      %dma_wait3A_149 = arith.constant 0 : i32
      %dma_wait3A_150 = arith.constant 0 : i32
      %dma_wait3A_151 = tpu.memref_slice %arg4[%dma_wait3A_149, %dma_wait3A_150] : memref<100000x1024xf32, #tpu.memory_space<hbm>> -> memref<8x1024xf32, #tpu.memory_space<hbm>>
      %dma_wait3A_152 = arith.constant 0 : i32
      %dma_wait3A_153 = arith.constant 0 : i32
      %dma_wait3A_154 = tpu.memref_slice %arg4[%dma_wait3A_152, %dma_wait3A_153] : memref<100000x1024xf32, #tpu.memory_space<hbm>> -> memref<8x1024xf32, #tpu.memory_space<hbm>>
      %dma_wait3A_155 = arith.constant 0 : i32
      %dma_wait3A_156 = arith.constant 0 : i32
      %dma_wait3A_157 = tpu.memref_slice %arg8[%dma_wait3A_155, %dma_wait3A_156] : memref<40x1024xf32, #tpu.memory_space<vmem>> -> memref<8x1024xf32, #tpu.memory_space<vmem>>
      tpu.wait_dma2 semaphore(%arg10 : memref<!tpu.dma_semaphore, #tpu.memory_space<semaphore_mem>>) src(%dma_wait3A_157 : memref<8x1024xf32, #tpu.memory_space<vmem>>) dst(%dma_wait3A_154 : memref<8x1024xf32, #tpu.memory_space<hbm>>)
    } else {
    }
    %eq3A_96 = arith.constant 0 : i32
    %eq3A_97 = arith.cmpi eq, %select_n3A, %eq3A_96 : i32
    %convert_element_type3A_98 = arith.extui %eq3A_97 : i1 to i32
    %cond3A_99 = arith.constant 0 : i32
    %cond3A_100 = arith.cmpi ne, %convert_element_type3A_98, %cond3A_99 : i32
    scf.if %cond3A_100 {
      %add3A_106 = arith.constant 0 : i32
      %add3A_107 = arith.addi %mul3A_8, %add3A_106 : i32
      %dma_wait3A_108 = arith.constant 0 : i32
      %dma_wait3A_109 = tpu.memref_slice %arg4[%add3A_107, %dma_wait3A_108] : memref<100000x1024xf32, #tpu.memory_space<hbm>> -> memref<40x1024xf32, #tpu.memory_space<hbm>>
      %dma_wait3A_110 = arith.constant 0 : i32
      %dma_wait3A_111 = tpu.memref_slice %arg4[%add3A_107, %dma_wait3A_110] : memref<100000x1024xf32, #tpu.memory_space<hbm>> -> memref<40x1024xf32, #tpu.memory_space<hbm>>
      tpu.wait_dma2 semaphore(%arg10 : memref<!tpu.dma_semaphore, #tpu.memory_space<semaphore_mem>>) src(%arg8 : memref<40x1024xf32, #tpu.memory_space<vmem>>) dst(%dma_wait3A_111 : memref<40x1024xf32, #tpu.memory_space<hbm>>)
    } else {
    }
    %add3A_101 = arith.constant 0 : i32
    %add3A_102 = arith.addi %mul3A_8, %add3A_101 : i32
    %dma_wait3A = arith.constant 0 : i32
    %dma_wait3A_103 = tpu.memref_slice %arg4[%add3A_102, %dma_wait3A] : memref<100000x1024xf32, #tpu.memory_space<hbm>> -> memref<40x1024xf32, #tpu.memory_space<hbm>>
    %dma_wait3A_104 = arith.constant 0 : i32
    %dma_wait3A_105 = tpu.memref_slice %arg4[%add3A_102, %dma_wait3A_104] : memref<100000x1024xf32, #tpu.memory_space<hbm>> -> memref<40x1024xf32, #tpu.memory_space<hbm>>
    tpu.wait_dma2 semaphore(%arg11 : memref<!tpu.dma_semaphore, #tpu.memory_space<semaphore_mem>>) src(%arg9 : memref<40x1024xf32, #tpu.memory_space<vmem>>) dst(%dma_wait3A_105 : memref<40x1024xf32, #tpu.memory_space<hbm>>)
    return
  }
}

</mosaic_0001>

<sc_bundles>
// kernel: kernel.3.cloned.1.call-start
scs
__scs_entry_jumppad:
0x0: {  	(pc) =	sbr.rel $0x88, $3  }
0x1: {  	(tag) =	ssettag $0x0;
	lr =	simm.s32 $0x1  }
0x2: {  	[smem:$0x3F9F] =	sst lr;
	_ =	strace $0xD0000000  }
0x3: {  	_ = 	snop  }
0x4: {  	_ = 	snop  }
0x5: {  	_ = 	snop  }
0x6: {  	_ = 	snop  }
0x7: {  	_ = 	snop  }
__scs_overlays_trampoline_lowered:
0x8: {  	[smem:$0x3FAE] =	sst s0  }
0x9: {  	[smem:$0x3FAF] =	sst s1  }
0xa: {  	[smem:$0x3FB0] =	sst s2  }
0xb: {  	[smem:$0x3FB1] =	sst s3  }
0xc: {  	[smem:$0x3FB2] =	sst s4  }
0xd: {  	[smem:$0x3FB3] =	sst s5  }
0xe: {  	[smem:$0x3FB4] =	sst s6  }
0xf: {  	[smem:$0x3FB5] =	sst s7  }
0x10: {  	[smem:$0x3FB6] =	sst s8  }
0x11: {  	[smem:$0x3FB7] =	sst s9;
	s0 =	simm.s32 @!p0 $0x0  }
0x12: {  	s1 =	sld [smem:$0x3F9D];
	s0 =	simm.s32 @p0 $0x1  }
0x13: {  	[smem:$0x3FB8] =	sst s0;
	s0 =	simm.s32 @!p1 $0x0  }
0x14: {  	s2 =	sld [smem:$0x3F9C];
	s0 =	simm.s32 @p1 $0x1  }
0x15: {  	[smem:$0x3FB9] =	sst s0;
	s0 =	simm.s32 @!p2 $0x0  }
0x16: {  	s3 =	sld [smem:$0x3FDB];
	s0 =	simm.s32 @p2 $0x1  }
0x17: {  	s4 =	simm.s32 $0x1BF5;
	[smem:$0x3FBB] =	sst s0  }
0x18: {  	s0 =	sld [smem:$0x3F9E];
	_ =	swait.ge [sflag:s4], $0x0  }
0x19: {  	s7 =	sld [smem:$0x3F9F]  }
0x1a: {  	s8 =	sadd.s32 $0xFFFFE003, lr  }
0x1b: {  	s9 =	sadd.s32 $0xFFFFFEF7, lr;
	s5 =	simm.s32 $0xFFFFFFFF;
	p2 =	slt.u32 s8, $0xFFFFF086  }
0x1c: {  	p1 =	slt.u32 s9, $0xF7A;
	s5 =	simm.s32 @!p2 $0x0  }
0x1d: {  	s5 =	simm.s32 @p1 $0x1;
	p0 =	seq.s32 s7, s2  }
0x1e: {  	s7 =	smul.u32 @!p0 $0xF7A, s2;
	p2 =	seq.s32 @!p0 s5, $0x0  }
0x1f: {  	s9 =	smul.u32 $0xF7A, s1;
	s8 =	simm.s32 @!p0 $0x1BF5;
	p2 =	por !p2, p0  }
0x20: {  	[sflag:s8] =	ssyncset.s32 @!p0 $0xFFFFF086;
	s6 =	sadd.s32 @!p0 s3, s7;
	s7 =	simm.s32 @!p0 $0x108  }
0x21: {  	s3 =	sadd.s32 s3, s9;
	s6 =	sadd.s32 @!p0 $0x88, s6;
	s7 =	simm.s32 @p2 $0x1082  }
0x22: {  	[simem:s7], [sflag:s8] =	dma.local @!p0 [hbm:s6], $0xF7A  }
0x23: {  	s9 =	sor.u32 $0xD0000000, s2;
	s6 =	simm.s32 $0x108;
	_ =	swait.ge @!p0 [sflag:s8], $0x0  }
0x24: {  	s3 =	sadd.s32 $0x88, s3;
	s6 =	simm.s32 @!p1 $0x1082;
	[sflag:s4] =	ssyncset.s32 $0xFFFFF086  }
0x25: {  	[simem:s6], [sflag:s4] =	dma.local [hbm:s3], $0xF7A  }
0x26: {  	[smem:$0x3F9F] =	sst s1;
	(tag) =	ssettag s2;
	_ =	strace s9  }
0x27: {  	s1 =	sld [smem:$0x3FAF]  }
0x28: {  	s2 =	sld [smem:$0x3FB0]  }
0x29: {  	s4 =	sld [smem:$0x3FB2]  }
0x2a: {  	p0 =	seq.s32 s5, $0x0;
	s5 =	sld [smem:$0x3FB3]  }
0x2b: {  	s6 =	sld [smem:$0x3FB4]  }
0x2c: {  	s7 =	sld [smem:$0x3FB5]  }
0x2d: {  	s3 =	simm.s32 $0x108;
	s8 =	sld [smem:$0x3FB6]  }
0x2e: {  	s3 =	simm.s32 @!p0 $0x1082;
	s9 =	sld [smem:$0x3FB7]  }
0x2f: {  	lr =	sadd.s32 s0, s3;
	s0 =	sld [smem:$0x3FAE]  }
0x30: {  	s3 =	sld [smem:$0x3FB1]  }
0x31: {  	[smem:$0x3FBA] =	sst s10  }
0x32: {  	s10 =	sld [smem:$0x3FB8];
	_ =	sdelay $0x3  }
0x33: {  	p0 =	seq.s32 s10, $0x1;
	s10 =	sld [smem:$0x3FBA];
	_ =	sdelay $0x3  }
0x34: {  	[smem:$0x3FBA] =	sst s10  }
0x35: {  	s10 =	sld [smem:$0x3FB9];
	_ =	sdelay $0x3  }
0x36: {  	p1 =	seq.s32 s10, $0x1;
	s10 =	sld [smem:$0x3FBA];
	_ =	sdelay $0x3  }
0x37: {  	[smem:$0x3FBA] =	sst s10  }
0x38: {  	s10 =	sld [smem:$0x3FBB]  }
0x39: {  	_ = 	snop;
	(pc) =	sbr.ind lr, $3  }
0x3a: {  	_ = 	snop  }
0x3b: {  	_ = 	snop  }
0x3c: {  	p2 =	seq.s32 s10, $0x1;
	s10 =	sld [smem:$0x3FBA]  }
0x3d: {  	_ =	shalt  }
0x3e: {  	_ =	shalt  }
0x3f: {  	_ =	shalt  }
0x40: {  	_ =	shalt  }
0x41: {  	_ =	shalt  }
0x42: {  	_ =	shalt  }
0x43: {  	_ =	shalt  }
0x44: {  	_ =	shalt  }
0x45: {  	_ =	shalt  }
0x46: {  	_ =	shalt  }
0x47: {  	_ =	shalt  }
0x48: {  	_ =	shalt  }
0x49: {  	_ =	shalt  }
0x4a: {  	_ =	shalt  }
0x4b: {  	_ =	shalt  }
0x4c: {  	_ =	shalt  }
0x4d: {  	_ =	shalt  }
0x4e: {  	_ =	shalt  }
0x4f: {  	_ =	shalt  }
0x50: {  	_ =	shalt  }
0x51: {  	_ =	shalt  }
0x52: {  	_ =	shalt  }
0x53: {  	_ =	shalt  }
0x54: {  	_ =	shalt  }
0x55: {  	_ =	shalt  }
0x56: {  	_ =	shalt  }
0x57: {  	_ =	shalt  }
0x58: {  	_ =	shalt  }
0x59: {  	_ =	shalt  }
0x5a: {  	_ =	shalt  }
0x5b: {  	_ =	shalt  }
0x5c: {  	_ =	shalt  }
0x5d: {  	_ =	shalt  }
0x5e: {  	_ =	shalt  }
0x5f: {  	_ =	shalt  }
0x60: {  	_ =	shalt  }
0x61: {  	_ =	shalt  }
0x62: {  	_ =	shalt  }
0x63: {  	_ =	shalt  }
0x64: {  	_ =	shalt  }
0x65: {  	_ =	shalt  }
0x66: {  	_ =	shalt  }
0x67: {  	_ =	shalt  }
0x68: {  	_ =	shalt  }
0x69: {  	_ =	shalt  }
0x6a: {  	_ =	shalt  }
0x6b: {  	_ =	shalt  }
0x6c: {  	_ =	shalt  }
0x6d: {  	_ =	shalt  }
0x6e: {  	_ =	shalt  }
0x6f: {  	_ =	shalt  }
0x70: {  	_ =	shalt  }
0x71: {  	_ =	shalt  }
0x72: {  	_ =	shalt  }
0x73: {  	_ =	shalt  }
0x74: {  	_ =	shalt  }
0x75: {  	_ =	shalt  }
0x76: {  	_ =	shalt  }
0x77: {  	_ =	shalt  }
0x78: {  	_ =	shalt  }
0x79: {  	_ =	shalt  }
0x7a: {  	_ =	shalt  }
0x7b: {  	_ =	shalt  }
0x7c: {  	_ =	shalt  }
0x7d: {  	_ =	shalt  }
0x7e: {  	_ =	shalt  }
0x7f: {  	_ =	shalt  }
0x80: {  	_ =	shalt  }
0x81: {  	_ =	shalt  }
0x82: {  	_ =	shalt  }
0x83: {  	_ =	shalt  }
0x84: {  	_ =	shalt  }
0x85: {  	_ =	shalt  }
0x86: {  	_ =	shalt  }
0x87: {  	_ =	shalt  }
.Lfunc_end0:
.L_simem_size_0:
called_computation_lowered:
.L_overlay_start_0:
0x88: {  	s2 =	sld [smem:$0x3FD9]  }
0x89: {  	s3 =	sld [smem:$0x3FFE];
	_ =	sdelay $0x1  }
0x8a: {  	s1 =	srdreg.scid  }
0x8b: {  	s0 =	sand.u32 $0x1, s1  }
0x8c: {  	s17 =	sshll.u32 s0, $0xA;
	s2 =	sadd.s32 s3, s2  }
0x8d: {  	s2 =	sadd.s32 s2, s17  }
0x8e: {  	[smem:$0x3FC6] =	sst s2  }
0x8f: {  	_ = 	snop  }
0x90: {  	s2 =	sld [smem:$0x3FD0];
	(tm) =	ssettm $0x1  }
0x91: {  	s18 =	sld [smem:$0x3FFB];
	_ =	sdelay $0x3  }
0x92: {  	_ =	strace s18  }
0x93: {  	s3 =	sld [smem:$0x3FFC];
	_ =	sdelay $0x3  }
0x94: {  	_ =	strace s3  }
0x95: {  	s3 =	sld [smem:$0x3FFD];
	_ =	sdelay $0x3  }
0x96: {  	_ =	strace s3  }
0x97: {  	_ =	strace $0x8FFFFFFF  }
0x98: {  	s19 =	sld [smem:$0x3FDB];
	_ =	sdelay $0x1  }
0x99: {  	s4 =	simm.s32 $_scs_section_size  }
0x9a: {  	s5 =	simm.s32 $_size__tile_overlayer_lowered;
	s6 =	simm.s32 $_tile_overlayer_lowered  }
0x9b: {  	s22 =	simm.s32 $0x1BFF;
	s21 =	sshll.u32 s6, $0x1;
	s3 =	sadd.s32 s4, s19  }
0x9c: {  	s7 =	simm.s32 $0x0;
	s20 =	sshll.u32 s5, $0x1;
	s5 =	sadd.s32 s21, s3  }
0x9d: {  	[timem:s7], [sflag:s22] =	dma.local [hbm:s5], s20  }
0x9e: {  	_ =	swait.ge [sflag:s22], s20  }
0x9f: {  	s4 =	ssub.s32 $0x0, s20;
	[sflag:s22] =	ssyncset.done $0x0  }
0xa0: {  	[sflag:s22] =	ssyncadd.s32 s4;
	_ =	sdelay $0x1  }
0xa1: {  	s23 =	simm.s32 $0x1B8B  }
0xa2: {  	_ =	swait.ge [sflag:s23], $0x1  }
0xa3: {  	[sflag:s23] =	ssyncset.done $0x0  }
0xa4: {  	s25 =	simm.s32 $0x1B8E;
	s24 =	sld [smem:$0x3FFE];
	[sflag:s23] =	ssyncadd.s32 $0xFFFFFFFF  }
0xa5: {  	s26 =	simm.s32 $execute0_lowered;
	[smem:$0x3FD2] =	sst s25  }
0xa6: {  	s5 =	sshll.u32 s26, $0x1;
	_ =	strace $0x80000046;
	[dreg:$0x1] =	wrdreg $0xFFFFFFFF  }
0xa7: {  	s28 =	simm.s32 $_size_execute0_lowered;
	s3 =	sadd.s32 s3, s5;
	[dreg:$0x0] =	wrdreg $0x0  }
0xa8: {  	s5 =	sshll.u32 s28, $0x1;
	[dreg:$0x2] =	wrdreg s3  }
0xa9: {  	[dreg:$0x3] =	wrdreg s5  }
0xaa: {  	[dreg:$0x4] =	wrdreg $0xC0  }
0xab: {  	_ =	task [dreg:s7], $0x5FFFF  }
0xac: {  	[dreg:$0x1] =	wrdreg $0xFFFFFFFF  }
0xad: {  	[dreg:$0x0] =	wrdreg $0x60  }
0xae: {  	[dreg:$0x2] =	wrdreg s24  }
0xaf: {  	[dreg:$0x3] =	wrdreg s2  }
0xb0: {  	[dreg:$0x4] =	wrdreg $0x9  }
0xb1: {  	_ =	task.clear_ibuf [dreg:s7], $0x5FFFF;
	_ =	strace $0x90000046  }
0xb2: {  	s29 =	simm.s32 $0x9;
	_ =	strace $0x80000048  }
0xb3: {  	_ =	swait.ge [sflag:s29], $0x1  }
0xb4: {  	[sflag:s29] =	ssyncadd.s32 $0xFFFFFFFF  }
0xb5: {  	_ =	strace $0x90000048  }
0xb6: {  	_ =	sfence  }
0xb7: {  	s30 =	sld [smem:$0x0];
	_ =	sdelay $0x2  }
0xb8: {  	s31 =	sshll.u32 s1, $0xD;
	s1 =	sshrl.u32 s1, $0x2  }
0xb9: {  	s3 =	sand.u32 $0x4000, s31;
	s1 =	sadd.s32 s1, s30  }
0xba: {  	s0 =	sor.u32 s3, s0;
	s1 =	sshll.u32 s1, $0x11  }
0xbb: {  	s0 =	sor.u32 s1, s0  }
0xbc: {  	s0 =	sadd.s32 $0x8F2B, s0  }
0xbd: {  	[sflag:s0] =	ssyncadd.remote.s32 $0x1  }
0xbe: {  	_ =	sfence.sel $0xFFFF  }
0xbf: {  	[dreg:$0x0] =	wrdreg $0xFFFFFFFF;
	(pc) =	sbr.abs _section_cstart, $3  }
0xc0: {  	[dreg:$0x1] =	wrdreg $0xFFFFFFFF  }
0xc1: {  	_ =	task.clear_ibuf [dreg:s7], $0x2FFFF;
	_ =	strace $0x9FFFFFFF  }
0xc2: {  	(tm) =	ssettm $0x7FFFFFFF  }
0xc3: {  	_ =	shalt  }
tec
execute0_lowered:
.L_overlay_start_1:
0x0: {  	(tag) =	ssettag $0x1  }
0x1: {  	s9 =	rddreg [dreg:$0x0]  }
0x2: {  	s2 =	rddreg [dreg:$0x1]  }
0x3: {  	s0 =	rddreg [dreg:$0x2]  }
0x4: {  	s4 =	srdreg.scid;
	s1 =	stileid.u32  }
0x5: {  	s3 =	simm.s32 $0x0;
	s12 =	simm.s32 $0x8280;
	s13 =	simm.s32 $0x3  }
0x6: {  	s14 =	simm.s32 $0x1A00;
	s16 =	simm.s32 $0x12300;
	s17 =	simm.s32 $0x1  }
0x7: {  	s18 =	simm.s32 $0x2;
	s19 =	simm.s32 $0x0;
	s6 =	sand.u32 $0x1, s4  }
0x8: {  	s29 =	sshll.u32 s1, $0x1;
	[smem:$0x7FF] =	sst s3;
	s4 =	sadd.s32 $0x400, s9  }
0x9: {  	s5 =	sadd.s32 $0x1200, s9;
	s7 =	sor.u32 s6, s29;
	s10 =	ssub.s32 $0x2, s6  }
0xa: {  	p0 =	slt.u32 s1, $0xA;
	s8 =	smul.u32 $0x186, s7;
	s11 =	sshrl.u32 s10, $0x1  }
0xb: {  	_ =	strace $0x80000047;
	s30 =	smin.u32 s7, $0x14;
	s11 =	ssub.s32 s10, s11  }
.Ltmp0:
0xc: {  	s7 =	sadd.s32 s30, s8;
	s8 =	simm.s32 $0xC38;
	(pc) =	sbr.rel .LBB2_1-.Ltmp0, $4  }
0xd: {  	s11 =	smax.u32 s11, $0x1;
	s6 =	sshll.u32 s7, $0x3;
	s8 =	simm.s32 @!p0 $0xC30  }
0xe: {  	v1 =	vlaneseq.u32;
	v3 =	vimm.s32 $0x0;
	s31 =	sshll.u32 s7, $0xA;
	s7 =	sadd.s32 $0x740, s9;
	p0 =	sgt.u32 s1, $0x9  }
0xf: {  	v7 =	vimm.s32 $0x40000000;
	v4 =	vor.u32 $0x1A00, v1;
	v5 =	vor.u32 $0x3400, v1;
	s15 =	sadd.s32 s8, s6;
	s8 =	sadd.s32 $0xA80, s9;
	s10 =	sadd.s32 s31, s2  }
0x10: {  	v6 =	vor.u32 $0x4E00, v1;
	s9 =	sadd.s32 $0xDC0, s9;
	v0 =	vmov s6;
	s10 =	sadd.s32 $0x61800, s10;
	v2 =	vmov s15;
	s15 =	simm.s32 $0x8300  }
.LBB2_33:
0x11: {  	[hbm4b:s10+s3] =	stream.linear.scatter [tilespmem:s15], [sflag:$0x1], $0x2000, $0x38;
	[tilespmem:$0x1C300] =	vst v63  }
0x12: {  	_ =	swait.ge [sflag:s17], $0x2000  }
0x13: {  	[sflag:s17] =	ssyncset.done $0x0  }
0x14: {  	[sflag:s17] =	ssyncadd.s32 $0xFFFFE000  }
.LBB2_34:
0x15: {  	s19 =	sadd.s32 $0x1, s19  }
0x16: {  	p1 =	sne.s32 s19, s11  }
.Ltmp1:
0x17: {  	_ = 	snop;
	(pc) =	sbr.rel @!p1 .LBB2_35-.Ltmp1, $4  }
0x18: {  	_ = 	snop  }
0x19: {  	_ =	swait.ge [sflag:s18], $0xA000  }
0x1a: {  	[sflag:s18] =	ssyncset.done $0x0  }
0x1b: {  	[sflag:s18] =	ssyncadd.s32 $0xFFFF6000  }
.LBB2_1:
0x1c: {  	[tilespmem:s12], [sflag:$0x3] =	stream.linear.gather [hbm4b:s5+s3], $0x80, $0x38;
	[tilespmem:$0x1C300] =	vst v63  }
0x1d: {  	_ =	swait.ge [sflag:s13], $0x80  }
0x1e: {  	[sflag:s13] =	ssyncset.done $0x0  }
0x1f: {  	[sflag:s13] =	ssyncadd.s32 $0xFFFFFF80  }
0x20: {  	v9 =	vld [tilespmem:$0x8280];
	_ =	sdelay $0x4  }
0x21: {  	s20 =	sand.u32 $0x70, s3;
	s21 =	sand.u32 $0x1C00, s3;
	v8 =	vmul.f32 $9.999999740e-06, v9  }
0x22: {  	s20 =	sor.u32 s20, s21  }
0x23: {  	[tilespmem:s20+$0x12600] =	vst v8  }
0x24: {  	[tilespmem:s20+$0x8600] =	vst v8  }
0x25: {  	[tilespmem:s20+$0x12580] =	vst v8  }
0x26: {  	[tilespmem:s20+$0x8580] =	vst v8  }
0x27: {  	[tilespmem:s20+$0x12500] =	vst v8  }
0x28: {  	[tilespmem:s20+$0x12480] =	vst v8  }
0x29: {  	[tilespmem:s20+$0x8500] =	vst v8  }
0x2a: {  	[tilespmem:s20+$0x12400] =	vst v8  }
0x2b: {  	[tilespmem:s20+$0x8400] =	vst v8  }
0x2c: {  	[tilespmem:s20+$0x12380] =	vst v8  }
0x2d: {  	[tilespmem:s20+$0x8380] =	vst v8  }
0x2e: {  	[tilespmem:s20+$0x12300] =	vst v8  }
0x2f: {  	s28 =	sor.u32 s3, s3;
	[tilespmem:s20+$0x8480] =	vst v8  }
0x30: {  	s22 =	sor.u32 $0x380, s28;
	[tilespmem:s20+$0x8300] =	vst v8  }
0x31: {  	[tilespmem:s22+$0x8300] =	vst v8  }
0x32: {  	[tilespmem:s22+$0x12300] =	vst v8  }
0x33: {  	[tilespmem:s20+$0x14600] =	vst v8  }
0x34: {  	[tilespmem:s20+$0xA600] =	vst v8  }
0x35: {  	[tilespmem:s20+$0xA580] =	vst v8  }
0x36: {  	[tilespmem:s20+$0x14580] =	vst v8  }
0x37: {  	[tilespmem:s20+$0x14500] =	vst v8  }
0x38: {  	[tilespmem:s20+$0xA500] =	vst v8  }
0x39: {  	[tilespmem:s20+$0xA480] =	vst v8  }
0x3a: {  	[tilespmem:s20+$0x14480] =	vst v8  }
0x3b: {  	[tilespmem:s20+$0x14380] =	vst v8  }
0x3c: {  	[tilespmem:s20+$0xA380] =	vst v8  }
0x3d: {  	[tilespmem:s20+$0x14400] =	vst v8  }
0x3e: {  	[tilespmem:s20+$0xA400] =	vst v8  }
0x3f: {  	[tilespmem:s20+$0x14300] =	vst v8  }
0x40: {  	s29 =	sor.u32 $0x2380, s28;
	[tilespmem:s20+$0xA300] =	vst v8  }
0x41: {  	[tilespmem:s29+$0x8300] =	vst v8  }
0x42: {  	[tilespmem:s29+$0x12300] =	vst v8  }
0x43: {  	[tilespmem:s20+$0x16580] =	vst v8  }
0x44: {  	[tilespmem:s20+$0x16600] =	vst v8  }
0x45: {  	[tilespmem:s20+$0xC600] =	vst v8  }
0x46: {  	[tilespmem:s20+$0xC580] =	vst v8  }
0x47: {  	[tilespmem:s20+$0x16500] =	vst v8  }
0x48: {  	[tilespmem:s20+$0x16480] =	vst v8  }
0x49: {  	[tilespmem:s20+$0xC500] =	vst v8  }
0x4a: {  	[tilespmem:s20+$0xC400] =	vst v8  }
0x4b: {  	[tilespmem:s20+$0xC480] =	vst v8  }
0x4c: {  	[tilespmem:s20+$0x16300] =	vst v8  }
0x4d: {  	[tilespmem:s20+$0xC380] =	vst v8  }
0x4e: {  	[tilespmem:s20+$0x16400] =	vst v8  }
0x4f: {  	[tilespmem:s20+$0x16380] =	vst v8  }
0x50: {  	s30 =	sor.u32 $0x4380, s28;
	[tilespmem:s20+$0xC300] =	vst v8  }
0x51: {  	[tilespmem:s30+$0x8300] =	vst v8  }
0x52: {  	[tilespmem:s30+$0x12300] =	vst v8  }
0x53: {  	[tilespmem:s20+$0x18600] =	vst v8  }
0x54: {  	[tilespmem:s20+$0x18580] =	vst v8  }
0x55: {  	[tilespmem:s20+$0xE600] =	vst v8  }
0x56: {  	[tilespmem:s20+$0xE580] =	vst v8  }
0x57: {  	[tilespmem:s20+$0x18500] =	vst v8  }
0x58: {  	[tilespmem:s20+$0xE500] =	vst v8  }
0x59: {  	[tilespmem:s20+$0xE380] =	vst v8  }
0x5a: {  	[tilespmem:s20+$0x18400] =	vst v8  }
0x5b: {  	[tilespmem:s20+$0x18480] =	vst v8  }
0x5c: {  	[tilespmem:s20+$0xE480] =	vst v8  }
0x5d: {  	[tilespmem:s20+$0xE400] =	vst v8  }
0x5e: {  	[tilespmem:s20+$0x18300] =	vst v8  }
0x5f: {  	[tilespmem:s20+$0x18380] =	vst v8  }
0x60: {  	s31 =	sor.u32 $0x6380, s28;
	[tilespmem:s20+$0xE300] =	vst v8  }
0x61: {  	[tilespmem:s31+$0x8300] =	vst v8  }
0x62: {  	[tilespmem:s31+$0x12300] =	vst v8  }
0x63: {  	[tilespmem:s20+$0x1A600] =	vst v8  }
0x64: {  	[tilespmem:s20+$0x10600] =	vst v8  }
0x65: {  	[tilespmem:s20+$0x10580] =	vst v8  }
0x66: {  	[tilespmem:s20+$0x1A580] =	vst v8  }
0x67: {  	[tilespmem:s20+$0x1A500] =	vst v8  }
0x68: {  	[tilespmem:s20+$0x10500] =	vst v8  }
0x69: {  	[tilespmem:s20+$0x1A480] =	vst v8  }
0x6a: {  	[tilespmem:s20+$0x10400] =	vst v8  }
0x6b: {  	[tilespmem:s20+$0x1A380] =	vst v8  }
0x6c: {  	[tilespmem:s20+$0x10480] =	vst v8  }
0x6d: {  	[tilespmem:s20+$0x10380] =	vst v8  }
0x6e: {  	[tilespmem:s20+$0x1A400] =	vst v8  }
0x6f: {  	[tilespmem:s20+$0x1A300] =	vst v8  }
0x70: {  	s24 =	simm.s32 $0x10;
	s23 =	sor.u32 $0x8380, s28;
	[tilespmem:s20+$0x10300] =	vst v8;
	s20 =	simm.s32 $0x80  }
.LBB2_2:
0x71: {  	s22 =	sand.u32 $0x70, s24  }
0x72: {  	s25 =	sand.u32 $0x1C00, s20;
	[tilespmem:s23+$0x8300] =	vst v8;
	s26 =	smov.u32 s24;
	s21 =	sadd.s32 $0x10, s24  }
0x73: {  	p1 =	sne.s32 s24, $0x3F0;
	s22 =	sor.u32 s22, s25;
	[tilespmem:s23+$0x12300] =	vst v8  }
0x74: {  	[tilespmem:s22+$0x12600] =	vst v8  }
0x75: {  	[tilespmem:s22+$0x8600] =	vst v8  }
0x76: {  	[tilespmem:s22+$0x12580] =	vst v8  }
0x77: {  	[tilespmem:s22+$0x8580] =	vst v8  }
0x78: {  	[tilespmem:s22+$0x12500] =	vst v8  }
0x79: {  	[tilespmem:s22+$0x12480] =	vst v8  }
0x7a: {  	[tilespmem:s22+$0x8500] =	vst v8  }
0x7b: {  	[tilespmem:s22+$0x12400] =	vst v8  }
0x7c: {  	[tilespmem:s22+$0x8400] =	vst v8  }
0x7d: {  	[tilespmem:s22+$0x12380] =	vst v8  }
0x7e: {  	[tilespmem:s22+$0x8380] =	vst v8  }
0x7f: {  	[tilespmem:s22+$0x12300] =	vst v8  }
0x80: {  	s23 =	sor.u32 s26, s20;
	[tilespmem:s22+$0x8480] =	vst v8  }
0x81: {  	s24 =	sor.u32 $0x380, s23;
	[tilespmem:s22+$0x8300] =	vst v8  }
0x82: {  	[tilespmem:s24+$0x8300] =	vst v8  }
0x83: {  	[tilespmem:s24+$0x12300] =	vst v8  }
0x84: {  	[tilespmem:s22+$0x14600] =	vst v8  }
0x85: {  	[tilespmem:s22+$0xA600] =	vst v8  }
0x86: {  	[tilespmem:s22+$0xA580] =	vst v8  }
0x87: {  	[tilespmem:s22+$0x14580] =	vst v8  }
0x88: {  	[tilespmem:s22+$0x14500] =	vst v8  }
0x89: {  	[tilespmem:s22+$0xA500] =	vst v8  }
0x8a: {  	[tilespmem:s22+$0xA480] =	vst v8  }
0x8b: {  	[tilespmem:s22+$0x14480] =	vst v8  }
0x8c: {  	[tilespmem:s22+$0x14380] =	vst v8  }
0x8d: {  	[tilespmem:s22+$0xA380] =	vst v8  }
0x8e: {  	[tilespmem:s22+$0x14400] =	vst v8  }
0x8f: {  	[tilespmem:s22+$0xA400] =	vst v8  }
0x90: {  	[tilespmem:s22+$0x14300] =	vst v8  }
0x91: {  	s24 =	sor.u32 $0x2380, s23;
	[tilespmem:s22+$0xA300] =	vst v8  }
0x92: {  	[tilespmem:s24+$0x8300] =	vst v8  }
0x93: {  	[tilespmem:s24+$0x12300] =	vst v8  }
0x94: {  	[tilespmem:s22+$0x16580] =	vst v8  }
0x95: {  	[tilespmem:s22+$0x16600] =	vst v8  }
0x96: {  	[tilespmem:s22+$0xC600] =	vst v8  }
0x97: {  	[tilespmem:s22+$0xC580] =	vst v8  }
0x98: {  	[tilespmem:s22+$0x16500] =	vst v8  }
0x99: {  	[tilespmem:s22+$0x16480] =	vst v8  }
0x9a: {  	[tilespmem:s22+$0xC500] =	vst v8  }
0x9b: {  	[tilespmem:s22+$0xC400] =	vst v8  }
0x9c: {  	[tilespmem:s22+$0xC480] =	vst v8  }
0x9d: {  	[tilespmem:s22+$0x16300] =	vst v8  }
0x9e: {  	[tilespmem:s22+$0xC380] =	vst v8  }
0x9f: {  	[tilespmem:s22+$0x16400] =	vst v8  }
0xa0: {  	[tilespmem:s22+$0x16380] =	vst v8  }
0xa1: {  	s24 =	sor.u32 $0x4380, s23;
	[tilespmem:s22+$0xC300] =	vst v8  }
0xa2: {  	[tilespmem:s24+$0x8300] =	vst v8  }
0xa3: {  	[tilespmem:s24+$0x12300] =	vst v8  }
0xa4: {  	[tilespmem:s22+$0x18600] =	vst v8  }
0xa5: {  	[tilespmem:s22+$0x18580] =	vst v8  }
0xa6: {  	[tilespmem:s22+$0xE600] =	vst v8  }
0xa7: {  	[tilespmem:s22+$0xE580] =	vst v8  }
0xa8: {  	[tilespmem:s22+$0x18500] =	vst v8  }
0xa9: {  	[tilespmem:s22+$0xE500] =	vst v8  }
0xaa: {  	[tilespmem:s22+$0xE380] =	vst v8  }
0xab: {  	[tilespmem:s22+$0x18400] =	vst v8  }
0xac: {  	[tilespmem:s22+$0x18480] =	vst v8  }
0xad: {  	[tilespmem:s22+$0xE480] =	vst v8  }
0xae: {  	[tilespmem:s22+$0xE400] =	vst v8  }
0xaf: {  	[tilespmem:s22+$0x18300] =	vst v8  }
0xb0: {  	[tilespmem:s22+$0x18380] =	vst v8  }
0xb1: {  	s24 =	sor.u32 $0x6380, s23;
	[tilespmem:s22+$0xE300] =	vst v8  }
0xb2: {  	[tilespmem:s24+$0x8300] =	vst v8  }
0xb3: {  	[tilespmem:s24+$0x12300] =	vst v8  }
0xb4: {  	[tilespmem:s22+$0x1A600] =	vst v8  }
0xb5: {  	[tilespmem:s22+$0x10600] =	vst v8  }
0xb6: {  	[tilespmem:s22+$0x10580] =	vst v8  }
0xb7: {  	[tilespmem:s22+$0x1A580] =	vst v8  }
0xb8: {  	[tilespmem:s22+$0x1A500] =	vst v8  }
0xb9: {  	[tilespmem:s22+$0x10500] =	vst v8  }
0xba: {  	[tilespmem:s22+$0x1A480] =	vst v8  }
0xbb: {  	[tilespmem:s22+$0x10400] =	vst v8  }
0xbc: {  	[tilespmem:s22+$0x1A380] =	vst v8  }
.Ltmp2:
0xbd: {  	[tilespmem:s22+$0x10480] =	vst v8;
	(pc) =	sbr.rel @p1 .LBB2_2-.Ltmp2, $4  }
0xbe: {  	[tilespmem:s22+$0x10380] =	vst v8  }
0xbf: {  	[tilespmem:s22+$0x1A400] =	vst v8  }
0xc0: {  	[tilespmem:s22+$0x1A300] =	vst v8  }
0xc1: {  	s20 =	sadd.s32 $0x80, s20;
	s23 =	sor.u32 $0x8380, s23;
	s24 =	smov.u32 s21;
	[tilespmem:s22+$0x10300] =	vst v8  }
0xc2: {  	[tilespmem:s23+$0x8300] =	vst v8  }
0xc3: {  	[tilespmem:s23+$0x12300] =	vst v8;
	s20 =	simm.s32 $0x0  }
0xc4: {  	[tilespmem:s20], [sflag:$0x3] =	stream.linear.gather [hbm4b:s4+s20], $0x1A00, $0x38;
	[tilespmem:$0x1C300] =	vst v63  }
0xc5: {  	_ =	swait.ge [sflag:s13], $0x1A00  }
0xc6: {  	[sflag:s13] =	ssyncset.done $0x0  }
0xc7: {  	v10 =	vimm.s32 $0x0;
	v11 =	vlaneseq.u32;
	[sflag:s13] =	ssyncadd.s32 $0xFFFFE600  }
.LBB2_4:
0xc8: {  	s21 =	sshra.s32 s20, $0x2  }
0xc9: {  	v12 =	vld [tilespmem:s21+$0x0];
	_ =	sdelay $0x4  }
0xca: {  	vm0 =	vge.s32 v12, v0;
	vm1 =	vlt.s32 v12, v2  }
0xcb: {  	vm0 =	vmand vm0, vm1  }
0xcc: {  	v13 =	vsel vm0, $0x1, v3  }
0xcd: {  	(xrf0) =	vadd.scan.msk.s32 $0xffff, v13;
	_ =	sdelay $0x5  }
0xce: {  	v13, _, _ =	vpop (xrf0)  }
0xcf: {  	v13 =	vadd.s32 v13, v10  }
0xd0: {  	v13 =	vadd.s32 $0xFFFFFFFF, v13  }
0xd1: {  	v13 =	vnsel vm0, $0x0, v13;
	_ =	sdelay $0x1  }
0xd2: {  	v12 =	vsub.s32 v12, v0  }
0xd3: {  	v12 =	vshll.u32 v12, $0xF  }
0xd4: {  	v12 =	vor.u32 v11, v12  }
0xd5: {  	[tilespmem:v13+s14+$0x0] =	vst.idx.msk vm0, v12  }
0xd6: {  	v12 =	vld [tilespmem:s21+$0x10];
	_ =	sdelay $0x4  }
0xd7: {  	vm11 =	vge.s32 v12, v0;
	vm2 =	vlt.s32 v12, v2  }
0xd8: {  	vm1 =	vmand vm11, vm2  }
0xd9: {  	v53 =	vsel vm1, $0x1, v3  }
0xda: {  	(xrf0) =	vadd.scan.msk.s32 $0xffff, v53;
	_ =	sdelay $0x3  }
0xdb: {  	v54 =	vmpcnt.ones.xlane vm0;
	_ =	sdelay $0x1  }
0xdc: {  	v10 =	vadd.s32 v10, v54;
	v55, _, _ =	vpop (xrf0)  }
0xdd: {  	v13 =	vadd.s32 v55, v10  }
0xde: {  	v13 =	vadd.s32 $0xFFFFFFFF, v13  }
0xdf: {  	v13 =	vnsel vm1, $0x0, v13;
	_ =	sdelay $0x1  }
0xe0: {  	v12 =	vsub.s32 v12, v0  }
0xe1: {  	v14 =	vadd.s32 $0x10, v11;
	v12 =	vshll.u32 v12, $0xF  }
0xe2: {  	v12 =	vor.u32 v14, v12  }
0xe3: {  	[tilespmem:v13+s14+$0x0] =	vst.idx.msk vm1, v12  }
0xe4: {  	v12 =	vld [tilespmem:s21+$0x20];
	_ =	sdelay $0x4  }
0xe5: {  	vm12 =	vge.s32 v12, v0;
	vm13 =	vlt.s32 v12, v2  }
0xe6: {  	vm0 =	vmand vm12, vm13  }
0xe7: {  	v56 =	vsel vm0, $0x1, v3  }
0xe8: {  	(xrf0) =	vadd.scan.msk.s32 $0xffff, v56;
	_ =	sdelay $0x3  }
0xe9: {  	v57 =	vmpcnt.ones.xlane vm1;
	_ =	sdelay $0x1  }
0xea: {  	v10 =	vadd.s32 v10, v57;
	v58, _, _ =	vpop (xrf0)  }
0xeb: {  	v13 =	vadd.s32 v58, v10  }
0xec: {  	v13 =	vadd.s32 $0xFFFFFFFF, v13  }
0xed: {  	v13 =	vnsel vm0, $0x0, v13;
	_ =	sdelay $0x1  }
0xee: {  	v12 =	vsub.s32 v12, v0  }
0xef: {  	v59 =	vadd.s32 $0x20, v11;
	v12 =	vshll.u32 v12, $0xF  }
0xf0: {  	v12 =	vor.u32 v59, v12  }
0xf1: {  	[tilespmem:v13+s14+$0x0] =	vst.idx.msk vm0, v12  }
0xf2: {  	v12 =	vld [tilespmem:s21+$0x30];
	_ =	sdelay $0x4  }
0xf3: {  	vm14 =	vge.s32 v12, v0;
	vm15 =	vlt.s32 v12, v2  }
0xf4: {  	vm1 =	vmand vm14, vm15  }
0xf5: {  	v60 =	vsel vm1, $0x1, v3  }
0xf6: {  	(xrf0) =	vadd.scan.msk.s32 $0xffff, v60;
	_ =	sdelay $0x3  }
0xf7: {  	v61 =	vmpcnt.ones.xlane vm0;
	_ =	sdelay $0x1  }
0xf8: {  	v10 =	vadd.s32 v10, v61;
	v62, _, _ =	vpop (xrf0)  }
0xf9: {  	v13 =	vadd.s32 v62, v10  }
0xfa: {  	v13 =	vadd.s32 $0xFFFFFFFF, v13  }
0xfb: {  	p1 =	sne.s32 s20, $0x6700;
	v13 =	vnsel vm1, $0x0, v13  }
.Ltmp3:
0xfc: {  	_ = 	snop;
	(pc) =	sbr.rel @p1 .LBB2_4-.Ltmp3, $4  }
0xfd: {  	v12 =	vsub.s32 v12, v0  }
0xfe: {  	v63 =	vadd.s32 $0x30, v11;
	v12 =	vshll.u32 v12, $0xF;
	v15 =	vmpcnt.ones.xlane vm1  }
0xff: {  	v12 =	vor.u32 v63, v12  }
0x100: {  	s20 =	sadd.s32 $0x100, s20;
	v11 =	vadd.s32 $0x40, v11;
	v10 =	vadd.s32 v10, v15;
	[tilespmem:v13+s14+$0x0] =	vst.idx.msk vm1, v12  }
0x101: {  	s20 =	simm.s32 $0x0  }
0x102: {  	[tilespmem:s20], [sflag:$0x3] =	stream.linear.gather [hbm4b:s7+s20], $0x1A00, $0x38;
	[tilespmem:$0x1C300] =	vst v63  }
0x103: {  	_ =	swait.ge [sflag:s13], $0x1A00  }
0x104: {  	[sflag:s13] =	ssyncset.done $0x0  }
0x105: {  	v11 =	vmov v4;
	[sflag:s13] =	ssyncadd.s32 $0xFFFFE600  }
.LBB2_6:
0x106: {  	s21 =	sshra.s32 s20, $0x2  }
0x107: {  	v12 =	vld [tilespmem:s21+$0x0];
	_ =	sdelay $0x4  }
0x108: {  	vm0 =	vge.s32 v12, v0;
	vm1 =	vlt.s32 v12, v2  }
0x109: {  	vm0 =	vmand vm0, vm1  }
0x10a: {  	v13 =	vsel vm0, $0x1, v3  }
0x10b: {  	(xrf0) =	vadd.scan.msk.s32 $0xffff, v13;
	_ =	sdelay $0x5  }
0x10c: {  	v13, _, _ =	vpop (xrf0)  }
0x10d: {  	v13 =	vadd.s32 v13, v10  }
0x10e: {  	v13 =	vadd.s32 $0xFFFFFFFF, v13  }
0x10f: {  	v13 =	vnsel vm0, $0x0, v13;
	_ =	sdelay $0x1  }
0x110: {  	v12 =	vsub.s32 v12, v0  }
0x111: {  	v12 =	vshll.u32 v12, $0xF  }
0x112: {  	v12 =	vor.u32 v11, v12  }
0x113: {  	[tilespmem:v13+s14+$0x0] =	vst.idx.msk vm0, v12  }
0x114: {  	v12 =	vld [tilespmem:s21+$0x10];
	_ =	sdelay $0x4  }
0x115: {  	vm11 =	vge.s32 v12, v0;
	vm2 =	vlt.s32 v12, v2  }
0x116: {  	vm1 =	vmand vm11, vm2  }
0x117: {  	v53 =	vsel vm1, $0x1, v3  }
0x118: {  	(xrf0) =	vadd.scan.msk.s32 $0xffff, v53;
	_ =	sdelay $0x3  }
0x119: {  	v54 =	vmpcnt.ones.xlane vm0;
	_ =	sdelay $0x1  }
0x11a: {  	v10 =	vadd.s32 v10, v54;
	v55, _, _ =	vpop (xrf0)  }
0x11b: {  	v13 =	vadd.s32 v55, v10  }
0x11c: {  	v13 =	vadd.s32 $0xFFFFFFFF, v13  }
0x11d: {  	v13 =	vnsel vm1, $0x0, v13;
	_ =	sdelay $0x1  }
0x11e: {  	v12 =	vsub.s32 v12, v0  }
0x11f: {  	v14 =	vadd.s32 $0x10, v11;
	v12 =	vshll.u32 v12, $0xF  }
0x120: {  	v12 =	vor.u32 v14, v12  }
0x121: {  	[tilespmem:v13+s14+$0x0] =	vst.idx.msk vm1, v12  }
0x122: {  	v12 =	vld [tilespmem:s21+$0x20];
	_ =	sdelay $0x4  }
0x123: {  	vm12 =	vge.s32 v12, v0;
	vm13 =	vlt.s32 v12, v2  }
0x124: {  	vm0 =	vmand vm12, vm13  }
0x125: {  	v56 =	vsel vm0, $0x1, v3  }
0x126: {  	(xrf0) =	vadd.scan.msk.s32 $0xffff, v56;
	_ =	sdelay $0x3  }
0x127: {  	v57 =	vmpcnt.ones.xlane vm1;
	_ =	sdelay $0x1  }
0x128: {  	v10 =	vadd.s32 v10, v57;
	v58, _, _ =	vpop (xrf0)  }
0x129: {  	v13 =	vadd.s32 v58, v10  }
0x12a: {  	v13 =	vadd.s32 $0xFFFFFFFF, v13  }
0x12b: {  	v13 =	vnsel vm0, $0x0, v13;
	_ =	sdelay $0x1  }
0x12c: {  	v12 =	vsub.s32 v12, v0  }
0x12d: {  	v59 =	vadd.s32 $0x20, v11;
	v12 =	vshll.u32 v12, $0xF  }
0x12e: {  	v12 =	vor.u32 v59, v12  }
0x12f: {  	[tilespmem:v13+s14+$0x0] =	vst.idx.msk vm0, v12  }
0x130: {  	v12 =	vld [tilespmem:s21+$0x30];
	_ =	sdelay $0x4  }
0x131: {  	vm14 =	vge.s32 v12, v0;
	vm15 =	vlt.s32 v12, v2  }
0x132: {  	vm1 =	vmand vm14, vm15  }
0x133: {  	v60 =	vsel vm1, $0x1, v3  }
0x134: {  	(xrf0) =	vadd.scan.msk.s32 $0xffff, v60;
	_ =	sdelay $0x3  }
0x135: {  	v61 =	vmpcnt.ones.xlane vm0;
	_ =	sdelay $0x1  }
0x136: {  	v10 =	vadd.s32 v10, v61;
	v62, _, _ =	vpop (xrf0)  }
0x137: {  	v13 =	vadd.s32 v62, v10  }
0x138: {  	v13 =	vadd.s32 $0xFFFFFFFF, v13  }
0x139: {  	p1 =	sne.s32 s20, $0x6700;
	v13 =	vnsel vm1, $0x0, v13  }
.Ltmp4:
0x13a: {  	_ = 	snop;
	(pc) =	sbr.rel @p1 .LBB2_6-.Ltmp4, $4  }
0x13b: {  	v12 =	vsub.s32 v12, v0  }
0x13c: {  	v63 =	vadd.s32 $0x30, v11;
	v12 =	vshll.u32 v12, $0xF;
	v15 =	vmpcnt.ones.xlane vm1  }
0x13d: {  	v12 =	vor.u32 v63, v12  }
0x13e: {  	s20 =	sadd.s32 $0x100, s20;
	v11 =	vadd.s32 $0x40, v11;
	v10 =	vadd.s32 v10, v15;
	[tilespmem:v13+s14+$0x0] =	vst.idx.msk vm1, v12  }
0x13f: {  	s20 =	simm.s32 $0x0  }
0x140: {  	[tilespmem:s20], [sflag:$0x3] =	stream.linear.gather [hbm4b:s8+s20], $0x1A00, $0x38;
	[tilespmem:$0x1C300] =	vst v63  }
0x141: {  	_ =	swait.ge [sflag:s13], $0x1A00  }
0x142: {  	[sflag:s13] =	ssyncset.done $0x0  }
0x143: {  	v11 =	vmov v5;
	[sflag:s13] =	ssyncadd.s32 $0xFFFFE600  }
.LBB2_8:
0x144: {  	s21 =	sshra.s32 s20, $0x2  }
0x145: {  	v12 =	vld [tilespmem:s21+$0x0];
	_ =	sdelay $0x4  }
0x146: {  	vm0 =	vge.s32 v12, v0;
	vm1 =	vlt.s32 v12, v2  }
0x147: {  	vm0 =	vmand vm0, vm1  }
0x148: {  	v13 =	vsel vm0, $0x1, v3  }
0x149: {  	(xrf0) =	vadd.scan.msk.s32 $0xffff, v13;
	_ =	sdelay $0x5  }
0x14a: {  	v13, _, _ =	vpop (xrf0)  }
0x14b: {  	v13 =	vadd.s32 v13, v10  }
0x14c: {  	v13 =	vadd.s32 $0xFFFFFFFF, v13  }
0x14d: {  	v13 =	vnsel vm0, $0x0, v13;
	_ =	sdelay $0x1  }
0x14e: {  	v12 =	vsub.s32 v12, v0  }
0x14f: {  	v12 =	vshll.u32 v12, $0xF  }
0x150: {  	v12 =	vor.u32 v11, v12  }
0x151: {  	[tilespmem:v13+s14+$0x0] =	vst.idx.msk vm0, v12  }
0x152: {  	v12 =	vld [tilespmem:s21+$0x10];
	_ =	sdelay $0x4  }
0x153: {  	vm11 =	vge.s32 v12, v0;
	vm2 =	vlt.s32 v12, v2  }
0x154: {  	vm1 =	vmand vm11, vm2  }
0x155: {  	v53 =	vsel vm1, $0x1, v3  }
0x156: {  	(xrf0) =	vadd.scan.msk.s32 $0xffff, v53;
	_ =	sdelay $0x3  }
0x157: {  	v54 =	vmpcnt.ones.xlane vm0;
	_ =	sdelay $0x1  }
0x158: {  	v10 =	vadd.s32 v10, v54;
	v55, _, _ =	vpop (xrf0)  }
0x159: {  	v13 =	vadd.s32 v55, v10  }
0x15a: {  	v13 =	vadd.s32 $0xFFFFFFFF, v13  }
0x15b: {  	v13 =	vnsel vm1, $0x0, v13;
	_ =	sdelay $0x1  }
0x15c: {  	v12 =	vsub.s32 v12, v0  }
0x15d: {  	v14 =	vadd.s32 $0x10, v11;
	v12 =	vshll.u32 v12, $0xF  }
0x15e: {  	v12 =	vor.u32 v14, v12  }
0x15f: {  	[tilespmem:v13+s14+$0x0] =	vst.idx.msk vm1, v12  }
0x160: {  	v12 =	vld [tilespmem:s21+$0x20];
	_ =	sdelay $0x4  }
0x161: {  	vm12 =	vge.s32 v12, v0;
	vm13 =	vlt.s32 v12, v2  }
0x162: {  	vm0 =	vmand vm12, vm13  }
0x163: {  	v56 =	vsel vm0, $0x1, v3  }
0x164: {  	(xrf0) =	vadd.scan.msk.s32 $0xffff, v56;
	_ =	sdelay $0x3  }
0x165: {  	v57 =	vmpcnt.ones.xlane vm1;
	_ =	sdelay $0x1  }
0x166: {  	v10 =	vadd.s32 v10, v57;
	v58, _, _ =	vpop (xrf0)  }
0x167: {  	v13 =	vadd.s32 v58, v10  }
0x168: {  	v13 =	vadd.s32 $0xFFFFFFFF, v13  }
0x169: {  	v13 =	vnsel vm0, $0x0, v13;
	_ =	sdelay $0x1  }
0x16a: {  	v12 =	vsub.s32 v12, v0  }
0x16b: {  	v59 =	vadd.s32 $0x20, v11;
	v12 =	vshll.u32 v12, $0xF  }
0x16c: {  	v12 =	vor.u32 v59, v12  }
0x16d: {  	[tilespmem:v13+s14+$0x0] =	vst.idx.msk vm0, v12  }
0x16e: {  	v12 =	vld [tilespmem:s21+$0x30];
	_ =	sdelay $0x4  }
0x16f: {  	vm14 =	vge.s32 v12, v0;
	vm15 =	vlt.s32 v12, v2  }
0x170: {  	vm1 =	vmand vm14, vm15  }
0x171: {  	v60 =	vsel vm1, $0x1, v3  }
0x172: {  	(xrf0) =	vadd.scan.msk.s32 $0xffff, v60;
	_ =	sdelay $0x3  }
0x173: {  	v61 =	vmpcnt.ones.xlane vm0;
	_ =	sdelay $0x1  }
0x174: {  	v10 =	vadd.s32 v10, v61;
	v62, _, _ =	vpop (xrf0)  }
0x175: {  	v13 =	vadd.s32 v62, v10  }
0x176: {  	v13 =	vadd.s32 $0xFFFFFFFF, v13  }
0x177: {  	p1 =	sne.s32 s20, $0x6700;
	v13 =	vnsel vm1, $0x0, v13  }
.Ltmp5:
0x178: {  	_ = 	snop;
	(pc) =	sbr.rel @p1 .LBB2_8-.Ltmp5, $4  }
0x179: {  	v12 =	vsub.s32 v12, v0  }
0x17a: {  	v63 =	vadd.s32 $0x30, v11;
	v12 =	vshll.u32 v12, $0xF;
	v15 =	vmpcnt.ones.xlane vm1  }
0x17b: {  	v12 =	vor.u32 v63, v12  }
0x17c: {  	s20 =	sadd.s32 $0x100, s20;
	v11 =	vadd.s32 $0x40, v11;
	v10 =	vadd.s32 v10, v15;
	[tilespmem:v13+s14+$0x0] =	vst.idx.msk vm1, v12  }
0x17d: {  	s20 =	simm.s32 $0x0  }
0x17e: {  	[tilespmem:s20], [sflag:$0x3] =	stream.linear.gather [hbm4b:s9+s20], $0x1A00, $0x38;
	[tilespmem:$0x1C300] =	vst v63  }
0x17f: {  	_ =	swait.ge [sflag:s13], $0x1A00  }
0x180: {  	[sflag:s13] =	ssyncset.done $0x0  }
0x181: {  	v11 =	vmov v6;
	[sflag:s13] =	ssyncadd.s32 $0xFFFFE600  }
.LBB2_10:
0x182: {  	s21 =	sshra.s32 s20, $0x2  }
0x183: {  	v12 =	vld [tilespmem:s21+$0x0];
	_ =	sdelay $0x4  }
0x184: {  	vm0 =	vge.s32 v12, v0;
	vm1 =	vlt.s32 v12, v2  }
0x185: {  	vm0 =	vmand vm0, vm1  }
0x186: {  	v13 =	vsel vm0, $0x1, v3  }
0x187: {  	(xrf0) =	vadd.scan.msk.s32 $0xffff, v13;
	_ =	sdelay $0x5  }
0x188: {  	v13, _, _ =	vpop (xrf0)  }
0x189: {  	v13 =	vadd.s32 v13, v10  }
0x18a: {  	v13 =	vadd.s32 $0xFFFFFFFF, v13  }
0x18b: {  	v13 =	vnsel vm0, $0x0, v13;
	_ =	sdelay $0x1  }
0x18c: {  	v12 =	vsub.s32 v12, v0  }
0x18d: {  	v12 =	vshll.u32 v12, $0xF  }
0x18e: {  	v12 =	vor.u32 v11, v12  }
0x18f: {  	[tilespmem:v13+s14+$0x0] =	vst.idx.msk vm0, v12  }
0x190: {  	v12 =	vld [tilespmem:s21+$0x10];
	_ =	sdelay $0x4  }
0x191: {  	vm11 =	vge.s32 v12, v0;
	vm2 =	vlt.s32 v12, v2  }
0x192: {  	vm1 =	vmand vm11, vm2  }
0x193: {  	v53 =	vsel vm1, $0x1, v3  }
0x194: {  	(xrf0) =	vadd.scan.msk.s32 $0xffff, v53;
	_ =	sdelay $0x3  }
0x195: {  	v54 =	vmpcnt.ones.xlane vm0;
	_ =	sdelay $0x1  }
0x196: {  	v10 =	vadd.s32 v10, v54;
	v55, _, _ =	vpop (xrf0)  }
0x197: {  	v13 =	vadd.s32 v55, v10  }
0x198: {  	v13 =	vadd.s32 $0xFFFFFFFF, v13  }
0x199: {  	v13 =	vnsel vm1, $0x0, v13;
	_ =	sdelay $0x1  }
0x19a: {  	v12 =	vsub.s32 v12, v0  }
0x19b: {  	v14 =	vadd.s32 $0x10, v11;
	v12 =	vshll.u32 v12, $0xF  }
0x19c: {  	v12 =	vor.u32 v14, v12  }
0x19d: {  	[tilespmem:v13+s14+$0x0] =	vst.idx.msk vm1, v12  }
0x19e: {  	v12 =	vld [tilespmem:s21+$0x20];
	_ =	sdelay $0x4  }
0x19f: {  	vm12 =	vge.s32 v12, v0;
	vm13 =	vlt.s32 v12, v2  }
0x1a0: {  	vm0 =	vmand vm12, vm13  }
0x1a1: {  	v56 =	vsel vm0, $0x1, v3  }
0x1a2: {  	(xrf0) =	vadd.scan.msk.s32 $0xffff, v56;
	_ =	sdelay $0x3  }
0x1a3: {  	v57 =	vmpcnt.ones.xlane vm1;
	_ =	sdelay $0x1  }
0x1a4: {  	v10 =	vadd.s32 v10, v57;
	v58, _, _ =	vpop (xrf0)  }
0x1a5: {  	v13 =	vadd.s32 v58, v10  }
0x1a6: {  	v13 =	vadd.s32 $0xFFFFFFFF, v13  }
0x1a7: {  	v13 =	vnsel vm0, $0x0, v13;
	_ =	sdelay $0x1  }
0x1a8: {  	v12 =	vsub.s32 v12, v0  }
0x1a9: {  	v59 =	vadd.s32 $0x20, v11;
	v12 =	vshll.u32 v12, $0xF  }
0x1aa: {  	v12 =	vor.u32 v59, v12  }
0x1ab: {  	[tilespmem:v13+s14+$0x0] =	vst.idx.msk vm0, v12  }
0x1ac: {  	v12 =	vld [tilespmem:s21+$0x30];
	_ =	sdelay $0x4  }
0x1ad: {  	vm14 =	vge.s32 v12, v0;
	vm15 =	vlt.s32 v12, v2  }
0x1ae: {  	vm1 =	vmand vm14, vm15  }
0x1af: {  	v60 =	vsel vm1, $0x1, v3  }
0x1b0: {  	(xrf0) =	vadd.scan.msk.s32 $0xffff, v60;
	_ =	sdelay $0x3  }
0x1b1: {  	v61 =	vmpcnt.ones.xlane vm0;
	_ =	sdelay $0x1  }
0x1b2: {  	v10 =	vadd.s32 v10, v61;
	v62, _, _ =	vpop (xrf0)  }
0x1b3: {  	v13 =	vadd.s32 v62, v10  }
0x1b4: {  	v13 =	vadd.s32 $0xFFFFFFFF, v13  }
0x1b5: {  	p1 =	sne.s32 s20, $0x6700;
	v13 =	vnsel vm1, $0x0, v13  }
.Ltmp6:
0x1b6: {  	_ = 	snop;
	(pc) =	sbr.rel @p1 .LBB2_10-.Ltmp6, $4  }
0x1b7: {  	v12 =	vsub.s32 v12, v0  }
0x1b8: {  	v63 =	vadd.s32 $0x30, v11;
	v12 =	vshll.u32 v12, $0xF;
	v15 =	vmpcnt.ones.xlane vm1  }
0x1b9: {  	v12 =	vor.u32 v63, v12  }
0x1ba: {  	s20 =	sadd.s32 $0x100, s20;
	v11 =	vadd.s32 $0x40, v11;
	v10 =	vadd.s32 v10, v15;
	[tilespmem:v13+s14+$0x0] =	vst.idx.msk vm1, v12  }
0x1bb: {  	(v2sf) =	vpush v10, $0x0;
	_ =	sdelay $0xe  }
0x1bc: {  	s20 =	spop (v2sf)  }
0x1bd: {  	s21 =	sand.u32 $0xFFFFFFF0, s20  }
0x1be: {  	v10 =	vld [tilespmem:s21+$0x1A00];
	_ =	sdelay $0x1  }
.Ltmp7:
0x1bf: {  	s22 =	sand.u32 $0xF, s20;
	(pc) =	sbr.rel .LBB2_12-.Ltmp7, $4  }
0x1c0: {  	v11 =	vmov s22  }
0x1c1: {  	v9 =	vsub.f32 $1.000000000e+00, v9;
	s20 =	sadd.s32 $0x1F, s20;
	[tilespmem:s21+$0x1A10] =	vst v7;
	vm0 =	vgt.u32 v11, v1  }
0x1c2: {  	s20 =	sshra.s32 s20, $0x5;
	[tilespmem:s21+$0x1A20] =	vst v7;
	v10 =	vnsel vm0, $0x40000000, v10  }
0x1c3: {  	v9 =	vadd.f32 v8, v9;
	p1 =	slt.s32 s20, $0x1;
	p2 =	sgt.s32 s20, $0x0;
	[tilespmem:s21+$0x1A00] =	vst v10;
	s21 =	simm.s32 $0x0  }
.LBB2_21:
0x1c4: {  	s23 =	sadd.s32 $0x28, s22  }
.LBB2_28:
0x1c5: {  	s21 =	sadd.s32 $0x1, s21  }
0x1c6: {  	p3 =	sne.s32 s21, $0x27  }
.Ltmp8:
0x1c7: {  	_ = 	snop;
	(pc) =	sbr.rel @!p3 .LBB2_29-.Ltmp8, $4  }
0x1c8: {  	s22 =	sadd.s32 s6, s23  }
0x1c9: {  	s22 =	sshll.u32 s22, $0x7  }
0x1ca: {  	s22 =	sadd.s32 s2, s22  }
0x1cb: {  	[hbm4b:s22+s3] =	stream.linear.scatter [tilespmem:s16], [sflag:$0x2], $0xA000, $0x38;
	[tilespmem:$0x1C300] =	vst v63  }
.LBB2_12:
0x1cc: {  	p3 =	seq.s32 s21, $0x0  }
.Ltmp9:
0x1cd: {  	_ = 	snop;
	(pc) =	sbr.rel @p3 .LBB2_16-.Ltmp9, $2  }
0x1ce: {  	_ =	sdelay $0x1  }
0x1cf: {  	s22 =	smul.u32 $0x50, s21;
	_ =	sdelay $0x1  }
.Ltmp10:
0x1d0: {  	(pc) =	sbr.rel @p1 .LBB2_19-.Ltmp10, $4  }
0x1d1: {  	_ = 	snop  }
0x1d2: {  	_ =	swait.ge [sflag:s17], $0xA000  }
0x1d3: {  	[sflag:s17] =	ssyncset.done $0x0  }
0x1d4: {  	[sflag:s17] =	ssyncadd.s32 $0xFFFF6000  }
0x1d5: {  	s23 =	sadd.s32 $0xFFFFFFB0, s22;
	s24 =	sadd.s32 $0xFFFFFFD8, s22  }
0x1d6: {  	v10 =	vmov s23;
	v11 =	vmov s24;
	s23 =	simm.s32 $0x1A10;
	s24 =	smov.u32 s20  }
.LBB2_15:
0x1d7: {  	v12 =	vld [tilespmem:s23+$0xFFFFFFF0];
	_ =	sdelay $0x4  }
0x1d8: {  	v13 =	vshra.s32 v12, $0xF  }
0x1d9: {  	v12 =	vand.u32 $0x7FFF, v12;
	vm0 =	vge.s32 v13, v10;
	vm1 =	vlt.s32 v13, v11  }
0x1da: {  	v12 =	vmul.u32 $0x4EC5, v12;
	v13 =	vsub.s32 v13, v10;
	vm0 =	vmand vm0, vm1  }
0x1db: {  	v13 =	vnsel vm0, $0x0, v13  }
0x1dc: {  	v15 =	vshrl.u32 v12, $0x10;
	v14 =	vshll.u32 v13, $0xA  }
0x1dd: {  	v15 =	vand.u32 $0x3C00, v15;
	v13 =	vshll.u32 v13, $0x7;
	v14 =	vand.u32 $0xFFFFE000, v14  }
0x1de: {  	v12 =	vshrl.u32 v12, $0x13;
	v13 =	vand.u32 $0x380, v13;
	v14 =	vadd.s32 v15, v14  }
0x1df: {  	v12 =	vand.u32 $0x7F, v12;
	v13 =	vor.u32 v13, v14  }
0x1e0: {  	v12 =	vor.u32 v12, v13;
	_ =	sdelay $0x4  }
0x1e1: {  	[tilespmem:v12+s15+$0x0] =	vst.idx.msk vm0, v8  }
0x1e2: {  	v12 =	vld [tilespmem:s23+$0x0];
	_ =	sdelay $0x4  }
0x1e3: {  	v61 =	vshra.s32 v12, $0xF  }
0x1e4: {  	v12 =	vand.u32 $0x7FFF, v12;
	vm14 =	vge.s32 v61, v10;
	vm15 =	vlt.s32 v61, v11  }
0x1e5: {  	v12 =	vmul.u32 $0x4EC5, v12;
	v13 =	vsub.s32 v61, v10;
	vm0 =	vmand vm14, vm15  }
0x1e6: {  	v13 =	vnsel vm0, $0x0, v13  }
0x1e7: {  	v63 =	vshrl.u32 v12, $0x10;
	v62 =	vshll.u32 v13, $0xA  }
0x1e8: {  	v15 =	vand.u32 $0x3C00, v63;
	v13 =	vshll.u32 v13, $0x7;
	v14 =	vand.u32 $0xFFFFE000, v62  }
0x1e9: {  	v12 =	vshrl.u32 v12, $0x13;
	v13 =	vand.u32 $0x380, v13;
	v14 =	vadd.s32 v15, v14  }
0x1ea: {  	v12 =	vand.u32 $0x7F, v12;
	v13 =	vor.u32 v13, v14  }
0x1eb: {  	p4 =	seq.s32 s24, $0x1;
	v12 =	vor.u32 v12, v13  }
.Ltmp11:
0x1ec: {  	_ = 	snop;
	(pc) =	sbr.rel @!p4 .LBB2_15-.Ltmp11, $2  }
0x1ed: {  	_ =	sdelay $0x2  }
0x1ee: {  	s24 =	sadd.s32 $0xFFFFFFFF, s24;
	s23 =	sadd.s32 $0x20, s23;
	[tilespmem:v12+s15+$0x0] =	vst.idx.msk vm0, v8  }
.Ltmp12:
0x1ef: {  	_ = 	snop;
	(pc) =	sbr.rel .LBB2_17-.Ltmp12, $1  }
0x1f0: {  	_ =	sdelay $0x3  }
.LBB2_16:
.Ltmp13:
0x1f1: {  	(pc) =	sbr.rel @p1 .LBB2_19-.Ltmp13, $1  }
0x1f2: {  	_ =	sdelay $0x3  }
.LBB2_17:
0x1f3: {  	s23 =	sadd.s32 $0x28, s22  }
0x1f4: {  	v10 =	vmov s22;
	s24 =	smov.u32 s20;
	v11 =	vmov s23;
	s23 =	simm.s32 $0x1A10  }
.LBB2_18:
0x1f5: {  	v12 =	vld [tilespmem:s23+$0xFFFFFFF0];
	_ =	sdelay $0x4  }
0x1f6: {  	v13 =	vshra.s32 v12, $0xF  }
0x1f7: {  	v12 =	vand.u32 $0x7FFF, v12;
	vm0 =	vge.s32 v13, v10;
	vm1 =	vlt.s32 v13, v11  }
0x1f8: {  	v12 =	vmul.u32 $0x4EC5, v12;
	v13 =	vsub.s32 v13, v10;
	vm0 =	vmand vm0, vm1  }
0x1f9: {  	v13 =	vnsel vm0, $0x0, v13  }
0x1fa: {  	v15 =	vshrl.u32 v12, $0x10;
	v14 =	vshll.u32 v13, $0xA  }
0x1fb: {  	v15 =	vand.u32 $0x3C00, v15;
	v13 =	vshll.u32 v13, $0x7;
	v14 =	vand.u32 $0xFFFFE000, v14  }
0x1fc: {  	v12 =	vshrl.u32 v12, $0x13;
	v13 =	vand.u32 $0x380, v13;
	v14 =	vadd.s32 v15, v14  }
0x1fd: {  	v12 =	vand.u32 $0x7F, v12;
	v13 =	vor.u32 v13, v14  }
0x1fe: {  	v12 =	vor.u32 v12, v13;
	_ =	sdelay $0x4  }
0x1ff: {  	[tilespmem:v12+s15+$0x0] =	vst.idx.msk vm0, v9  }
0x200: {  	v12 =	vld [tilespmem:s23+$0x0];
	_ =	sdelay $0x4  }
0x201: {  	v61 =	vshra.s32 v12, $0xF  }
0x202: {  	v12 =	vand.u32 $0x7FFF, v12;
	vm14 =	vge.s32 v61, v10;
	vm15 =	vlt.s32 v61, v11  }
0x203: {  	v12 =	vmul.u32 $0x4EC5, v12;
	v13 =	vsub.s32 v61, v10;
	vm0 =	vmand vm14, vm15  }
0x204: {  	v13 =	vnsel vm0, $0x0, v13  }
0x205: {  	v63 =	vshrl.u32 v12, $0x10;
	v62 =	vshll.u32 v13, $0xA  }
0x206: {  	v15 =	vand.u32 $0x3C00, v63;
	v13 =	vshll.u32 v13, $0x7;
	v14 =	vand.u32 $0xFFFFE000, v62  }
0x207: {  	v12 =	vshrl.u32 v12, $0x13;
	v13 =	vand.u32 $0x380, v13;
	v14 =	vadd.s32 v15, v14  }
0x208: {  	v12 =	vand.u32 $0x7F, v12;
	v13 =	vor.u32 v13, v14  }
0x209: {  	p4 =	sne.s32 s24, $0x1;
	v12 =	vor.u32 v12, v13  }
.Ltmp14:
0x20a: {  	_ = 	snop;
	(pc) =	sbr.rel @p4 .LBB2_18-.Ltmp14, $2  }
0x20b: {  	_ =	sdelay $0x2  }
0x20c: {  	s24 =	sadd.s32 $0xFFFFFFFF, s24;
	s23 =	sadd.s32 $0x20, s23;
	[tilespmem:v12+s15+$0x0] =	vst.idx.msk vm0, v9  }
.LBB2_19:
.Ltmp15:
0x20d: {  	(pc) =	sbr.rel @p3 .LBB2_25-.Ltmp15, $4  }
0x20e: {  	s23 =	sadd.s32 s6, s22  }
0x20f: {  	s23 =	sshll.u32 s23, $0x7  }
0x210: {  	s23 =	sadd.s32 s2, s23  }
0x211: {  	[hbm4b:s23+s3] =	stream.linear.scatter [tilespmem:s15], [sflag:$0x1], $0xA000, $0x38;
	[tilespmem:$0x1C300] =	vst v63  }
.Ltmp16:
0x212: {  	(pc) =	sbr.rel @!p2 .LBB2_21-.Ltmp16, $4  }
0x213: {  	_ = 	snop  }
0x214: {  	_ =	swait.ge [sflag:s18], $0xA000  }
0x215: {  	[sflag:s18] =	ssyncset.done $0x0  }
0x216: {  	[sflag:s18] =	ssyncadd.s32 $0xFFFF6000  }
0x217: {  	s23 =	sadd.s32 $0xFFFFFFD8, s22  }
0x218: {  	v11 =	vmov s22;
	s24 =	smov.u32 s20;
	v10 =	vmov s23;
	s23 =	simm.s32 $0x1A10  }
.LBB2_23:
0x219: {  	v12 =	vld [tilespmem:s23+$0xFFFFFFF0];
	_ =	sdelay $0x4  }
0x21a: {  	v13 =	vshra.s32 v12, $0xF  }
0x21b: {  	v12 =	vand.u32 $0x7FFF, v12;
	vm0 =	vge.s32 v13, v10;
	vm1 =	vlt.s32 v13, v11  }
0x21c: {  	v12 =	vmul.u32 $0x4EC5, v12;
	v13 =	vsub.s32 v13, v10;
	vm0 =	vmand vm0, vm1  }
0x21d: {  	v13 =	vnsel vm0, $0x0, v13  }
0x21e: {  	v15 =	vshrl.u32 v12, $0x10;
	v14 =	vshll.u32 v13, $0xA  }
0x21f: {  	v15 =	vand.u32 $0x3C00, v15;
	v13 =	vshll.u32 v13, $0x7;
	v14 =	vand.u32 $0xFFFFE000, v14  }
0x220: {  	v12 =	vshrl.u32 v12, $0x13;
	v13 =	vand.u32 $0x380, v13;
	v14 =	vadd.s32 v15, v14  }
0x221: {  	v12 =	vand.u32 $0x7F, v12;
	v13 =	vor.u32 v13, v14  }
0x222: {  	v12 =	vor.u32 v12, v13;
	_ =	sdelay $0x4  }
0x223: {  	[tilespmem:v12+s16+$0x0] =	vst.idx.msk vm0, v8  }
0x224: {  	v12 =	vld [tilespmem:s23+$0x0];
	_ =	sdelay $0x4  }
0x225: {  	v61 =	vshra.s32 v12, $0xF  }
0x226: {  	v12 =	vand.u32 $0x7FFF, v12;
	vm14 =	vge.s32 v61, v10;
	vm15 =	vlt.s32 v61, v11  }
0x227: {  	v12 =	vmul.u32 $0x4EC5, v12;
	v13 =	vsub.s32 v61, v10;
	vm0 =	vmand vm14, vm15  }
0x228: {  	v13 =	vnsel vm0, $0x0, v13  }
0x229: {  	v63 =	vshrl.u32 v12, $0x10;
	v62 =	vshll.u32 v13, $0xA  }
0x22a: {  	v15 =	vand.u32 $0x3C00, v63;
	v13 =	vshll.u32 v13, $0x7;
	v14 =	vand.u32 $0xFFFFE000, v62  }
0x22b: {  	v12 =	vshrl.u32 v12, $0x13;
	v13 =	vand.u32 $0x380, v13;
	v14 =	vadd.s32 v15, v14  }
0x22c: {  	v12 =	vand.u32 $0x7F, v12;
	v13 =	vor.u32 v13, v14  }
0x22d: {  	p3 =	sne.s32 s24, $0x1;
	v12 =	vor.u32 v12, v13  }
.Ltmp17:
0x22e: {  	_ = 	snop;
	(pc) =	sbr.rel @p3 .LBB2_23-.Ltmp17, $2  }
0x22f: {  	_ =	sdelay $0x2  }
0x230: {  	s24 =	sadd.s32 $0xFFFFFFFF, s24;
	s23 =	sadd.s32 $0x20, s23;
	[tilespmem:v12+s16+$0x0] =	vst.idx.msk vm0, v8  }
.Ltmp18:
0x231: {  	(pc) =	sbr.rel .LBB2_26-.Ltmp18, $2  }
0x232: {  	_ =	sdelay $0x2  }
0x233: {  	s23 =	sadd.s32 $0x28, s22  }
.LBB2_25:
.Ltmp19:
0x234: {  	(pc) =	sbr.rel @p1 .LBB2_28-.Ltmp19, $2  }
0x235: {  	_ =	sdelay $0x2  }
0x236: {  	s23 =	sadd.s32 $0x28, s22  }
.LBB2_26:
0x237: {  	s22 =	sadd.s32 $0x50, s22  }
0x238: {  	v10 =	vmov s23;
	s24 =	smov.u32 s20;
	v11 =	vmov s22;
	s22 =	simm.s32 $0x1A10  }
.LBB2_27:
0x239: {  	v12 =	vld [tilespmem:s22+$0xFFFFFFF0];
	_ =	sdelay $0x4  }
0x23a: {  	v13 =	vshra.s32 v12, $0xF  }
0x23b: {  	v12 =	vand.u32 $0x7FFF, v12;
	vm0 =	vge.s32 v13, v10;
	vm1 =	vlt.s32 v13, v11  }
0x23c: {  	v12 =	vmul.u32 $0x4EC5, v12;
	v13 =	vsub.s32 v13, v10;
	vm0 =	vmand vm0, vm1  }
0x23d: {  	v13 =	vnsel vm0, $0x0, v13  }
0x23e: {  	v15 =	vshrl.u32 v12, $0x10;
	v14 =	vshll.u32 v13, $0xA  }
0x23f: {  	v15 =	vand.u32 $0x3C00, v15;
	v13 =	vshll.u32 v13, $0x7;
	v14 =	vand.u32 $0xFFFFE000, v14  }
0x240: {  	v12 =	vshrl.u32 v12, $0x13;
	v13 =	vand.u32 $0x380, v13;
	v14 =	vadd.s32 v15, v14  }
0x241: {  	v12 =	vand.u32 $0x7F, v12;
	v13 =	vor.u32 v13, v14  }
0x242: {  	v12 =	vor.u32 v12, v13;
	_ =	sdelay $0x4  }
0x243: {  	[tilespmem:v12+s16+$0x0] =	vst.idx.msk vm0, v9  }
0x244: {  	v12 =	vld [tilespmem:s22+$0x0];
	_ =	sdelay $0x4  }
0x245: {  	v61 =	vshra.s32 v12, $0xF  }
0x246: {  	v12 =	vand.u32 $0x7FFF, v12;
	vm14 =	vge.s32 v61, v10;
	vm15 =	vlt.s32 v61, v11  }
0x247: {  	v12 =	vmul.u32 $0x4EC5, v12;
	v13 =	vsub.s32 v61, v10;
	vm0 =	vmand vm14, vm15  }
0x248: {  	v13 =	vnsel vm0, $0x0, v13  }
0x249: {  	v63 =	vshrl.u32 v12, $0x10;
	v62 =	vshll.u32 v13, $0xA  }
0x24a: {  	v15 =	vand.u32 $0x3C00, v63;
	v13 =	vshll.u32 v13, $0x7;
	v14 =	vand.u32 $0xFFFFE000, v62  }
0x24b: {  	v12 =	vshrl.u32 v12, $0x13;
	v13 =	vand.u32 $0x380, v13;
	v14 =	vadd.s32 v15, v14  }
0x24c: {  	v12 =	vand.u32 $0x7F, v12;
	v13 =	vor.u32 v13, v14  }
0x24d: {  	p3 =	sne.s32 s24, $0x1;
	v12 =	vor.u32 v12, v13  }
.Ltmp20:
0x24e: {  	_ = 	snop;
	(pc) =	sbr.rel @p3 .LBB2_27-.Ltmp20, $2  }
0x24f: {  	_ =	sdelay $0x2  }
0x250: {  	s24 =	sadd.s32 $0xFFFFFFFF, s24;
	s22 =	sadd.s32 $0x20, s22;
	[tilespmem:v12+s16+$0x0] =	vst.idx.msk vm0, v9  }
.Ltmp21:
0x251: {  	_ = 	snop;
	(pc) =	sbr.rel .LBB2_28-.Ltmp21, $1  }
0x252: {  	_ =	sdelay $0x3  }
.LBB2_29:
.Ltmp22:
0x253: {  	(pc) =	sbr.rel @p0 .LBB2_34-.Ltmp22, $4  }
0x254: {  	_ = 	snop  }
0x255: {  	_ =	swait.ge [sflag:s17], $0xA000  }
0x256: {  	[sflag:s17] =	ssyncset.done $0x0  }
0x257: {  	[sflag:s17] =	ssyncadd.s32 $0xFFFF6000  }
.Ltmp23:
0x258: {  	(pc) =	sbr.rel @p1 .LBB2_33-.Ltmp23, $2  }
0x259: {  	_ =	sdelay $0x2  }
0x25a: {  	s21 =	simm.s32 $0x1A10;
	s22 =	simm.s32 $0x1A10;
	s23 =	smov.u32 s20  }
.LBB2_31:
0x25b: {  	v10 =	vld [tilespmem:s22+$0xFFFFFFF0];
	_ =	sdelay $0x4  }
0x25c: {  	v11 =	vshra.s32 v10, $0xF  }
0x25d: {  	v10 =	vand.u32 $0x7FFF, v10;
	v11 =	vadd.s32 $0xFFFFF420, v11  }
0x25e: {  	v10 =	vmul.u32 $0x4EC5, v10;
	vm0 =	vlt.u32 v11, $0x28  }
0x25f: {  	v11 =	vnsel vm0, $0x0, v11  }
0x260: {  	v13 =	vshrl.u32 v10, $0x10;
	v12 =	vshll.u32 v11, $0xA  }
0x261: {  	v13 =	vand.u32 $0x3C00, v13;
	v11 =	vshll.u32 v11, $0x7;
	v12 =	vand.u32 $0xFFFFE000, v12  }
0x262: {  	v10 =	vshrl.u32 v10, $0x13;
	v11 =	vand.u32 $0x380, v11;
	v12 =	vadd.s32 v13, v12  }
0x263: {  	v10 =	vand.u32 $0x7F, v10;
	v11 =	vor.u32 v11, v12  }
0x264: {  	v10 =	vor.u32 v10, v11;
	_ =	sdelay $0x4  }
0x265: {  	[tilespmem:v10+s15+$0x0] =	vst.idx.msk vm0, v8  }
0x266: {  	v10 =	vld [tilespmem:s22+$0x0];
	_ =	sdelay $0x4  }
0x267: {  	v11 =	vshra.s32 v10, $0xF  }
0x268: {  	v10 =	vand.u32 $0x7FFF, v10;
	v11 =	vadd.s32 $0xFFFFF420, v11  }
0x269: {  	v10 =	vmul.u32 $0x4EC5, v10;
	vm15 =	vlt.u32 v11, $0x28  }
0x26a: {  	v11 =	vnsel vm15, $0x0, v11  }
0x26b: {  	v63 =	vshrl.u32 v10, $0x10;
	v62 =	vshll.u32 v11, $0xA  }
0x26c: {  	v13 =	vand.u32 $0x3C00, v63;
	v11 =	vshll.u32 v11, $0x7;
	v12 =	vand.u32 $0xFFFFE000, v62  }
0x26d: {  	v10 =	vshrl.u32 v10, $0x13;
	v11 =	vand.u32 $0x380, v11;
	v12 =	vadd.s32 v13, v12  }
0x26e: {  	v10 =	vand.u32 $0x7F, v10;
	v11 =	vor.u32 v11, v12  }
0x26f: {  	p1 =	sne.s32 s23, $0x1;
	v10 =	vor.u32 v10, v11  }
.Ltmp24:
0x270: {  	_ = 	snop;
	(pc) =	sbr.rel @p1 .LBB2_31-.Ltmp24, $2  }
0x271: {  	_ =	sdelay $0x2  }
0x272: {  	s23 =	sadd.s32 $0xFFFFFFFF, s23;
	s22 =	sadd.s32 $0x20, s22;
	[tilespmem:v10+s15+$0x0] =	vst.idx.msk vm15, v8  }
.LBB2_32:
0x273: {  	v8 =	vld [tilespmem:s21+$0xFFFFFFF0];
	_ =	sdelay $0x4  }
0x274: {  	v10 =	vshra.s32 v8, $0xF  }
0x275: {  	v8 =	vand.u32 $0x7FFF, v8;
	v10 =	vadd.s32 $0xFFFFF3D0, v10  }
0x276: {  	v8 =	vmul.u32 $0x4EC5, v8;
	vm0 =	vlt.u32 v10, $0x28  }
0x277: {  	v10 =	vnsel vm0, $0x0, v10  }
0x278: {  	v12 =	vshrl.u32 v8, $0x10;
	v11 =	vshll.u32 v10, $0xA  }
0x279: {  	v12 =	vand.u32 $0x3C00, v12;
	v10 =	vshll.u32 v10, $0x7;
	v11 =	vand.u32 $0xFFFFE000, v11  }
0x27a: {  	v8 =	vshrl.u32 v8, $0x13;
	v10 =	vand.u32 $0x380, v10;
	v11 =	vadd.s32 v12, v11  }
0x27b: {  	v8 =	vand.u32 $0x7F, v8;
	v10 =	vor.u32 v10, v11  }
0x27c: {  	v8 =	vor.u32 v8, v10;
	_ =	sdelay $0x4  }
0x27d: {  	[tilespmem:v8+s15+$0x0] =	vst.idx.msk vm0, v9  }
0x27e: {  	v8 =	vld [tilespmem:s21+$0x0];
	_ =	sdelay $0x4  }
0x27f: {  	v10 =	vshra.s32 v8, $0xF  }
0x280: {  	v8 =	vand.u32 $0x7FFF, v8;
	v10 =	vadd.s32 $0xFFFFF3D0, v10  }
0x281: {  	v8 =	vmul.u32 $0x4EC5, v8;
	vm15 =	vlt.u32 v10, $0x28  }
0x282: {  	v10 =	vnsel vm15, $0x0, v10  }
0x283: {  	v63 =	vshrl.u32 v8, $0x10;
	v11 =	vshll.u32 v10, $0xA  }
0x284: {  	v12 =	vand.u32 $0x3C00, v63;
	v10 =	vshll.u32 v10, $0x7;
	v11 =	vand.u32 $0xFFFFE000, v11  }
0x285: {  	v8 =	vshrl.u32 v8, $0x13;
	v10 =	vand.u32 $0x380, v10;
	v11 =	vadd.s32 v12, v11  }
0x286: {  	v8 =	vand.u32 $0x7F, v8;
	v10 =	vor.u32 v10, v11  }
0x287: {  	p1 =	sne.s32 s20, $0x1;
	v8 =	vor.u32 v8, v10  }
.Ltmp25:
0x288: {  	_ = 	snop;
	(pc) =	sbr.rel @p1 .LBB2_32-.Ltmp25, $2  }
0x289: {  	_ =	sdelay $0x2  }
0x28a: {  	s20 =	sadd.s32 $0xFFFFFFFF, s20;
	s21 =	sadd.s32 $0x20, s21;
	[tilespmem:v8+s15+$0x0] =	vst.idx.msk vm15, v9  }
.Ltmp26:
0x28b: {  	_ = 	snop;
	(pc) =	sbr.rel .LBB2_33-.Ltmp26, $1  }
0x28c: {  	_ =	sdelay $0x3  }
.LBB2_35:
0x28d: {  	_ =	sfence.sel $0x180000  }
0x28e: {  	[bflag:$0x0] =	sbarrier.arrive $0xFFFF  }
0x28f: {  	p0 =	sne.s32 s1, $0x0;
	_ =	strace $0x90000047  }
0x290: {  	s0 =	sadd.s32 @!p0 $0x100000, s0;
	[bflag:$0x2] =	sbarrier.arrive $0xFFFF  }
0x291: {  	[sflag:s0] =	ssyncadd.tile.s32 @!p0 $0x1;
	_ =	shalt  }
.Lfunc_end2:
_tile_overlayer_lowered:
.L_overlay_start_2:
0x292: {  	(tag) =	ssettag $0x2  }
0x293: {  	s0 =	rddreg [dreg:$0x0];
	s2 =	stileid.u32  }
0x294: {  	s1 =	rddreg [dreg:$0x1];
	p0 =	sne.s32 s2, $0x0  }
0x295: {  	s3 =	rddreg [dreg:$0x2];
	[bflag:$0x3] =	sbarrier.arrive $0xFFFF;
	s2 =	simm.s32 @!p0 $0x1C03  }
0x296: {  	[timem:s3], [sflag:s2] =	dma.local @!p0 [hbm:s0], s1  }
0x297: {  	s0 =	simm.s32 @!p0 $0x3  }
0x298: {  	_ =	swait.ge @!p0 [sflag:s0], s1  }
0x299: {  	s1 =	ssub.s32 @!p0 $0x0, s1;
	[sflag:s0] =	ssyncset.done @!p0 $0x0  }
0x29a: {  	[sflag:s0] =	ssyncadd.s32 @!p0 s1  }
0x29b: {  	[bflag:$0x3] =	sbarrier.arrive $0xFFFF  }
0x29c: {  	_ =	shalt  }

</sc_bundles>
